<compile_context>
chip_gen: v7x
topology: tpu7x:2x2x1
jax: 0.10.2.dev20260603
libtpu: 0.0.44.dev20260713+nightly
codegen_flags: <defaults>
</compile_context>

<pallas_src>
import functools

import jax
import jax.numpy as jnp
from jax import lax
from jax.experimental import pallas as pl
from jax.experimental.pallas import tpu as pltpu
from jax.experimental.pallas import tpu_sc as plsc

NC = 2
NS = 16
NW = NC * NS
BPW = 128
NBUF = 10


def _build(B, D, seq):
    b_per_w = BPW * seq
    niter = seq // NBUF
    mesh = plsc.VectorSubcoreMesh(
        core_axis_name="c", subcore_axis_name="s",
        num_cores=NC, num_subcores=NS)

    @functools.partial(
        pl.kernel,
        out_type=(jax.ShapeDtypeStruct((B, D), jnp.float32),
                  jax.ShapeDtypeStruct((B, D), jnp.float32)),
        mesh=mesh,
        scratch_types=[
            pltpu.VMEM((seq, BPW), jnp.int32),
            pltpu.VMEM((seq, BPW), jnp.int32),
            pltpu.VMEM((seq, BPW), jnp.int32),
            pltpu.VMEM((NBUF, BPW, D), jnp.float32),
        ] + [pltpu.SemaphoreType.DMA] * (2 * NBUF),
        compiler_params=pltpu.CompilerParams(use_tc_tiling_on_sc=False),
    )
    def k(src_t, trg_t, sidx, tidx, out_s, out_t, stg_s, stg_t, oidx, buf,
          *sems):
        gsem = sems[:NBUF]
        ssem = sems[NBUF:]
        wid = lax.axis_index("s") * NC + lax.axis_index("c")
        base = wid * b_per_w
        lane_seq = lax.iota(jnp.int32, 16) * seq

        pltpu.sync_copy(sidx.at[:, pl.ds(wid * BPW, BPW)], stg_s)
        pltpu.sync_copy(tidx.at[:, pl.ds(wid * BPW, BPW)], stg_t)

        def oidx_body(s, carry):
            for ib in range(BPW // 16):
                oidx[s, pl.ds(ib * 16, 16)] = (
                    lane_seq + (base + ib * 16 * seq + s))
            return carry
        lax.fori_loop(0, seq, oidx_body, 0)

        def issue_chunk(table, stg, s, b):
            pltpu.async_copy(table.at[stg.at[s]], buf.at[b], gsem[b])

        def wait_gather(table, b):
            pltpu.make_async_copy(
                table.at[pl.ds(0, BPW)], buf.at[b], gsem[b]).wait()

        def wait_scatter(out, b):
            pltpu.make_async_copy(
                buf.at[b], out.at[pl.ds(0, BPW)], ssem[b]).wait()

        def run_table(table, stg, out, drain_prev):
            for b in range(NBUF):
                if drain_prev:
                    wait_scatter(out, b)
                issue_chunk(table, stg, b, b)

            def body(i, carry):
                for b in range(NBUF):
                    s = i * NBUF + b
                    wait_gather(table, b)
                    pltpu.async_copy(buf.at[b], out.at[oidx.at[s]], ssem[b])

                    @pl.when(i < niter - 1)
                    def _():
                        wait_scatter(out, b)
                        issue_chunk(table, stg, s + NBUF, b)
                return carry
            lax.fori_loop(0, niter, body, 0)

        run_table(src_t, stg_s, out_s, False)
        run_table(trg_t, stg_t, out_t, True)
        for b in range(NBUF):
            wait_scatter(out_t, b)

    return k


def kernel(src_table, trg_table, src_indices, trg_indices):
    batch, seq = src_indices.shape
    D = src_table.shape[1]
    B = batch * seq
    sidx = src_indices.T.astype(jnp.int32)
    tidx = trg_indices.T.astype(jnp.int32)
    out_s, out_t = _build(B, D, seq)(src_table, trg_table, sidx, tidx)
    return (out_s.reshape(batch, seq, D), out_t.reshape(batch, seq, D))

# --- scband reference (transcript-rebuilt; emitter-appended) ---
"""Pipeline reference for scband-transformer-model-28063316312172 (READ-ONLY COPY).

The authoritative reference and input builder live on the scoring server;
editing this copy changes nothing except your own understanding.
"""

import jax, jax.numpy as jnp
import numpy as np

VOCAB_SRC = 1000000
VOCAB_TRG = 1000000
EMBED_DIM = 64
BATCH = 4096
SEQ = 50

def setup_inputs(seed: int = 0) -> dict:
    key = jax.random.key(seed)
    k1, k2, k3, k4 = jax.random.split(key, 4)
    src_table = jax.random.normal(k1, (VOCAB_SRC, EMBED_DIM), dtype=jnp.float32)
    trg_table = jax.random.normal(k2, (VOCAB_TRG, EMBED_DIM), dtype=jnp.float32)
    src_indices = jax.random.randint(k3, (BATCH, SEQ), 0, VOCAB_SRC, dtype=jnp.int64 if jax.config.jax_enable_x64 else jnp.int32)
    trg_indices = jax.random.randint(k4, (BATCH, SEQ), 0, VOCAB_TRG, dtype=jnp.int64 if jax.config.jax_enable_x64 else jnp.int32)
    return {"src_table": src_table, "trg_table": trg_table, "src_indices": src_indices, "trg_indices": trg_indices}

def reference(src_table, trg_table, src_indices, trg_indices):
    # Faithful translation: nn.Embedding lookup for source and target token index tensors.
    # (The original forward converts token strings to indices via vocab dicts; here the
    # index tensors are supplied directly, which is the tensor-level computation.)
    src_embedded = jnp.take(src_table, src_indices, axis=0)
    trg_embedded = jnp.take(trg_table, trg_indices, axis=0)
    return (src_embedded, trg_embedded)

if __name__ == "__main__":
    import jax
    _d = setup_inputs()
    print(jax.jit(kernel)(*tuple(_d.values())))

</pallas_src>

<mosaic_0001>
#map = affine_map<(d0, d1) -> (0, 0)>
module attributes {stable_mosaic.version = 14 : i64} {
  func.func @k(%arg0: i32, %arg1: i32, %arg2: memref<1000000x64xf32, #tpu.memory_space<hbm>>, %arg3: memref<1000000x64xf32, #tpu.memory_space<hbm>>, %arg4: memref<50x4096xi32, #tpu.memory_space<hbm>>, %arg5: memref<50x4096xi32, #tpu.memory_space<hbm>>, %arg6: memref<204800x64xf32, #tpu.memory_space<hbm>>, %arg7: memref<204800x64xf32, #tpu.memory_space<hbm>>, %arg8: memref<50x128xi32, #tpu.memory_space<vmem>>, %arg9: memref<50x128xi32, #tpu.memory_space<vmem>>, %arg10: memref<50x128xi32, #tpu.memory_space<vmem>>, %arg11: memref<10x128x64xf32, #tpu.memory_space<vmem>>, %arg12: memref<!tpu.dma_semaphore, #tpu.memory_space<semaphore_mem>>, %arg13: memref<!tpu.dma_semaphore, #tpu.memory_space<semaphore_mem>>, %arg14: memref<!tpu.dma_semaphore, #tpu.memory_space<semaphore_mem>>, %arg15: memref<!tpu.dma_semaphore, #tpu.memory_space<semaphore_mem>>, %arg16: memref<!tpu.dma_semaphore, #tpu.memory_space<semaphore_mem>>, %arg17: memref<!tpu.dma_semaphore, #tpu.memory_space<semaphore_mem>>, %arg18: memref<!tpu.dma_semaphore, #tpu.memory_space<semaphore_mem>>, %arg19: memref<!tpu.dma_semaphore, #tpu.memory_space<semaphore_mem>>, %arg20: memref<!tpu.dma_semaphore, #tpu.memory_space<semaphore_mem>>, %arg21: memref<!tpu.dma_semaphore, #tpu.memory_space<semaphore_mem>>, %arg22: memref<!tpu.dma_semaphore, #tpu.memory_space<semaphore_mem>>, %arg23: memref<!tpu.dma_semaphore, #tpu.memory_space<semaphore_mem>>, %arg24: memref<!tpu.dma_semaphore, #tpu.memory_space<semaphore_mem>>, %arg25: memref<!tpu.dma_semaphore, #tpu.memory_space<semaphore_mem>>, %arg26: memref<!tpu.dma_semaphore, #tpu.memory_space<semaphore_mem>>, %arg27: memref<!tpu.dma_semaphore, #tpu.memory_space<semaphore_mem>>, %arg28: memref<!tpu.dma_semaphore, #tpu.memory_space<semaphore_mem>>, %arg29: memref<!tpu.dma_semaphore, #tpu.memory_space<semaphore_mem>>, %arg30: memref<!tpu.dma_semaphore, #tpu.memory_space<semaphore_mem>>, %arg31: memref<!tpu.dma_semaphore, #tpu.memory_space<semaphore_mem>>) attributes {dimension_semantics = [#tpu.dimension_semantics<core_parallel>, #tpu.dimension_semantics<subcore_parallel>], iteration_bounds = array<i64: 2, 16>, scalar_prefetch = 0 : i64, scratch_operands = 24 : i64, tpu.core_type = #tpu.core_type<sc_vector_subcore>, window_params = [{transform_indices = #map}, {transform_indices = #map}, {transform_indices = #map}, {transform_indices = #map}, {transform_indices = #map}, {transform_indices = #map}]} {
    %mul3A = arith.constant 2 : i32
    %mul3A_0 = arith.muli %arg1, %mul3A : i32
    %add3A = arith.addi %mul3A_0, %arg0 : i32
    %mul3A_1 = arith.constant 6400 : i32
    %mul3A_2 = arith.muli %add3A, %mul3A_1 : i32
    %iota3A = tpu.iota {dimensions = array<i32: 0>} : vector<16xi32>
    %mul3A_3 = arith.constant 50 : i32
    %mul3A_4 = vector.broadcast %mul3A_3 : i32 to vector<16xi32>
    %mul3A_5 = arith.muli %iota3A, %mul3A_4 : vector<16xi32>
    %mul3A_6 = arith.constant 128 : i32
    %mul3A_7 = arith.muli %add3A, %mul3A_6 : i32
    "tpu.region"() ({
      %run_scoped3A = tpu.sem_alloc : memref<!tpu.dma_semaphore, #tpu.memory_space<semaphore_mem>>
      %dma_start3A_565 = arith.constant 0 : i32
      %dma_start3A_566 = tpu.memref_slice %arg4[%dma_start3A_565, %mul3A_7] : memref<50x4096xi32, #tpu.memory_space<hbm>> -> memref<50x128xi32, #tpu.memory_space<hbm>>
      %dma_start3A_567 = arith.constant 0 : i32
      %dma_start3A_568 = tpu.memref_slice %arg4[%dma_start3A_567, %mul3A_7] : memref<50x4096xi32, #tpu.memory_space<hbm>> -> memref<50x128xi32, #tpu.memory_space<hbm>>
      tpu.enqueue_dma source(%dma_start3A_568 : memref<50x128xi32, #tpu.memory_space<hbm>>) target(%arg8 : memref<50x128xi32, #tpu.memory_space<vmem>>) target_semaphore(%run_scoped3A : memref<!tpu.dma_semaphore, #tpu.memory_space<semaphore_mem>>)
      %dma_wait3A_569 = arith.constant 0 : i32
      %dma_wait3A_570 = tpu.memref_slice %arg4[%dma_wait3A_569, %mul3A_7] : memref<50x4096xi32, #tpu.memory_space<hbm>> -> memref<50x128xi32, #tpu.memory_space<hbm>>
      %dma_wait3A_571 = arith.constant 0 : i32
      %dma_wait3A_572 = tpu.memref_slice %arg4[%dma_wait3A_571, %mul3A_7] : memref<50x4096xi32, #tpu.memory_space<hbm>> -> memref<50x128xi32, #tpu.memory_space<hbm>>
      tpu.wait_dma2 semaphore(%run_scoped3A : memref<!tpu.dma_semaphore, #tpu.memory_space<semaphore_mem>>) src(%dma_wait3A_572 : memref<50x128xi32, #tpu.memory_space<hbm>>) dst(%arg8 : memref<50x128xi32, #tpu.memory_space<vmem>>)
      tpu.yield
    }) : () -> ()
    %mul3A_8 = arith.constant 128 : i32
    %mul3A_9 = arith.muli %add3A, %mul3A_8 : i32
    "tpu.region"() ({
      %run_scoped3A = tpu.sem_alloc : memref<!tpu.dma_semaphore, #tpu.memory_space<semaphore_mem>>
      %dma_start3A_565 = arith.constant 0 : i32
      %dma_start3A_566 = tpu.memref_slice %arg5[%dma_start3A_565, %mul3A_9] : memref<50x4096xi32, #tpu.memory_space<hbm>> -> memref<50x128xi32, #tpu.memory_space<hbm>>
      %dma_start3A_567 = arith.constant 0 : i32
      %dma_start3A_568 = tpu.memref_slice %arg5[%dma_start3A_567, %mul3A_9] : memref<50x4096xi32, #tpu.memory_space<hbm>> -> memref<50x128xi32, #tpu.memory_space<hbm>>
      tpu.enqueue_dma source(%dma_start3A_568 : memref<50x128xi32, #tpu.memory_space<hbm>>) target(%arg9 : memref<50x128xi32, #tpu.memory_space<vmem>>) target_semaphore(%run_scoped3A : memref<!tpu.dma_semaphore, #tpu.memory_space<semaphore_mem>>)
      %dma_wait3A_569 = arith.constant 0 : i32
      %dma_wait3A_570 = tpu.memref_slice %arg5[%dma_wait3A_569, %mul3A_9] : memref<50x4096xi32, #tpu.memory_space<hbm>> -> memref<50x128xi32, #tpu.memory_space<hbm>>
      %dma_wait3A_571 = arith.constant 0 : i32
      %dma_wait3A_572 = tpu.memref_slice %arg5[%dma_wait3A_571, %mul3A_9] : memref<50x4096xi32, #tpu.memory_space<hbm>> -> memref<50x128xi32, #tpu.memory_space<hbm>>
      tpu.wait_dma2 semaphore(%run_scoped3A : memref<!tpu.dma_semaphore, #tpu.memory_space<semaphore_mem>>) src(%dma_wait3A_572 : memref<50x128xi32, #tpu.memory_space<hbm>>) dst(%arg9 : memref<50x128xi32, #tpu.memory_space<vmem>>)
      tpu.yield
    }) : () -> ()
    %scan3A = arith.constant 0 : i32
    %scan3A_10 = arith.constant 0 : i32
    %scan3A_11 = arith.constant 50 : i32
    %scan3A_12 = arith.addi %scan3A_10, %scan3A_11 : i32
    %scan3A_13 = arith.constant 1 : i32
    scf.for %scan3A_565 = %scan3A_10 to %scan3A_12 step %scan3A_13  : i32 {
      %add3A_566 = arith.constant 0 : i32
      %add3A_567 = arith.addi %mul3A_2, %add3A_566 : i32
      %add3A_568 = arith.addi %add3A_567, %scan3A_565 : i32
      %add3A_569 = vector.broadcast %add3A_568 : i32 to vector<16xi32>
      %add3A_570 = arith.addi %mul3A_5, %add3A_569 : vector<16xi32>
      %swap3A = arith.index_cast %scan3A_565 : i32 to index
      %swap3A_571 = arith.constant 0 : index
      %swap3A_572 = tpu.vector_load %arg10[%swap3A, %swap3A_571] {strides = array<i32>} : memref<50x128xi32, #tpu.memory_space<vmem>>, vector<1x16xi32>,
      %swap3A_573 = vector.shape_cast %swap3A_572 : vector<1x16xi32> to vector<16xi32>
      %swap3A_574 = vector.shape_cast %add3A_570 : vector<16xi32> to vector<1x16xi32>
      tpu.vector_store %arg10[%swap3A, %swap3A_571], %swap3A_574 {strides = array<i32>} : memref<50x128xi32, #tpu.memory_space<vmem>>, vector<1x16xi32>,
      %add3A_575 = arith.constant 800 : i32
      %add3A_576 = arith.addi %mul3A_2, %add3A_575 : i32
      %add3A_577 = arith.addi %add3A_576, %scan3A_565 : i32
      %add3A_578 = vector.broadcast %add3A_577 : i32 to vector<16xi32>
      %add3A_579 = arith.addi %mul3A_5, %add3A_578 : vector<16xi32>
      %swap3A_580 = arith.index_cast %scan3A_565 : i32 to index
      %swap3A_581 = arith.constant 16 : index
      %swap3A_582 = tpu.vector_load %arg10[%swap3A_580, %swap3A_581] {strides = array<i32>} : memref<50x128xi32, #tpu.memory_space<vmem>>, vector<1x16xi32>,
      %swap3A_583 = vector.shape_cast %swap3A_582 : vector<1x16xi32> to vector<16xi32>
      %swap3A_584 = vector.shape_cast %add3A_579 : vector<16xi32> to vector<1x16xi32>
      tpu.vector_store %arg10[%swap3A_580, %swap3A_581], %swap3A_584 {strides = array<i32>} : memref<50x128xi32, #tpu.memory_space<vmem>>, vector<1x16xi32>,
      %add3A_585 = arith.constant 1600 : i32
      %add3A_586 = arith.addi %mul3A_2, %add3A_585 : i32
      %add3A_587 = arith.addi %add3A_586, %scan3A_565 : i32
      %add3A_588 = vector.broadcast %add3A_587 : i32 to vector<16xi32>
      %add3A_589 = arith.addi %mul3A_5, %add3A_588 : vector<16xi32>
      %swap3A_590 = arith.index_cast %scan3A_565 : i32 to index
      %swap3A_591 = arith.constant 32 : index
      %swap3A_592 = tpu.vector_load %arg10[%swap3A_590, %swap3A_591] {strides = array<i32>} : memref<50x128xi32, #tpu.memory_space<vmem>>, vector<1x16xi32>,
      %swap3A_593 = vector.shape_cast %swap3A_592 : vector<1x16xi32> to vector<16xi32>
      %swap3A_594 = vector.shape_cast %add3A_589 : vector<16xi32> to vector<1x16xi32>
      tpu.vector_store %arg10[%swap3A_590, %swap3A_591], %swap3A_594 {strides = array<i32>} : memref<50x128xi32, #tpu.memory_space<vmem>>, vector<1x16xi32>,
      %add3A_595 = arith.constant 2400 : i32
      %add3A_596 = arith.addi %mul3A_2, %add3A_595 : i32
      %add3A_597 = arith.addi %add3A_596, %scan3A_565 : i32
      %add3A_598 = vector.broadcast %add3A_597 : i32 to vector<16xi32>
      %add3A_599 = arith.addi %mul3A_5, %add3A_598 : vector<16xi32>
      %swap3A_600 = arith.index_cast %scan3A_565 : i32 to index
      %swap3A_601 = arith.constant 48 : index
      %swap3A_602 = tpu.vector_load %arg10[%swap3A_600, %swap3A_601] {strides = array<i32>} : memref<50x128xi32, #tpu.memory_space<vmem>>, vector<1x16xi32>,
      %swap3A_603 = vector.shape_cast %swap3A_602 : vector<1x16xi32> to vector<16xi32>
      %swap3A_604 = vector.shape_cast %add3A_599 : vector<16xi32> to vector<1x16xi32>
      tpu.vector_store %arg10[%swap3A_600, %swap3A_601], %swap3A_604 {strides = array<i32>} : memref<50x128xi32, #tpu.memory_space<vmem>>, vector<1x16xi32>,
      %add3A_605 = arith.constant 3200 : i32
      %add3A_606 = arith.addi %mul3A_2, %add3A_605 : i32
      %add3A_607 = arith.addi %add3A_606, %scan3A_565 : i32
      %add3A_608 = vector.broadcast %add3A_607 : i32 to vector<16xi32>
      %add3A_609 = arith.addi %mul3A_5, %add3A_608 : vector<16xi32>
      %swap3A_610 = arith.index_cast %scan3A_565 : i32 to index
      %swap3A_611 = arith.constant 64 : index
      %swap3A_612 = tpu.vector_load %arg10[%swap3A_610, %swap3A_611] {strides = array<i32>} : memref<50x128xi32, #tpu.memory_space<vmem>>, vector<1x16xi32>,
      %swap3A_613 = vector.shape_cast %swap3A_612 : vector<1x16xi32> to vector<16xi32>
      %swap3A_614 = vector.shape_cast %add3A_609 : vector<16xi32> to vector<1x16xi32>
      tpu.vector_store %arg10[%swap3A_610, %swap3A_611], %swap3A_614 {strides = array<i32>} : memref<50x128xi32, #tpu.memory_space<vmem>>, vector<1x16xi32>,
      %add3A_615 = arith.constant 4000 : i32
      %add3A_616 = arith.addi %mul3A_2, %add3A_615 : i32
      %add3A_617 = arith.addi %add3A_616, %scan3A_565 : i32
      %add3A_618 = vector.broadcast %add3A_617 : i32 to vector<16xi32>
      %add3A_619 = arith.addi %mul3A_5, %add3A_618 : vector<16xi32>
      %swap3A_620 = arith.index_cast %scan3A_565 : i32 to index
      %swap3A_621 = arith.constant 80 : index
      %swap3A_622 = tpu.vector_load %arg10[%swap3A_620, %swap3A_621] {strides = array<i32>} : memref<50x128xi32, #tpu.memory_space<vmem>>, vector<1x16xi32>,
      %swap3A_623 = vector.shape_cast %swap3A_622 : vector<1x16xi32> to vector<16xi32>
      %swap3A_624 = vector.shape_cast %add3A_619 : vector<16xi32> to vector<1x16xi32>
      tpu.vector_store %arg10[%swap3A_620, %swap3A_621], %swap3A_624 {strides = array<i32>} : memref<50x128xi32, #tpu.memory_space<vmem>>, vector<1x16xi32>,
      %add3A_625 = arith.constant 4800 : i32
      %add3A_626 = arith.addi %mul3A_2, %add3A_625 : i32
      %add3A_627 = arith.addi %add3A_626, %scan3A_565 : i32
      %add3A_628 = vector.broadcast %add3A_627 : i32 to vector<16xi32>
      %add3A_629 = arith.addi %mul3A_5, %add3A_628 : vector<16xi32>
      %swap3A_630 = arith.index_cast %scan3A_565 : i32 to index
      %swap3A_631 = arith.constant 96 : index
      %swap3A_632 = tpu.vector_load %arg10[%swap3A_630, %swap3A_631] {strides = array<i32>} : memref<50x128xi32, #tpu.memory_space<vmem>>, vector<1x16xi32>,
      %swap3A_633 = vector.shape_cast %swap3A_632 : vector<1x16xi32> to vector<16xi32>
      %swap3A_634 = vector.shape_cast %add3A_629 : vector<16xi32> to vector<1x16xi32>
      tpu.vector_store %arg10[%swap3A_630, %swap3A_631], %swap3A_634 {strides = array<i32>} : memref<50x128xi32, #tpu.memory_space<vmem>>, vector<1x16xi32>,
      %add3A_635 = arith.constant 5600 : i32
      %add3A_636 = arith.addi %mul3A_2, %add3A_635 : i32
      %add3A_637 = arith.addi %add3A_636, %scan3A_565 : i32
      %add3A_638 = vector.broadcast %add3A_637 : i32 to vector<16xi32>
      %add3A_639 = arith.addi %mul3A_5, %add3A_638 : vector<16xi32>
      %swap3A_640 = arith.index_cast %scan3A_565 : i32 to index
      %swap3A_641 = arith.constant 112 : index
      %swap3A_642 = tpu.vector_load %arg10[%swap3A_640, %swap3A_641] {strides = array<i32>} : memref<50x128xi32, #tpu.memory_space<vmem>>, vector<1x16xi32>,
      %swap3A_643 = vector.shape_cast %swap3A_642 : vector<1x16xi32> to vector<16xi32>
      %swap3A_644 = vector.shape_cast %add3A_639 : vector<16xi32> to vector<1x16xi32>
      tpu.vector_store %arg10[%swap3A_640, %swap3A_641], %swap3A_644 {strides = array<i32>} : memref<50x128xi32, #tpu.memory_space<vmem>>, vector<1x16xi32>,
    }
    %scan3A_14 = arith.constant 50 : i32
    %dma_start3A = arith.constant 0 : i32
    %dma_start3A_15 = arith.constant 0 : i32
    %dma_start3A_16 = arith.constant 0 : i32
    %dma_start3A_17 = arith.constant 0 : i32
    %dma_start3A_18 = tpu.memref_slice %arg11[%dma_start3A_15, %dma_start3A_16, %dma_start3A_17] : memref<10x128x64xf32, #tpu.memory_space<vmem>> -> memref<1x128x64xf32, #tpu.memory_space<vmem>>
    %dma_start3A_19 = tpu.memref_squeeze %dma_start3A_18 : memref<1x128x64xf32, #tpu.memory_space<vmem>> -> memref<128x64xf32, #tpu.memory_space<vmem>>
    %dma_start3A_20 = arith.constant 0 : i32
    %dma_start3A_21 = tpu.memref_slice %arg8[%dma_start3A, %dma_start3A_20] : memref<50x128xi32, #tpu.memory_space<vmem>> -> memref<1x128xi32, #tpu.memory_space<vmem>>
    %dma_start3A_22 = tpu.memref_squeeze %dma_start3A_21 : memref<1x128xi32, #tpu.memory_space<vmem>> -> memref<128xi32, #tpu.memory_space<vmem>>
    %dma_start3A_23 = arith.constant 0 : i32
    %dma_start3A_24 = arith.constant 0 : i32
    %dma_start3A_25 = tpu.memref_slice %arg2[%dma_start3A_23, %dma_start3A_24] : memref<1000000x64xf32, #tpu.memory_space<hbm>> -> memref<1000000x64xf32, #tpu.memory_space<hbm>>
    tpu.enqueue_indirect_dma source(%dma_start3A_25 : memref<1000000x64xf32, #tpu.memory_space<hbm>>) target(%dma_start3A_19 : memref<128x64xf32, #tpu.memory_space<vmem>>) offsets(%dma_start3A_22 : memref<128xi32, #tpu.memory_space<vmem>>) semaphore(%arg12 : memref<!tpu.dma_semaphore, #tpu.memory_space<semaphore_mem>>)
    %dma_start3A_26 = arith.constant 1 : i32
    %dma_start3A_27 = arith.constant 1 : i32
    %dma_start3A_28 = arith.constant 0 : i32
    %dma_start3A_29 = arith.constant 0 : i32
    %dma_start3A_30 = tpu.memref_slice %arg11[%dma_start3A_27, %dma_start3A_28, %dma_start3A_29] : memref<10x128x64xf32, #tpu.memory_space<vmem>> -> memref<1x128x64xf32, #tpu.memory_space<vmem>>
    %dma_start3A_31 = tpu.memref_squeeze %dma_start3A_30 : memref<1x128x64xf32, #tpu.memory_space<vmem>> -> memref<128x64xf32, #tpu.memory_space<vmem>>
    %dma_start3A_32 = arith.constant 0 : i32
    %dma_start3A_33 = tpu.memref_slice %arg8[%dma_start3A_26, %dma_start3A_32] : memref<50x128xi32, #tpu.memory_space<vmem>> -> memref<1x128xi32, #tpu.memory_space<vmem>>
    %dma_start3A_34 = tpu.memref_squeeze %dma_start3A_33 : memref<1x128xi32, #tpu.memory_space<vmem>> -> memref<128xi32, #tpu.memory_space<vmem>>
    %dma_start3A_35 = arith.constant 0 : i32
    %dma_start3A_36 = arith.constant 0 : i32
    %dma_start3A_37 = tpu.memref_slice %arg2[%dma_start3A_35, %dma_start3A_36] : memref<1000000x64xf32, #tpu.memory_space<hbm>> -> memref<1000000x64xf32, #tpu.memory_space<hbm>>
    tpu.enqueue_indirect_dma source(%dma_start3A_37 : memref<1000000x64xf32, #tpu.memory_space<hbm>>) target(%dma_start3A_31 : memref<128x64xf32, #tpu.memory_space<vmem>>) offsets(%dma_start3A_34 : memref<128xi32, #tpu.memory_space<vmem>>) semaphore(%arg13 : memref<!tpu.dma_semaphore, #tpu.memory_space<semaphore_mem>>)
    %dma_start3A_38 = arith.constant 2 : i32
    %dma_start3A_39 = arith.constant 2 : i32
    %dma_start3A_40 = arith.constant 0 : i32
    %dma_start3A_41 = arith.constant 0 : i32
    %dma_start3A_42 = tpu.memref_slice %arg11[%dma_start3A_39, %dma_start3A_40, %dma_start3A_41] : memref<10x128x64xf32, #tpu.memory_space<vmem>> -> memref<1x128x64xf32, #tpu.memory_space<vmem>>
    %dma_start3A_43 = tpu.memref_squeeze %dma_start3A_42 : memref<1x128x64xf32, #tpu.memory_space<vmem>> -> memref<128x64xf32, #tpu.memory_space<vmem>>
    %dma_start3A_44 = arith.constant 0 : i32
    %dma_start3A_45 = tpu.memref_slice %arg8[%dma_start3A_38, %dma_start3A_44] : memref<50x128xi32, #tpu.memory_space<vmem>> -> memref<1x128xi32, #tpu.memory_space<vmem>>
    %dma_start3A_46 = tpu.memref_squeeze %dma_start3A_45 : memref<1x128xi32, #tpu.memory_space<vmem>> -> memref<128xi32, #tpu.memory_space<vmem>>
    %dma_start3A_47 = arith.constant 0 : i32
    %dma_start3A_48 = arith.constant 0 : i32
    %dma_start3A_49 = tpu.memref_slice %arg2[%dma_start3A_47, %dma_start3A_48] : memref<1000000x64xf32, #tpu.memory_space<hbm>> -> memref<1000000x64xf32, #tpu.memory_space<hbm>>
    tpu.enqueue_indirect_dma source(%dma_start3A_49 : memref<1000000x64xf32, #tpu.memory_space<hbm>>) target(%dma_start3A_43 : memref<128x64xf32, #tpu.memory_space<vmem>>) offsets(%dma_start3A_46 : memref<128xi32, #tpu.memory_space<vmem>>) semaphore(%arg14 : memref<!tpu.dma_semaphore, #tpu.memory_space<semaphore_mem>>)
    %dma_start3A_50 = arith.constant 3 : i32
    %dma_start3A_51 = arith.constant 3 : i32
    %dma_start3A_52 = arith.constant 0 : i32
    %dma_start3A_53 = arith.constant 0 : i32
    %dma_start3A_54 = tpu.memref_slice %arg11[%dma_start3A_51, %dma_start3A_52, %dma_start3A_53] : memref<10x128x64xf32, #tpu.memory_space<vmem>> -> memref<1x128x64xf32, #tpu.memory_space<vmem>>
    %dma_start3A_55 = tpu.memref_squeeze %dma_start3A_54 : memref<1x128x64xf32, #tpu.memory_space<vmem>> -> memref<128x64xf32, #tpu.memory_space<vmem>>
    %dma_start3A_56 = arith.constant 0 : i32
    %dma_start3A_57 = tpu.memref_slice %arg8[%dma_start3A_50, %dma_start3A_56] : memref<50x128xi32, #tpu.memory_space<vmem>> -> memref<1x128xi32, #tpu.memory_space<vmem>>
    %dma_start3A_58 = tpu.memref_squeeze %dma_start3A_57 : memref<1x128xi32, #tpu.memory_space<vmem>> -> memref<128xi32, #tpu.memory_space<vmem>>
    %dma_start3A_59 = arith.constant 0 : i32
    %dma_start3A_60 = arith.constant 0 : i32
    %dma_start3A_61 = tpu.memref_slice %arg2[%dma_start3A_59, %dma_start3A_60] : memref<1000000x64xf32, #tpu.memory_space<hbm>> -> memref<1000000x64xf32, #tpu.memory_space<hbm>>
    tpu.enqueue_indirect_dma source(%dma_start3A_61 : memref<1000000x64xf32, #tpu.memory_space<hbm>>) target(%dma_start3A_55 : memref<128x64xf32, #tpu.memory_space<vmem>>) offsets(%dma_start3A_58 : memref<128xi32, #tpu.memory_space<vmem>>) semaphore(%arg15 : memref<!tpu.dma_semaphore, #tpu.memory_space<semaphore_mem>>)
    %dma_start3A_62 = arith.constant 4 : i32
    %dma_start3A_63 = arith.constant 4 : i32
    %dma_start3A_64 = arith.constant 0 : i32
    %dma_start3A_65 = arith.constant 0 : i32
    %dma_start3A_66 = tpu.memref_slice %arg11[%dma_start3A_63, %dma_start3A_64, %dma_start3A_65] : memref<10x128x64xf32, #tpu.memory_space<vmem>> -> memref<1x128x64xf32, #tpu.memory_space<vmem>>
    %dma_start3A_67 = tpu.memref_squeeze %dma_start3A_66 : memref<1x128x64xf32, #tpu.memory_space<vmem>> -> memref<128x64xf32, #tpu.memory_space<vmem>>
    %dma_start3A_68 = arith.constant 0 : i32
    %dma_start3A_69 = tpu.memref_slice %arg8[%dma_start3A_62, %dma_start3A_68] : memref<50x128xi32, #tpu.memory_space<vmem>> -> memref<1x128xi32, #tpu.memory_space<vmem>>
    %dma_start3A_70 = tpu.memref_squeeze %dma_start3A_69 : memref<1x128xi32, #tpu.memory_space<vmem>> -> memref<128xi32, #tpu.memory_space<vmem>>
    %dma_start3A_71 = arith.constant 0 : i32
    %dma_start3A_72 = arith.constant 0 : i32
    %dma_start3A_73 = tpu.memref_slice %arg2[%dma_start3A_71, %dma_start3A_72] : memref<1000000x64xf32, #tpu.memory_space<hbm>> -> memref<1000000x64xf32, #tpu.memory_space<hbm>>
    tpu.enqueue_indirect_dma source(%dma_start3A_73 : memref<1000000x64xf32, #tpu.memory_space<hbm>>) target(%dma_start3A_67 : memref<128x64xf32, #tpu.memory_space<vmem>>) offsets(%dma_start3A_70 : memref<128xi32, #tpu.memory_space<vmem>>) semaphore(%arg16 : memref<!tpu.dma_semaphore, #tpu.memory_space<semaphore_mem>>)
    %dma_start3A_74 = arith.constant 5 : i32
    %dma_start3A_75 = arith.constant 5 : i32
    %dma_start3A_76 = arith.constant 0 : i32
    %dma_start3A_77 = arith.constant 0 : i32
    %dma_start3A_78 = tpu.memref_slice %arg11[%dma_start3A_75, %dma_start3A_76, %dma_start3A_77] : memref<10x128x64xf32, #tpu.memory_space<vmem>> -> memref<1x128x64xf32, #tpu.memory_space<vmem>>
    %dma_start3A_79 = tpu.memref_squeeze %dma_start3A_78 : memref<1x128x64xf32, #tpu.memory_space<vmem>> -> memref<128x64xf32, #tpu.memory_space<vmem>>
    %dma_start3A_80 = arith.constant 0 : i32
    %dma_start3A_81 = tpu.memref_slice %arg8[%dma_start3A_74, %dma_start3A_80] : memref<50x128xi32, #tpu.memory_space<vmem>> -> memref<1x128xi32, #tpu.memory_space<vmem>>
    %dma_start3A_82 = tpu.memref_squeeze %dma_start3A_81 : memref<1x128xi32, #tpu.memory_space<vmem>> -> memref<128xi32, #tpu.memory_space<vmem>>
    %dma_start3A_83 = arith.constant 0 : i32
    %dma_start3A_84 = arith.constant 0 : i32
    %dma_start3A_85 = tpu.memref_slice %arg2[%dma_start3A_83, %dma_start3A_84] : memref<1000000x64xf32, #tpu.memory_space<hbm>> -> memref<1000000x64xf32, #tpu.memory_space<hbm>>
    tpu.enqueue_indirect_dma source(%dma_start3A_85 : memref<1000000x64xf32, #tpu.memory_space<hbm>>) target(%dma_start3A_79 : memref<128x64xf32, #tpu.memory_space<vmem>>) offsets(%dma_start3A_82 : memref<128xi32, #tpu.memory_space<vmem>>) semaphore(%arg17 : memref<!tpu.dma_semaphore, #tpu.memory_space<semaphore_mem>>)
    %dma_start3A_86 = arith.constant 6 : i32
    %dma_start3A_87 = arith.constant 6 : i32
    %dma_start3A_88 = arith.constant 0 : i32
    %dma_start3A_89 = arith.constant 0 : i32
    %dma_start3A_90 = tpu.memref_slice %arg11[%dma_start3A_87, %dma_start3A_88, %dma_start3A_89] : memref<10x128x64xf32, #tpu.memory_space<vmem>> -> memref<1x128x64xf32, #tpu.memory_space<vmem>>
    %dma_start3A_91 = tpu.memref_squeeze %dma_start3A_90 : memref<1x128x64xf32, #tpu.memory_space<vmem>> -> memref<128x64xf32, #tpu.memory_space<vmem>>
    %dma_start3A_92 = arith.constant 0 : i32
    %dma_start3A_93 = tpu.memref_slice %arg8[%dma_start3A_86, %dma_start3A_92] : memref<50x128xi32, #tpu.memory_space<vmem>> -> memref<1x128xi32, #tpu.memory_space<vmem>>
    %dma_start3A_94 = tpu.memref_squeeze %dma_start3A_93 : memref<1x128xi32, #tpu.memory_space<vmem>> -> memref<128xi32, #tpu.memory_space<vmem>>
    %dma_start3A_95 = arith.constant 0 : i32
    %dma_start3A_96 = arith.constant 0 : i32
    %dma_start3A_97 = tpu.memref_slice %arg2[%dma_start3A_95, %dma_start3A_96] : memref<1000000x64xf32, #tpu.memory_space<hbm>> -> memref<1000000x64xf32, #tpu.memory_space<hbm>>
    tpu.enqueue_indirect_dma source(%dma_start3A_97 : memref<1000000x64xf32, #tpu.memory_space<hbm>>) target(%dma_start3A_91 : memref<128x64xf32, #tpu.memory_space<vmem>>) offsets(%dma_start3A_94 : memref<128xi32, #tpu.memory_space<vmem>>) semaphore(%arg18 : memref<!tpu.dma_semaphore, #tpu.memory_space<semaphore_mem>>)
    %dma_start3A_98 = arith.constant 7 : i32
    %dma_start3A_99 = arith.constant 7 : i32
    %dma_start3A_100 = arith.constant 0 : i32
    %dma_start3A_101 = arith.constant 0 : i32
    %dma_start3A_102 = tpu.memref_slice %arg11[%dma_start3A_99, %dma_start3A_100, %dma_start3A_101] : memref<10x128x64xf32, #tpu.memory_space<vmem>> -> memref<1x128x64xf32, #tpu.memory_space<vmem>>
    %dma_start3A_103 = tpu.memref_squeeze %dma_start3A_102 : memref<1x128x64xf32, #tpu.memory_space<vmem>> -> memref<128x64xf32, #tpu.memory_space<vmem>>
    %dma_start3A_104 = arith.constant 0 : i32
    %dma_start3A_105 = tpu.memref_slice %arg8[%dma_start3A_98, %dma_start3A_104] : memref<50x128xi32, #tpu.memory_space<vmem>> -> memref<1x128xi32, #tpu.memory_space<vmem>>
    %dma_start3A_106 = tpu.memref_squeeze %dma_start3A_105 : memref<1x128xi32, #tpu.memory_space<vmem>> -> memref<128xi32, #tpu.memory_space<vmem>>
    %dma_start3A_107 = arith.constant 0 : i32
    %dma_start3A_108 = arith.constant 0 : i32
    %dma_start3A_109 = tpu.memref_slice %arg2[%dma_start3A_107, %dma_start3A_108] : memref<1000000x64xf32, #tpu.memory_space<hbm>> -> memref<1000000x64xf32, #tpu.memory_space<hbm>>
    tpu.enqueue_indirect_dma source(%dma_start3A_109 : memref<1000000x64xf32, #tpu.memory_space<hbm>>) target(%dma_start3A_103 : memref<128x64xf32, #tpu.memory_space<vmem>>) offsets(%dma_start3A_106 : memref<128xi32, #tpu.memory_space<vmem>>) semaphore(%arg19 : memref<!tpu.dma_semaphore, #tpu.memory_space<semaphore_mem>>)
    %dma_start3A_110 = arith.constant 8 : i32
    %dma_start3A_111 = arith.constant 8 : i32
    %dma_start3A_112 = arith.constant 0 : i32
    %dma_start3A_113 = arith.constant 0 : i32
    %dma_start3A_114 = tpu.memref_slice %arg11[%dma_start3A_111, %dma_start3A_112, %dma_start3A_113] : memref<10x128x64xf32, #tpu.memory_space<vmem>> -> memref<1x128x64xf32, #tpu.memory_space<vmem>>
    %dma_start3A_115 = tpu.memref_squeeze %dma_start3A_114 : memref<1x128x64xf32, #tpu.memory_space<vmem>> -> memref<128x64xf32, #tpu.memory_space<vmem>>
    %dma_start3A_116 = arith.constant 0 : i32
    %dma_start3A_117 = tpu.memref_slice %arg8[%dma_start3A_110, %dma_start3A_116] : memref<50x128xi32, #tpu.memory_space<vmem>> -> memref<1x128xi32, #tpu.memory_space<vmem>>
    %dma_start3A_118 = tpu.memref_squeeze %dma_start3A_117 : memref<1x128xi32, #tpu.memory_space<vmem>> -> memref<128xi32, #tpu.memory_space<vmem>>
    %dma_start3A_119 = arith.constant 0 : i32
    %dma_start3A_120 = arith.constant 0 : i32
    %dma_start3A_121 = tpu.memref_slice %arg2[%dma_start3A_119, %dma_start3A_120] : memref<1000000x64xf32, #tpu.memory_space<hbm>> -> memref<1000000x64xf32, #tpu.memory_space<hbm>>
    tpu.enqueue_indirect_dma source(%dma_start3A_121 : memref<1000000x64xf32, #tpu.memory_space<hbm>>) target(%dma_start3A_115 : memref<128x64xf32, #tpu.memory_space<vmem>>) offsets(%dma_start3A_118 : memref<128xi32, #tpu.memory_space<vmem>>) semaphore(%arg20 : memref<!tpu.dma_semaphore, #tpu.memory_space<semaphore_mem>>)
    %dma_start3A_122 = arith.constant 9 : i32
    %dma_start3A_123 = arith.constant 9 : i32
    %dma_start3A_124 = arith.constant 0 : i32
    %dma_start3A_125 = arith.constant 0 : i32
    %dma_start3A_126 = tpu.memref_slice %arg11[%dma_start3A_123, %dma_start3A_124, %dma_start3A_125] : memref<10x128x64xf32, #tpu.memory_space<vmem>> -> memref<1x128x64xf32, #tpu.memory_space<vmem>>
    %dma_start3A_127 = tpu.memref_squeeze %dma_start3A_126 : memref<1x128x64xf32, #tpu.memory_space<vmem>> -> memref<128x64xf32, #tpu.memory_space<vmem>>
    %dma_start3A_128 = arith.constant 0 : i32
    %dma_start3A_129 = tpu.memref_slice %arg8[%dma_start3A_122, %dma_start3A_128] : memref<50x128xi32, #tpu.memory_space<vmem>> -> memref<1x128xi32, #tpu.memory_space<vmem>>
    %dma_start3A_130 = tpu.memref_squeeze %dma_start3A_129 : memref<1x128xi32, #tpu.memory_space<vmem>> -> memref<128xi32, #tpu.memory_space<vmem>>
    %dma_start3A_131 = arith.constant 0 : i32
    %dma_start3A_132 = arith.constant 0 : i32
    %dma_start3A_133 = tpu.memref_slice %arg2[%dma_start3A_131, %dma_start3A_132] : memref<1000000x64xf32, #tpu.memory_space<hbm>> -> memref<1000000x64xf32, #tpu.memory_space<hbm>>
    tpu.enqueue_indirect_dma source(%dma_start3A_133 : memref<1000000x64xf32, #tpu.memory_space<hbm>>) target(%dma_start3A_127 : memref<128x64xf32, #tpu.memory_space<vmem>>) offsets(%dma_start3A_130 : memref<128xi32, #tpu.memory_space<vmem>>) semaphore(%arg21 : memref<!tpu.dma_semaphore, #tpu.memory_space<semaphore_mem>>)
    %scan3A_134 = arith.constant 0 : i32
    %scan3A_135 = arith.constant 0 : i32
    %scan3A_136 = arith.constant 5 : i32
    %scan3A_137 = arith.addi %scan3A_135, %scan3A_136 : i32
    %scan3A_138 = arith.constant 1 : i32
    scf.for %scan3A_565 = %scan3A_135 to %scan3A_137 step %scan3A_138  : i32 {
      %mul3A_566 = arith.constant 10 : i32
      %mul3A_567 = arith.muli %scan3A_565, %mul3A_566 : i32
      %add3A_568 = arith.constant 0 : i32
      %add3A_569 = arith.addi %mul3A_567, %add3A_568 : i32
      %dma_wait3A_570 = arith.constant 0 : i32
      %dma_wait3A_571 = arith.constant 0 : i32
      %dma_wait3A_572 = arith.constant 0 : i32
      %dma_wait3A_573 = tpu.memref_slice %arg11[%dma_wait3A_570, %dma_wait3A_571, %dma_wait3A_572] : memref<10x128x64xf32, #tpu.memory_space<vmem>> -> memref<1x128x64xf32, #tpu.memory_space<vmem>>
      %dma_wait3A_574 = tpu.memref_squeeze %dma_wait3A_573 : memref<1x128x64xf32, #tpu.memory_space<vmem>> -> memref<128x64xf32, #tpu.memory_space<vmem>>
      %dma_wait3A_575 = arith.constant 0 : i32
      %dma_wait3A_576 = arith.constant 0 : i32
      %dma_wait3A_577 = tpu.memref_slice %arg2[%dma_wait3A_575, %dma_wait3A_576] : memref<1000000x64xf32, #tpu.memory_space<hbm>> -> memref<128x64xf32, #tpu.memory_space<hbm>>
      %dma_wait3A_578 = arith.constant 0 : i32
      %dma_wait3A_579 = arith.constant 0 : i32
      %dma_wait3A_580 = tpu.memref_slice %arg11[%dma_wait3A_570, %dma_wait3A_578, %dma_wait3A_579] : memref<10x128x64xf32, #tpu.memory_space<vmem>> -> memref<1x128x64xf32, #tpu.memory_space<vmem>>
      %dma_wait3A_581 = tpu.memref_squeeze %dma_wait3A_580 : memref<1x128x64xf32, #tpu.memory_space<vmem>> -> memref<128x64xf32, #tpu.memory_space<vmem>>
      %dma_wait3A_582 = arith.constant 0 : i32
      %dma_wait3A_583 = arith.constant 0 : i32
      %dma_wait3A_584 = tpu.memref_slice %arg2[%dma_wait3A_582, %dma_wait3A_583] : memref<1000000x64xf32, #tpu.memory_space<hbm>> -> memref<128x64xf32, #tpu.memory_space<hbm>>
      tpu.wait_dma2 semaphore(%arg12 : memref<!tpu.dma_semaphore, #tpu.memory_space<semaphore_mem>>) src(%dma_wait3A_584 : memref<128x64xf32, #tpu.memory_space<hbm>>) dst(%dma_wait3A_581 : memref<128x64xf32, #tpu.memory_space<vmem>>)
      %dma_start3A_585 = arith.constant 0 : i32
      %dma_start3A_586 = arith.constant 0 : i32
      %dma_start3A_587 = arith.constant 0 : i32
      %dma_start3A_588 = tpu.memref_slice %arg11[%dma_start3A_585, %dma_start3A_586, %dma_start3A_587] : memref<10x128x64xf32, #tpu.memory_space<vmem>> -> memref<1x128x64xf32, #tpu.memory_space<vmem>>
      %dma_start3A_589 = tpu.memref_squeeze %dma_start3A_588 : memref<1x128x64xf32, #tpu.memory_space<vmem>> -> memref<128x64xf32, #tpu.memory_space<vmem>>
      %dma_start3A_590 = arith.constant 0 : i32
      %dma_start3A_591 = tpu.memref_slice %arg10[%add3A_569, %dma_start3A_590] : memref<50x128xi32, #tpu.memory_space<vmem>> -> memref<1x128xi32, #tpu.memory_space<vmem>>
      %dma_start3A_592 = tpu.memref_squeeze %dma_start3A_591 : memref<1x128xi32, #tpu.memory_space<vmem>> -> memref<128xi32, #tpu.memory_space<vmem>>
      %dma_start3A_593 = arith.constant 0 : i32
      %dma_start3A_594 = arith.constant 0 : i32
      %dma_start3A_595 = tpu.memref_slice %arg6[%dma_start3A_593, %dma_start3A_594] : memref<204800x64xf32, #tpu.memory_space<hbm>> -> memref<204800x64xf32, #tpu.memory_space<hbm>>
      tpu.enqueue_indirect_dma source(%dma_start3A_589 : memref<128x64xf32, #tpu.memory_space<vmem>>) target(%dma_start3A_595 : memref<204800x64xf32, #tpu.memory_space<hbm>>) offsets(%dma_start3A_592 : memref<128xi32, #tpu.memory_space<vmem>>) semaphore(%arg22 : memref<!tpu.dma_semaphore, #tpu.memory_space<semaphore_mem>>)
      %lt3A = arith.constant 4 : i32
      %lt3A_596 = arith.cmpi slt, %scan3A_565, %lt3A : i32
      %convert_element_type3A = arith.extui %lt3A_596 : i1 to i32
      %cond3A = arith.constant 0 : i32
      %cond3A_597 = arith.cmpi ne, %convert_element_type3A, %cond3A : i32
      scf.if %cond3A_597 {
        %dma_wait3A_913 = arith.constant 0 : i32
        %dma_wait3A_914 = arith.constant 0 : i32
        %dma_wait3A_915 = arith.constant 0 : i32
        %dma_wait3A_916 = tpu.memref_slice %arg11[%dma_wait3A_913, %dma_wait3A_914, %dma_wait3A_915] : memref<10x128x64xf32, #tpu.memory_space<vmem>> -> memref<1x128x64xf32, #tpu.memory_space<vmem>>
        %dma_wait3A_917 = tpu.memref_squeeze %dma_wait3A_916 : memref<1x128x64xf32, #tpu.memory_space<vmem>> -> memref<128x64xf32, #tpu.memory_space<vmem>>
        %dma_wait3A_918 = arith.constant 0 : i32
        %dma_wait3A_919 = arith.constant 0 : i32
        %dma_wait3A_920 = tpu.memref_slice %arg6[%dma_wait3A_918, %dma_wait3A_919] : memref<204800x64xf32, #tpu.memory_space<hbm>> -> memref<128x64xf32, #tpu.memory_space<hbm>>
        %dma_wait3A_921 = arith.constant 0 : i32
        %dma_wait3A_922 = arith.constant 0 : i32
        %dma_wait3A_923 = tpu.memref_slice %arg6[%dma_wait3A_921, %dma_wait3A_922] : memref<204800x64xf32, #tpu.memory_space<hbm>> -> memref<128x64xf32, #tpu.memory_space<hbm>>
        %dma_wait3A_924 = arith.constant 0 : i32
        %dma_wait3A_925 = arith.constant 0 : i32
        %dma_wait3A_926 = tpu.memref_slice %arg11[%dma_wait3A_913, %dma_wait3A_924, %dma_wait3A_925] : memref<10x128x64xf32, #tpu.memory_space<vmem>> -> memref<1x128x64xf32, #tpu.memory_space<vmem>>
        %dma_wait3A_927 = tpu.memref_squeeze %dma_wait3A_926 : memref<1x128x64xf32, #tpu.memory_space<vmem>> -> memref<128x64xf32, #tpu.memory_space<vmem>>
        tpu.wait_dma2 semaphore(%arg22 : memref<!tpu.dma_semaphore, #tpu.memory_space<semaphore_mem>>) src(%dma_wait3A_927 : memref<128x64xf32, #tpu.memory_space<vmem>>) dst(%dma_wait3A_923 : memref<128x64xf32, #tpu.memory_space<hbm>>)
        %add3A_928 = arith.constant 10 : i32
        %add3A_929 = arith.addi %add3A_569, %add3A_928 : i32
        %dma_start3A_930 = arith.constant 0 : i32
        %dma_start3A_931 = arith.constant 0 : i32
        %dma_start3A_932 = arith.constant 0 : i32
        %dma_start3A_933 = tpu.memref_slice %arg11[%dma_start3A_930, %dma_start3A_931, %dma_start3A_932] : memref<10x128x64xf32, #tpu.memory_space<vmem>> -> memref<1x128x64xf32, #tpu.memory_space<vmem>>
        %dma_start3A_934 = tpu.memref_squeeze %dma_start3A_933 : memref<1x128x64xf32, #tpu.memory_space<vmem>> -> memref<128x64xf32, #tpu.memory_space<vmem>>
        %dma_start3A_935 = arith.constant 0 : i32
        %dma_start3A_936 = tpu.memref_slice %arg8[%add3A_929, %dma_start3A_935] : memref<50x128xi32, #tpu.memory_space<vmem>> -> memref<1x128xi32, #tpu.memory_space<vmem>>
        %dma_start3A_937 = tpu.memref_squeeze %dma_start3A_936 : memref<1x128xi32, #tpu.memory_space<vmem>> -> memref<128xi32, #tpu.memory_space<vmem>>
        %dma_start3A_938 = arith.constant 0 : i32
        %dma_start3A_939 = arith.constant 0 : i32
        %dma_start3A_940 = tpu.memref_slice %arg2[%dma_start3A_938, %dma_start3A_939] : memref<1000000x64xf32, #tpu.memory_space<hbm>> -> memref<1000000x64xf32, #tpu.memory_space<hbm>>
        tpu.enqueue_indirect_dma source(%dma_start3A_940 : memref<1000000x64xf32, #tpu.memory_space<hbm>>) target(%dma_start3A_934 : memref<128x64xf32, #tpu.memory_space<vmem>>) offsets(%dma_start3A_937 : memref<128xi32, #tpu.memory_space<vmem>>) semaphore(%arg12 : memref<!tpu.dma_semaphore, #tpu.memory_space<semaphore_mem>>)
      } else {
      }
      %mul3A_598 = arith.constant 10 : i32
      %mul3A_599 = arith.muli %scan3A_565, %mul3A_598 : i32
      %add3A_600 = arith.constant 1 : i32
      %add3A_601 = arith.addi %mul3A_599, %add3A_600 : i32
      %dma_wait3A_602 = arith.constant 1 : i32
      %dma_wait3A_603 = arith.constant 0 : i32
      %dma_wait3A_604 = arith.constant 0 : i32
      %dma_wait3A_605 = tpu.memref_slice %arg11[%dma_wait3A_602, %dma_wait3A_603, %dma_wait3A_604] : memref<10x128x64xf32, #tpu.memory_space<vmem>> -> memref<1x128x64xf32, #tpu.memory_space<vmem>>
      %dma_wait3A_606 = tpu.memref_squeeze %dma_wait3A_605 : memref<1x128x64xf32, #tpu.memory_space<vmem>> -> memref<128x64xf32, #tpu.memory_space<vmem>>
      %dma_wait3A_607 = arith.constant 0 : i32
      %dma_wait3A_608 = arith.constant 0 : i32
      %dma_wait3A_609 = tpu.memref_slice %arg2[%dma_wait3A_607, %dma_wait3A_608] : memref<1000000x64xf32, #tpu.memory_space<hbm>> -> memref<128x64xf32, #tpu.memory_space<hbm>>
      %dma_wait3A_610 = arith.constant 0 : i32
      %dma_wait3A_611 = arith.constant 0 : i32
      %dma_wait3A_612 = tpu.memref_slice %arg11[%dma_wait3A_602, %dma_wait3A_610, %dma_wait3A_611] : memref<10x128x64xf32, #tpu.memory_space<vmem>> -> memref<1x128x64xf32, #tpu.memory_space<vmem>>
      %dma_wait3A_613 = tpu.memref_squeeze %dma_wait3A_612 : memref<1x128x64xf32, #tpu.memory_space<vmem>> -> memref<128x64xf32, #tpu.memory_space<vmem>>
      %dma_wait3A_614 = arith.constant 0 : i32
      %dma_wait3A_615 = arith.constant 0 : i32
      %dma_wait3A_616 = tpu.memref_slice %arg2[%dma_wait3A_614, %dma_wait3A_615] : memref<1000000x64xf32, #tpu.memory_space<hbm>> -> memref<128x64xf32, #tpu.memory_space<hbm>>
      tpu.wait_dma2 semaphore(%arg13 : memref<!tpu.dma_semaphore, #tpu.memory_space<semaphore_mem>>) src(%dma_wait3A_616 : memref<128x64xf32, #tpu.memory_space<hbm>>) dst(%dma_wait3A_613 : memref<128x64xf32, #tpu.memory_space<vmem>>)
      %dma_start3A_617 = arith.constant 1 : i32
      %dma_start3A_618 = arith.constant 0 : i32
      %dma_start3A_619 = arith.constant 0 : i32
      %dma_start3A_620 = tpu.memref_slice %arg11[%dma_start3A_617, %dma_start3A_618, %dma_start3A_619] : memref<10x128x64xf32, #tpu.memory_space<vmem>> -> memref<1x128x64xf32, #tpu.memory_space<vmem>>
      %dma_start3A_621 = tpu.memref_squeeze %dma_start3A_620 : memref<1x128x64xf32, #tpu.memory_space<vmem>> -> memref<128x64xf32, #tpu.memory_space<vmem>>
      %dma_start3A_622 = arith.constant 0 : i32
      %dma_start3A_623 = tpu.memref_slice %arg10[%add3A_601, %dma_start3A_622] : memref<50x128xi32, #tpu.memory_space<vmem>> -> memref<1x128xi32, #tpu.memory_space<vmem>>
      %dma_start3A_624 = tpu.memref_squeeze %dma_start3A_623 : memref<1x128xi32, #tpu.memory_space<vmem>> -> memref<128xi32, #tpu.memory_space<vmem>>
      %dma_start3A_625 = arith.constant 0 : i32
      %dma_start3A_626 = arith.constant 0 : i32
      %dma_start3A_627 = tpu.memref_slice %arg6[%dma_start3A_625, %dma_start3A_626] : memref<204800x64xf32, #tpu.memory_space<hbm>> -> memref<204800x64xf32, #tpu.memory_space<hbm>>
      tpu.enqueue_indirect_dma source(%dma_start3A_621 : memref<128x64xf32, #tpu.memory_space<vmem>>) target(%dma_start3A_627 : memref<204800x64xf32, #tpu.memory_space<hbm>>) offsets(%dma_start3A_624 : memref<128xi32, #tpu.memory_space<vmem>>) semaphore(%arg23 : memref<!tpu.dma_semaphore, #tpu.memory_space<semaphore_mem>>)
      %lt3A_628 = arith.constant 4 : i32
      %lt3A_629 = arith.cmpi slt, %scan3A_565, %lt3A_628 : i32
      %convert_element_type3A_630 = arith.extui %lt3A_629 : i1 to i32
      %cond3A_631 = arith.constant 0 : i32
      %cond3A_632 = arith.cmpi ne, %convert_element_type3A_630, %cond3A_631 : i32
      scf.if %cond3A_632 {
        %dma_wait3A_913 = arith.constant 1 : i32
        %dma_wait3A_914 = arith.constant 0 : i32
        %dma_wait3A_915 = arith.constant 0 : i32
        %dma_wait3A_916 = tpu.memref_slice %arg11[%dma_wait3A_913, %dma_wait3A_914, %dma_wait3A_915] : memref<10x128x64xf32, #tpu.memory_space<vmem>> -> memref<1x128x64xf32, #tpu.memory_space<vmem>>
        %dma_wait3A_917 = tpu.memref_squeeze %dma_wait3A_916 : memref<1x128x64xf32, #tpu.memory_space<vmem>> -> memref<128x64xf32, #tpu.memory_space<vmem>>
        %dma_wait3A_918 = arith.constant 0 : i32
        %dma_wait3A_919 = arith.constant 0 : i32
        %dma_wait3A_920 = tpu.memref_slice %arg6[%dma_wait3A_918, %dma_wait3A_919] : memref<204800x64xf32, #tpu.memory_space<hbm>> -> memref<128x64xf32, #tpu.memory_space<hbm>>
        %dma_wait3A_921 = arith.constant 0 : i32
        %dma_wait3A_922 = arith.constant 0 : i32
        %dma_wait3A_923 = tpu.memref_slice %arg6[%dma_wait3A_921, %dma_wait3A_922] : memref<204800x64xf32, #tpu.memory_space<hbm>> -> memref<128x64xf32, #tpu.memory_space<hbm>>
        %dma_wait3A_924 = arith.constant 0 : i32
        %dma_wait3A_925 = arith.constant 0 : i32
        %dma_wait3A_926 = tpu.memref_slice %arg11[%dma_wait3A_913, %dma_wait3A_924, %dma_wait3A_925] : memref<10x128x64xf32, #tpu.memory_space<vmem>> -> memref<1x128x64xf32, #tpu.memory_space<vmem>>
        %dma_wait3A_927 = tpu.memref_squeeze %dma_wait3A_926 : memref<1x128x64xf32, #tpu.memory_space<vmem>> -> memref<128x64xf32, #tpu.memory_space<vmem>>
        tpu.wait_dma2 semaphore(%arg23 : memref<!tpu.dma_semaphore, #tpu.memory_space<semaphore_mem>>) src(%dma_wait3A_927 : memref<128x64xf32, #tpu.memory_space<vmem>>) dst(%dma_wait3A_923 : memref<128x64xf32, #tpu.memory_space<hbm>>)
        %add3A_928 = arith.constant 10 : i32
        %add3A_929 = arith.addi %add3A_601, %add3A_928 : i32
        %dma_start3A_930 = arith.constant 1 : i32
        %dma_start3A_931 = arith.constant 0 : i32
        %dma_start3A_932 = arith.constant 0 : i32
        %dma_start3A_933 = tpu.memref_slice %arg11[%dma_start3A_930, %dma_start3A_931, %dma_start3A_932] : memref<10x128x64xf32, #tpu.memory_space<vmem>> -> memref<1x128x64xf32, #tpu.memory_space<vmem>>
        %dma_start3A_934 = tpu.memref_squeeze %dma_start3A_933 : memref<1x128x64xf32, #tpu.memory_space<vmem>> -> memref<128x64xf32, #tpu.memory_space<vmem>>
        %dma_start3A_935 = arith.constant 0 : i32
        %dma_start3A_936 = tpu.memref_slice %arg8[%add3A_929, %dma_start3A_935] : memref<50x128xi32, #tpu.memory_space<vmem>> -> memref<1x128xi32, #tpu.memory_space<vmem>>
        %dma_start3A_937 = tpu.memref_squeeze %dma_start3A_936 : memref<1x128xi32, #tpu.memory_space<vmem>> -> memref<128xi32, #tpu.memory_space<vmem>>
        %dma_start3A_938 = arith.constant 0 : i32
        %dma_start3A_939 = arith.constant 0 : i32
        %dma_start3A_940 = tpu.memref_slice %arg2[%dma_start3A_938, %dma_start3A_939] : memref<1000000x64xf32, #tpu.memory_space<hbm>> -> memref<1000000x64xf32, #tpu.memory_space<hbm>>
        tpu.enqueue_indirect_dma source(%dma_start3A_940 : memref<1000000x64xf32, #tpu.memory_space<hbm>>) target(%dma_start3A_934 : memref<128x64xf32, #tpu.memory_space<vmem>>) offsets(%dma_start3A_937 : memref<128xi32, #tpu.memory_space<vmem>>) semaphore(%arg13 : memref<!tpu.dma_semaphore, #tpu.memory_space<semaphore_mem>>)
      } else {
      }
      %mul3A_633 = arith.constant 10 : i32
      %mul3A_634 = arith.muli %scan3A_565, %mul3A_633 : i32
      %add3A_635 = arith.constant 2 : i32
      %add3A_636 = arith.addi %mul3A_634, %add3A_635 : i32
      %dma_wait3A_637 = arith.constant 2 : i32
      %dma_wait3A_638 = arith.constant 0 : i32
      %dma_wait3A_639 = arith.constant 0 : i32
      %dma_wait3A_640 = tpu.memref_slice %arg11[%dma_wait3A_637, %dma_wait3A_638, %dma_wait3A_639] : memref<10x128x64xf32, #tpu.memory_space<vmem>> -> memref<1x128x64xf32, #tpu.memory_space<vmem>>
      %dma_wait3A_641 = tpu.memref_squeeze %dma_wait3A_640 : memref<1x128x64xf32, #tpu.memory_space<vmem>> -> memref<128x64xf32, #tpu.memory_space<vmem>>
      %dma_wait3A_642 = arith.constant 0 : i32
      %dma_wait3A_643 = arith.constant 0 : i32
      %dma_wait3A_644 = tpu.memref_slice %arg2[%dma_wait3A_642, %dma_wait3A_643] : memref<1000000x64xf32, #tpu.memory_space<hbm>> -> memref<128x64xf32, #tpu.memory_space<hbm>>
      %dma_wait3A_645 = arith.constant 0 : i32
      %dma_wait3A_646 = arith.constant 0 : i32
      %dma_wait3A_647 = tpu.memref_slice %arg11[%dma_wait3A_637, %dma_wait3A_645, %dma_wait3A_646] : memref<10x128x64xf32, #tpu.memory_space<vmem>> -> memref<1x128x64xf32, #tpu.memory_space<vmem>>
      %dma_wait3A_648 = tpu.memref_squeeze %dma_wait3A_647 : memref<1x128x64xf32, #tpu.memory_space<vmem>> -> memref<128x64xf32, #tpu.memory_space<vmem>>
      %dma_wait3A_649 = arith.constant 0 : i32
      %dma_wait3A_650 = arith.constant 0 : i32
      %dma_wait3A_651 = tpu.memref_slice %arg2[%dma_wait3A_649, %dma_wait3A_650] : memref<1000000x64xf32, #tpu.memory_space<hbm>> -> memref<128x64xf32, #tpu.memory_space<hbm>>
      tpu.wait_dma2 semaphore(%arg14 : memref<!tpu.dma_semaphore, #tpu.memory_space<semaphore_mem>>) src(%dma_wait3A_651 : memref<128x64xf32, #tpu.memory_space<hbm>>) dst(%dma_wait3A_648 : memref<128x64xf32, #tpu.memory_space<vmem>>)
      %dma_start3A_652 = arith.constant 2 : i32
      %dma_start3A_653 = arith.constant 0 : i32
      %dma_start3A_654 = arith.constant 0 : i32
      %dma_start3A_655 = tpu.memref_slice %arg11[%dma_start3A_652, %dma_start3A_653, %dma_start3A_654] : memref<10x128x64xf32, #tpu.memory_space<vmem>> -> memref<1x128x64xf32, #tpu.memory_space<vmem>>
      %dma_start3A_656 = tpu.memref_squeeze %dma_start3A_655 : memref<1x128x64xf32, #tpu.memory_space<vmem>> -> memref<128x64xf32, #tpu.memory_space<vmem>>
      %dma_start3A_657 = arith.constant 0 : i32
      %dma_start3A_658 = tpu.memref_slice %arg10[%add3A_636, %dma_start3A_657] : memref<50x128xi32, #tpu.memory_space<vmem>> -> memref<1x128xi32, #tpu.memory_space<vmem>>
      %dma_start3A_659 = tpu.memref_squeeze %dma_start3A_658 : memref<1x128xi32, #tpu.memory_space<vmem>> -> memref<128xi32, #tpu.memory_space<vmem>>
      %dma_start3A_660 = arith.constant 0 : i32
      %dma_start3A_661 = arith.constant 0 : i32
      %dma_start3A_662 = tpu.memref_slice %arg6[%dma_start3A_660, %dma_start3A_661] : memref<204800x64xf32, #tpu.memory_space<hbm>> -> memref<204800x64xf32, #tpu.memory_space<hbm>>
      tpu.enqueue_indirect_dma source(%dma_start3A_656 : memref<128x64xf32, #tpu.memory_space<vmem>>) target(%dma_start3A_662 : memref<204800x64xf32, #tpu.memory_space<hbm>>) offsets(%dma_start3A_659 : memref<128xi32, #tpu.memory_space<vmem>>) semaphore(%arg24 : memref<!tpu.dma_semaphore, #tpu.memory_space<semaphore_mem>>)
      %lt3A_663 = arith.constant 4 : i32
      %lt3A_664 = arith.cmpi slt, %scan3A_565, %lt3A_663 : i32
      %convert_element_type3A_665 = arith.extui %lt3A_664 : i1 to i32
      %cond3A_666 = arith.constant 0 : i32
      %cond3A_667 = arith.cmpi ne, %convert_element_type3A_665, %cond3A_666 : i32
      scf.if %cond3A_667 {
        %dma_wait3A_913 = arith.constant 2 : i32
        %dma_wait3A_914 = arith.constant 0 : i32
        %dma_wait3A_915 = arith.constant 0 : i32
        %dma_wait3A_916 = tpu.memref_slice %arg11[%dma_wait3A_913, %dma_wait3A_914, %dma_wait3A_915] : memref<10x128x64xf32, #tpu.memory_space<vmem>> -> memref<1x128x64xf32, #tpu.memory_space<vmem>>
        %dma_wait3A_917 = tpu.memref_squeeze %dma_wait3A_916 : memref<1x128x64xf32, #tpu.memory_space<vmem>> -> memref<128x64xf32, #tpu.memory_space<vmem>>
        %dma_wait3A_918 = arith.constant 0 : i32
        %dma_wait3A_919 = arith.constant 0 : i32
        %dma_wait3A_920 = tpu.memref_slice %arg6[%dma_wait3A_918, %dma_wait3A_919] : memref<204800x64xf32, #tpu.memory_space<hbm>> -> memref<128x64xf32, #tpu.memory_space<hbm>>
        %dma_wait3A_921 = arith.constant 0 : i32
        %dma_wait3A_922 = arith.constant 0 : i32
        %dma_wait3A_923 = tpu.memref_slice %arg6[%dma_wait3A_921, %dma_wait3A_922] : memref<204800x64xf32, #tpu.memory_space<hbm>> -> memref<128x64xf32, #tpu.memory_space<hbm>>
        %dma_wait3A_924 = arith.constant 0 : i32
        %dma_wait3A_925 = arith.constant 0 : i32
        %dma_wait3A_926 = tpu.memref_slice %arg11[%dma_wait3A_913, %dma_wait3A_924, %dma_wait3A_925] : memref<10x128x64xf32, #tpu.memory_space<vmem>> -> memref<1x128x64xf32, #tpu.memory_space<vmem>>
        %dma_wait3A_927 = tpu.memref_squeeze %dma_wait3A_926 : memref<1x128x64xf32, #tpu.memory_space<vmem>> -> memref<128x64xf32, #tpu.memory_space<vmem>>
        tpu.wait_dma2 semaphore(%arg24 : memref<!tpu.dma_semaphore, #tpu.memory_space<semaphore_mem>>) src(%dma_wait3A_927 : memref<128x64xf32, #tpu.memory_space<vmem>>) dst(%dma_wait3A_923 : memref<128x64xf32, #tpu.memory_space<hbm>>)
        %add3A_928 = arith.constant 10 : i32
        %add3A_929 = arith.addi %add3A_636, %add3A_928 : i32
        %dma_start3A_930 = arith.constant 2 : i32
        %dma_start3A_931 = arith.constant 0 : i32
        %dma_start3A_932 = arith.constant 0 : i32
        %dma_start3A_933 = tpu.memref_slice %arg11[%dma_start3A_930, %dma_start3A_931, %dma_start3A_932] : memref<10x128x64xf32, #tpu.memory_space<vmem>> -> memref<1x128x64xf32, #tpu.memory_space<vmem>>
        %dma_start3A_934 = tpu.memref_squeeze %dma_start3A_933 : memref<1x128x64xf32, #tpu.memory_space<vmem>> -> memref<128x64xf32, #tpu.memory_space<vmem>>
        %dma_start3A_935 = arith.constant 0 : i32
        %dma_start3A_936 = tpu.memref_slice %arg8[%add3A_929, %dma_start3A_935] : memref<50x128xi32, #tpu.memory_space<vmem>> -> memref<1x128xi32, #tpu.memory_space<vmem>>
        %dma_start3A_937 = tpu.memref_squeeze %dma_start3A_936 : memref<1x128xi32, #tpu.memory_space<vmem>> -> memref<128xi32, #tpu.memory_space<vmem>>
        %dma_start3A_938 = arith.constant 0 : i32
        %dma_start3A_939 = arith.constant 0 : i32
        %dma_start3A_940 = tpu.memref_slice %arg2[%dma_start3A_938, %dma_start3A_939] : memref<1000000x64xf32, #tpu.memory_space<hbm>> -> memref<1000000x64xf32, #tpu.memory_space<hbm>>
        tpu.enqueue_indirect_dma source(%dma_start3A_940 : memref<1000000x64xf32, #tpu.memory_space<hbm>>) target(%dma_start3A_934 : memref<128x64xf32, #tpu.memory_space<vmem>>) offsets(%dma_start3A_937 : memref<128xi32, #tpu.memory_space<vmem>>) semaphore(%arg14 : memref<!tpu.dma_semaphore, #tpu.memory_space<semaphore_mem>>)
      } else {
      }
      %mul3A_668 = arith.constant 10 : i32
      %mul3A_669 = arith.muli %scan3A_565, %mul3A_668 : i32
      %add3A_670 = arith.constant 3 : i32
      %add3A_671 = arith.addi %mul3A_669, %add3A_670 : i32
      %dma_wait3A_672 = arith.constant 3 : i32
      %dma_wait3A_673 = arith.constant 0 : i32
      %dma_wait3A_674 = arith.constant 0 : i32
      %dma_wait3A_675 = tpu.memref_slice %arg11[%dma_wait3A_672, %dma_wait3A_673, %dma_wait3A_674] : memref<10x128x64xf32, #tpu.memory_space<vmem>> -> memref<1x128x64xf32, #tpu.memory_space<vmem>>
      %dma_wait3A_676 = tpu.memref_squeeze %dma_wait3A_675 : memref<1x128x64xf32, #tpu.memory_space<vmem>> -> memref<128x64xf32, #tpu.memory_space<vmem>>
      %dma_wait3A_677 = arith.constant 0 : i32
      %dma_wait3A_678 = arith.constant 0 : i32
      %dma_wait3A_679 = tpu.memref_slice %arg2[%dma_wait3A_677, %dma_wait3A_678] : memref<1000000x64xf32, #tpu.memory_space<hbm>> -> memref<128x64xf32, #tpu.memory_space<hbm>>
      %dma_wait3A_680 = arith.constant 0 : i32
      %dma_wait3A_681 = arith.constant 0 : i32
      %dma_wait3A_682 = tpu.memref_slice %arg11[%dma_wait3A_672, %dma_wait3A_680, %dma_wait3A_681] : memref<10x128x64xf32, #tpu.memory_space<vmem>> -> memref<1x128x64xf32, #tpu.memory_space<vmem>>
      %dma_wait3A_683 = tpu.memref_squeeze %dma_wait3A_682 : memref<1x128x64xf32, #tpu.memory_space<vmem>> -> memref<128x64xf32, #tpu.memory_space<vmem>>
      %dma_wait3A_684 = arith.constant 0 : i32
      %dma_wait3A_685 = arith.constant 0 : i32
      %dma_wait3A_686 = tpu.memref_slice %arg2[%dma_wait3A_684, %dma_wait3A_685] : memref<1000000x64xf32, #tpu.memory_space<hbm>> -> memref<128x64xf32, #tpu.memory_space<hbm>>
      tpu.wait_dma2 semaphore(%arg15 : memref<!tpu.dma_semaphore, #tpu.memory_space<semaphore_mem>>) src(%dma_wait3A_686 : memref<128x64xf32, #tpu.memory_space<hbm>>) dst(%dma_wait3A_683 : memref<128x64xf32, #tpu.memory_space<vmem>>)
      %dma_start3A_687 = arith.constant 3 : i32
      %dma_start3A_688 = arith.constant 0 : i32
      %dma_start3A_689 = arith.constant 0 : i32
      %dma_start3A_690 = tpu.memref_slice %arg11[%dma_start3A_687, %dma_start3A_688, %dma_start3A_689] : memref<10x128x64xf32, #tpu.memory_space<vmem>> -> memref<1x128x64xf32, #tpu.memory_space<vmem>>
      %dma_start3A_691 = tpu.memref_squeeze %dma_start3A_690 : memref<1x128x64xf32, #tpu.memory_space<vmem>> -> memref<128x64xf32, #tpu.memory_space<vmem>>
      %dma_start3A_692 = arith.constant 0 : i32
      %dma_start3A_693 = tpu.memref_slice %arg10[%add3A_671, %dma_start3A_692] : memref<50x128xi32, #tpu.memory_space<vmem>> -> memref<1x128xi32, #tpu.memory_space<vmem>>
      %dma_start3A_694 = tpu.memref_squeeze %dma_start3A_693 : memref<1x128xi32, #tpu.memory_space<vmem>> -> memref<128xi32, #tpu.memory_space<vmem>>
      %dma_start3A_695 = arith.constant 0 : i32
      %dma_start3A_696 = arith.constant 0 : i32
      %dma_start3A_697 = tpu.memref_slice %arg6[%dma_start3A_695, %dma_start3A_696] : memref<204800x64xf32, #tpu.memory_space<hbm>> -> memref<204800x64xf32, #tpu.memory_space<hbm>>
      tpu.enqueue_indirect_dma source(%dma_start3A_691 : memref<128x64xf32, #tpu.memory_space<vmem>>) target(%dma_start3A_697 : memref<204800x64xf32, #tpu.memory_space<hbm>>) offsets(%dma_start3A_694 : memref<128xi32, #tpu.memory_space<vmem>>) semaphore(%arg25 : memref<!tpu.dma_semaphore, #tpu.memory_space<semaphore_mem>>)
      %lt3A_698 = arith.constant 4 : i32
      %lt3A_699 = arith.cmpi slt, %scan3A_565, %lt3A_698 : i32
      %convert_element_type3A_700 = arith.extui %lt3A_699 : i1 to i32
      %cond3A_701 = arith.constant 0 : i32
      %cond3A_702 = arith.cmpi ne, %convert_element_type3A_700, %cond3A_701 : i32
      scf.if %cond3A_702 {
        %dma_wait3A_913 = arith.constant 3 : i32
        %dma_wait3A_914 = arith.constant 0 : i32
        %dma_wait3A_915 = arith.constant 0 : i32
        %dma_wait3A_916 = tpu.memref_slice %arg11[%dma_wait3A_913, %dma_wait3A_914, %dma_wait3A_915] : memref<10x128x64xf32, #tpu.memory_space<vmem>> -> memref<1x128x64xf32, #tpu.memory_space<vmem>>
        %dma_wait3A_917 = tpu.memref_squeeze %dma_wait3A_916 : memref<1x128x64xf32, #tpu.memory_space<vmem>> -> memref<128x64xf32, #tpu.memory_space<vmem>>
        %dma_wait3A_918 = arith.constant 0 : i32
        %dma_wait3A_919 = arith.constant 0 : i32
        %dma_wait3A_920 = tpu.memref_slice %arg6[%dma_wait3A_918, %dma_wait3A_919] : memref<204800x64xf32, #tpu.memory_space<hbm>> -> memref<128x64xf32, #tpu.memory_space<hbm>>
        %dma_wait3A_921 = arith.constant 0 : i32
        %dma_wait3A_922 = arith.constant 0 : i32
        %dma_wait3A_923 = tpu.memref_slice %arg6[%dma_wait3A_921, %dma_wait3A_922] : memref<204800x64xf32, #tpu.memory_space<hbm>> -> memref<128x64xf32, #tpu.memory_space<hbm>>
        %dma_wait3A_924 = arith.constant 0 : i32
        %dma_wait3A_925 = arith.constant 0 : i32
        %dma_wait3A_926 = tpu.memref_slice %arg11[%dma_wait3A_913, %dma_wait3A_924, %dma_wait3A_925] : memref<10x128x64xf32, #tpu.memory_space<vmem>> -> memref<1x128x64xf32, #tpu.memory_space<vmem>>
        %dma_wait3A_927 = tpu.memref_squeeze %dma_wait3A_926 : memref<1x128x64xf32, #tpu.memory_space<vmem>> -> memref<128x64xf32, #tpu.memory_space<vmem>>
        tpu.wait_dma2 semaphore(%arg25 : memref<!tpu.dma_semaphore, #tpu.memory_space<semaphore_mem>>) src(%dma_wait3A_927 : memref<128x64xf32, #tpu.memory_space<vmem>>) dst(%dma_wait3A_923 : memref<128x64xf32, #tpu.memory_space<hbm>>)
        %add3A_928 = arith.constant 10 : i32
        %add3A_929 = arith.addi %add3A_671, %add3A_928 : i32
        %dma_start3A_930 = arith.constant 3 : i32
        %dma_start3A_931 = arith.constant 0 : i32
        %dma_start3A_932 = arith.constant 0 : i32
        %dma_start3A_933 = tpu.memref_slice %arg11[%dma_start3A_930, %dma_start3A_931, %dma_start3A_932] : memref<10x128x64xf32, #tpu.memory_space<vmem>> -> memref<1x128x64xf32, #tpu.memory_space<vmem>>
        %dma_start3A_934 = tpu.memref_squeeze %dma_start3A_933 : memref<1x128x64xf32, #tpu.memory_space<vmem>> -> memref<128x64xf32, #tpu.memory_space<vmem>>
        %dma_start3A_935 = arith.constant 0 : i32
        %dma_start3A_936 = tpu.memref_slice %arg8[%add3A_929, %dma_start3A_935] : memref<50x128xi32, #tpu.memory_space<vmem>> -> memref<1x128xi32, #tpu.memory_space<vmem>>
        %dma_start3A_937 = tpu.memref_squeeze %dma_start3A_936 : memref<1x128xi32, #tpu.memory_space<vmem>> -> memref<128xi32, #tpu.memory_space<vmem>>
        %dma_start3A_938 = arith.constant 0 : i32
        %dma_start3A_939 = arith.constant 0 : i32
        %dma_start3A_940 = tpu.memref_slice %arg2[%dma_start3A_938, %dma_start3A_939] : memref<1000000x64xf32, #tpu.memory_space<hbm>> -> memref<1000000x64xf32, #tpu.memory_space<hbm>>
        tpu.enqueue_indirect_dma source(%dma_start3A_940 : memref<1000000x64xf32, #tpu.memory_space<hbm>>) target(%dma_start3A_934 : memref<128x64xf32, #tpu.memory_space<vmem>>) offsets(%dma_start3A_937 : memref<128xi32, #tpu.memory_space<vmem>>) semaphore(%arg15 : memref<!tpu.dma_semaphore, #tpu.memory_space<semaphore_mem>>)
      } else {
      }
      %mul3A_703 = arith.constant 10 : i32
      %mul3A_704 = arith.muli %scan3A_565, %mul3A_703 : i32
      %add3A_705 = arith.constant 4 : i32
      %add3A_706 = arith.addi %mul3A_704, %add3A_705 : i32
      %dma_wait3A_707 = arith.constant 4 : i32
      %dma_wait3A_708 = arith.constant 0 : i32
      %dma_wait3A_709 = arith.constant 0 : i32
      %dma_wait3A_710 = tpu.memref_slice %arg11[%dma_wait3A_707, %dma_wait3A_708, %dma_wait3A_709] : memref<10x128x64xf32, #tpu.memory_space<vmem>> -> memref<1x128x64xf32, #tpu.memory_space<vmem>>
      %dma_wait3A_711 = tpu.memref_squeeze %dma_wait3A_710 : memref<1x128x64xf32, #tpu.memory_space<vmem>> -> memref<128x64xf32, #tpu.memory_space<vmem>>
      %dma_wait3A_712 = arith.constant 0 : i32
      %dma_wait3A_713 = arith.constant 0 : i32
      %dma_wait3A_714 = tpu.memref_slice %arg2[%dma_wait3A_712, %dma_wait3A_713] : memref<1000000x64xf32, #tpu.memory_space<hbm>> -> memref<128x64xf32, #tpu.memory_space<hbm>>
      %dma_wait3A_715 = arith.constant 0 : i32
      %dma_wait3A_716 = arith.constant 0 : i32
      %dma_wait3A_717 = tpu.memref_slice %arg11[%dma_wait3A_707, %dma_wait3A_715, %dma_wait3A_716] : memref<10x128x64xf32, #tpu.memory_space<vmem>> -> memref<1x128x64xf32, #tpu.memory_space<vmem>>
      %dma_wait3A_718 = tpu.memref_squeeze %dma_wait3A_717 : memref<1x128x64xf32, #tpu.memory_space<vmem>> -> memref<128x64xf32, #tpu.memory_space<vmem>>
      %dma_wait3A_719 = arith.constant 0 : i32
      %dma_wait3A_720 = arith.constant 0 : i32
      %dma_wait3A_721 = tpu.memref_slice %arg2[%dma_wait3A_719, %dma_wait3A_720] : memref<1000000x64xf32, #tpu.memory_space<hbm>> -> memref<128x64xf32, #tpu.memory_space<hbm>>
      tpu.wait_dma2 semaphore(%arg16 : memref<!tpu.dma_semaphore, #tpu.memory_space<semaphore_mem>>) src(%dma_wait3A_721 : memref<128x64xf32, #tpu.memory_space<hbm>>) dst(%dma_wait3A_718 : memref<128x64xf32, #tpu.memory_space<vmem>>)
      %dma_start3A_722 = arith.constant 4 : i32
      %dma_start3A_723 = arith.constant 0 : i32
      %dma_start3A_724 = arith.constant 0 : i32
      %dma_start3A_725 = tpu.memref_slice %arg11[%dma_start3A_722, %dma_start3A_723, %dma_start3A_724] : memref<10x128x64xf32, #tpu.memory_space<vmem>> -> memref<1x128x64xf32, #tpu.memory_space<vmem>>
      %dma_start3A_726 = tpu.memref_squeeze %dma_start3A_725 : memref<1x128x64xf32, #tpu.memory_space<vmem>> -> memref<128x64xf32, #tpu.memory_space<vmem>>
      %dma_start3A_727 = arith.constant 0 : i32
      %dma_start3A_728 = tpu.memref_slice %arg10[%add3A_706, %dma_start3A_727] : memref<50x128xi32, #tpu.memory_space<vmem>> -> memref<1x128xi32, #tpu.memory_space<vmem>>
      %dma_start3A_729 = tpu.memref_squeeze %dma_start3A_728 : memref<1x128xi32, #tpu.memory_space<vmem>> -> memref<128xi32, #tpu.memory_space<vmem>>
      %dma_start3A_730 = arith.constant 0 : i32
      %dma_start3A_731 = arith.constant 0 : i32
      %dma_start3A_732 = tpu.memref_slice %arg6[%dma_start3A_730, %dma_start3A_731] : memref<204800x64xf32, #tpu.memory_space<hbm>> -> memref<204800x64xf32, #tpu.memory_space<hbm>>
      tpu.enqueue_indirect_dma source(%dma_start3A_726 : memref<128x64xf32, #tpu.memory_space<vmem>>) target(%dma_start3A_732 : memref<204800x64xf32, #tpu.memory_space<hbm>>) offsets(%dma_start3A_729 : memref<128xi32, #tpu.memory_space<vmem>>) semaphore(%arg26 : memref<!tpu.dma_semaphore, #tpu.memory_space<semaphore_mem>>)
      %lt3A_733 = arith.constant 4 : i32
      %lt3A_734 = arith.cmpi slt, %scan3A_565, %lt3A_733 : i32
      %convert_element_type3A_735 = arith.extui %lt3A_734 : i1 to i32
      %cond3A_736 = arith.constant 0 : i32
      %cond3A_737 = arith.cmpi ne, %convert_element_type3A_735, %cond3A_736 : i32
      scf.if %cond3A_737 {
        %dma_wait3A_913 = arith.constant 4 : i32
        %dma_wait3A_914 = arith.constant 0 : i32
        %dma_wait3A_915 = arith.constant 0 : i32
        %dma_wait3A_916 = tpu.memref_slice %arg11[%dma_wait3A_913, %dma_wait3A_914, %dma_wait3A_915] : memref<10x128x64xf32, #tpu.memory_space<vmem>> -> memref<1x128x64xf32, #tpu.memory_space<vmem>>
        %dma_wait3A_917 = tpu.memref_squeeze %dma_wait3A_916 : memref<1x128x64xf32, #tpu.memory_space<vmem>> -> memref<128x64xf32, #tpu.memory_space<vmem>>
        %dma_wait3A_918 = arith.constant 0 : i32
        %dma_wait3A_919 = arith.constant 0 : i32
        %dma_wait3A_920 = tpu.memref_slice %arg6[%dma_wait3A_918, %dma_wait3A_919] : memref<204800x64xf32, #tpu.memory_space<hbm>> -> memref<128x64xf32, #tpu.memory_space<hbm>>
        %dma_wait3A_921 = arith.constant 0 : i32
        %dma_wait3A_922 = arith.constant 0 : i32
        %dma_wait3A_923 = tpu.memref_slice %arg6[%dma_wait3A_921, %dma_wait3A_922] : memref<204800x64xf32, #tpu.memory_space<hbm>> -> memref<128x64xf32, #tpu.memory_space<hbm>>
        %dma_wait3A_924 = arith.constant 0 : i32
        %dma_wait3A_925 = arith.constant 0 : i32
        %dma_wait3A_926 = tpu.memref_slice %arg11[%dma_wait3A_913, %dma_wait3A_924, %dma_wait3A_925] : memref<10x128x64xf32, #tpu.memory_space<vmem>> -> memref<1x128x64xf32, #tpu.memory_space<vmem>>
        %dma_wait3A_927 = tpu.memref_squeeze %dma_wait3A_926 : memref<1x128x64xf32, #tpu.memory_space<vmem>> -> memref<128x64xf32, #tpu.memory_space<vmem>>
        tpu.wait_dma2 semaphore(%arg26 : memref<!tpu.dma_semaphore, #tpu.memory_space<semaphore_mem>>) src(%dma_wait3A_927 : memref<128x64xf32, #tpu.memory_space<vmem>>) dst(%dma_wait3A_923 : memref<128x64xf32, #tpu.memory_space<hbm>>)
        %add3A_928 = arith.constant 10 : i32
        %add3A_929 = arith.addi %add3A_706, %add3A_928 : i32
        %dma_start3A_930 = arith.constant 4 : i32
        %dma_start3A_931 = arith.constant 0 : i32
        %dma_start3A_932 = arith.constant 0 : i32
        %dma_start3A_933 = tpu.memref_slice %arg11[%dma_start3A_930, %dma_start3A_931, %dma_start3A_932] : memref<10x128x64xf32, #tpu.memory_space<vmem>> -> memref<1x128x64xf32, #tpu.memory_space<vmem>>
        %dma_start3A_934 = tpu.memref_squeeze %dma_start3A_933 : memref<1x128x64xf32, #tpu.memory_space<vmem>> -> memref<128x64xf32, #tpu.memory_space<vmem>>
        %dma_start3A_935 = arith.constant 0 : i32
        %dma_start3A_936 = tpu.memref_slice %arg8[%add3A_929, %dma_start3A_935] : memref<50x128xi32, #tpu.memory_space<vmem>> -> memref<1x128xi32, #tpu.memory_space<vmem>>
        %dma_start3A_937 = tpu.memref_squeeze %dma_start3A_936 : memref<1x128xi32, #tpu.memory_space<vmem>> -> memref<128xi32, #tpu.memory_space<vmem>>
        %dma_start3A_938 = arith.constant 0 : i32
        %dma_start3A_939 = arith.constant 0 : i32
        %dma_start3A_940 = tpu.memref_slice %arg2[%dma_start3A_938, %dma_start3A_939] : memref<1000000x64xf32, #tpu.memory_space<hbm>> -> memref<1000000x64xf32, #tpu.memory_space<hbm>>
        tpu.enqueue_indirect_dma source(%dma_start3A_940 : memref<1000000x64xf32, #tpu.memory_space<hbm>>) target(%dma_start3A_934 : memref<128x64xf32, #tpu.memory_space<vmem>>) offsets(%dma_start3A_937 : memref<128xi32, #tpu.memory_space<vmem>>) semaphore(%arg16 : memref<!tpu.dma_semaphore, #tpu.memory_space<semaphore_mem>>)
      } else {
      }
      %mul3A_738 = arith.constant 10 : i32
      %mul3A_739 = arith.muli %scan3A_565, %mul3A_738 : i32
      %add3A_740 = arith.constant 5 : i32
      %add3A_741 = arith.addi %mul3A_739, %add3A_740 : i32
      %dma_wait3A_742 = arith.constant 5 : i32
      %dma_wait3A_743 = arith.constant 0 : i32
      %dma_wait3A_744 = arith.constant 0 : i32
      %dma_wait3A_745 = tpu.memref_slice %arg11[%dma_wait3A_742, %dma_wait3A_743, %dma_wait3A_744] : memref<10x128x64xf32, #tpu.memory_space<vmem>> -> memref<1x128x64xf32, #tpu.memory_space<vmem>>
      %dma_wait3A_746 = tpu.memref_squeeze %dma_wait3A_745 : memref<1x128x64xf32, #tpu.memory_space<vmem>> -> memref<128x64xf32, #tpu.memory_space<vmem>>
      %dma_wait3A_747 = arith.constant 0 : i32
      %dma_wait3A_748 = arith.constant 0 : i32
      %dma_wait3A_749 = tpu.memref_slice %arg2[%dma_wait3A_747, %dma_wait3A_748] : memref<1000000x64xf32, #tpu.memory_space<hbm>> -> memref<128x64xf32, #tpu.memory_space<hbm>>
      %dma_wait3A_750 = arith.constant 0 : i32
      %dma_wait3A_751 = arith.constant 0 : i32
      %dma_wait3A_752 = tpu.memref_slice %arg11[%dma_wait3A_742, %dma_wait3A_750, %dma_wait3A_751] : memref<10x128x64xf32, #tpu.memory_space<vmem>> -> memref<1x128x64xf32, #tpu.memory_space<vmem>>
      %dma_wait3A_753 = tpu.memref_squeeze %dma_wait3A_752 : memref<1x128x64xf32, #tpu.memory_space<vmem>> -> memref<128x64xf32, #tpu.memory_space<vmem>>
      %dma_wait3A_754 = arith.constant 0 : i32
      %dma_wait3A_755 = arith.constant 0 : i32
      %dma_wait3A_756 = tpu.memref_slice %arg2[%dma_wait3A_754, %dma_wait3A_755] : memref<1000000x64xf32, #tpu.memory_space<hbm>> -> memref<128x64xf32, #tpu.memory_space<hbm>>
      tpu.wait_dma2 semaphore(%arg17 : memref<!tpu.dma_semaphore, #tpu.memory_space<semaphore_mem>>) src(%dma_wait3A_756 : memref<128x64xf32, #tpu.memory_space<hbm>>) dst(%dma_wait3A_753 : memref<128x64xf32, #tpu.memory_space<vmem>>)
      %dma_start3A_757 = arith.constant 5 : i32
      %dma_start3A_758 = arith.constant 0 : i32
      %dma_start3A_759 = arith.constant 0 : i32
      %dma_start3A_760 = tpu.memref_slice %arg11[%dma_start3A_757, %dma_start3A_758, %dma_start3A_759] : memref<10x128x64xf32, #tpu.memory_space<vmem>> -> memref<1x128x64xf32, #tpu.memory_space<vmem>>
      %dma_start3A_761 = tpu.memref_squeeze %dma_start3A_760 : memref<1x128x64xf32, #tpu.memory_space<vmem>> -> memref<128x64xf32, #tpu.memory_space<vmem>>
      %dma_start3A_762 = arith.constant 0 : i32
      %dma_start3A_763 = tpu.memref_slice %arg10[%add3A_741, %dma_start3A_762] : memref<50x128xi32, #tpu.memory_space<vmem>> -> memref<1x128xi32, #tpu.memory_space<vmem>>
      %dma_start3A_764 = tpu.memref_squeeze %dma_start3A_763 : memref<1x128xi32, #tpu.memory_space<vmem>> -> memref<128xi32, #tpu.memory_space<vmem>>
      %dma_start3A_765 = arith.constant 0 : i32
      %dma_start3A_766 = arith.constant 0 : i32
      %dma_start3A_767 = tpu.memref_slice %arg6[%dma_start3A_765, %dma_start3A_766] : memref<204800x64xf32, #tpu.memory_space<hbm>> -> memref<204800x64xf32, #tpu.memory_space<hbm>>
      tpu.enqueue_indirect_dma source(%dma_start3A_761 : memref<128x64xf32, #tpu.memory_space<vmem>>) target(%dma_start3A_767 : memref<204800x64xf32, #tpu.memory_space<hbm>>) offsets(%dma_start3A_764 : memref<128xi32, #tpu.memory_space<vmem>>) semaphore(%arg27 : memref<!tpu.dma_semaphore, #tpu.memory_space<semaphore_mem>>)
      %lt3A_768 = arith.constant 4 : i32
      %lt3A_769 = arith.cmpi slt, %scan3A_565, %lt3A_768 : i32
      %convert_element_type3A_770 = arith.extui %lt3A_769 : i1 to i32
      %cond3A_771 = arith.constant 0 : i32
      %cond3A_772 = arith.cmpi ne, %convert_element_type3A_770, %cond3A_771 : i32
      scf.if %cond3A_772 {
        %dma_wait3A_913 = arith.constant 5 : i32
        %dma_wait3A_914 = arith.constant 0 : i32
        %dma_wait3A_915 = arith.constant 0 : i32
        %dma_wait3A_916 = tpu.memref_slice %arg11[%dma_wait3A_913, %dma_wait3A_914, %dma_wait3A_915] : memref<10x128x64xf32, #tpu.memory_space<vmem>> -> memref<1x128x64xf32, #tpu.memory_space<vmem>>
        %dma_wait3A_917 = tpu.memref_squeeze %dma_wait3A_916 : memref<1x128x64xf32, #tpu.memory_space<vmem>> -> memref<128x64xf32, #tpu.memory_space<vmem>>
        %dma_wait3A_918 = arith.constant 0 : i32
        %dma_wait3A_919 = arith.constant 0 : i32
        %dma_wait3A_920 = tpu.memref_slice %arg6[%dma_wait3A_918, %dma_wait3A_919] : memref<204800x64xf32, #tpu.memory_space<hbm>> -> memref<128x64xf32, #tpu.memory_space<hbm>>
        %dma_wait3A_921 = arith.constant 0 : i32
        %dma_wait3A_922 = arith.constant 0 : i32
        %dma_wait3A_923 = tpu.memref_slice %arg6[%dma_wait3A_921, %dma_wait3A_922] : memref<204800x64xf32, #tpu.memory_space<hbm>> -> memref<128x64xf32, #tpu.memory_space<hbm>>
        %dma_wait3A_924 = arith.constant 0 : i32
        %dma_wait3A_925 = arith.constant 0 : i32
        %dma_wait3A_926 = tpu.memref_slice %arg11[%dma_wait3A_913, %dma_wait3A_924, %dma_wait3A_925] : memref<10x128x64xf32, #tpu.memory_space<vmem>> -> memref<1x128x64xf32, #tpu.memory_space<vmem>>
        %dma_wait3A_927 = tpu.memref_squeeze %dma_wait3A_926 : memref<1x128x64xf32, #tpu.memory_space<vmem>> -> memref<128x64xf32, #tpu.memory_space<vmem>>
        tpu.wait_dma2 semaphore(%arg27 : memref<!tpu.dma_semaphore, #tpu.memory_space<semaphore_mem>>) src(%dma_wait3A_927 : memref<128x64xf32, #tpu.memory_space<vmem>>) dst(%dma_wait3A_923 : memref<128x64xf32, #tpu.memory_space<hbm>>)
        %add3A_928 = arith.constant 10 : i32
        %add3A_929 = arith.addi %add3A_741, %add3A_928 : i32
        %dma_start3A_930 = arith.constant 5 : i32
        %dma_start3A_931 = arith.constant 0 : i32
        %dma_start3A_932 = arith.constant 0 : i32
        %dma_start3A_933 = tpu.memref_slice %arg11[%dma_start3A_930, %dma_start3A_931, %dma_start3A_932] : memref<10x128x64xf32, #tpu.memory_space<vmem>> -> memref<1x128x64xf32, #tpu.memory_space<vmem>>
        %dma_start3A_934 = tpu.memref_squeeze %dma_start3A_933 : memref<1x128x64xf32, #tpu.memory_space<vmem>> -> memref<128x64xf32, #tpu.memory_space<vmem>>
        %dma_start3A_935 = arith.constant 0 : i32
        %dma_start3A_936 = tpu.memref_slice %arg8[%add3A_929, %dma_start3A_935] : memref<50x128xi32, #tpu.memory_space<vmem>> -> memref<1x128xi32, #tpu.memory_space<vmem>>
        %dma_start3A_937 = tpu.memref_squeeze %dma_start3A_936 : memref<1x128xi32, #tpu.memory_space<vmem>> -> memref<128xi32, #tpu.memory_space<vmem>>
        %dma_start3A_938 = arith.constant 0 : i32
        %dma_start3A_939 = arith.constant 0 : i32
        %dma_start3A_940 = tpu.memref_slice %arg2[%dma_start3A_938, %dma_start3A_939] : memref<1000000x64xf32, #tpu.memory_space<hbm>> -> memref<1000000x64xf32, #tpu.memory_space<hbm>>
        tpu.enqueue_indirect_dma source(%dma_start3A_940 : memref<1000000x64xf32, #tpu.memory_space<hbm>>) target(%dma_start3A_934 : memref<128x64xf32, #tpu.memory_space<vmem>>) offsets(%dma_start3A_937 : memref<128xi32, #tpu.memory_space<vmem>>) semaphore(%arg17 : memref<!tpu.dma_semaphore, #tpu.memory_space<semaphore_mem>>)
      } else {
      }
      %mul3A_773 = arith.constant 10 : i32
      %mul3A_774 = arith.muli %scan3A_565, %mul3A_773 : i32
      %add3A_775 = arith.constant 6 : i32
      %add3A_776 = arith.addi %mul3A_774, %add3A_775 : i32
      %dma_wait3A_777 = arith.constant 6 : i32
      %dma_wait3A_778 = arith.constant 0 : i32
      %dma_wait3A_779 = arith.constant 0 : i32
      %dma_wait3A_780 = tpu.memref_slice %arg11[%dma_wait3A_777, %dma_wait3A_778, %dma_wait3A_779] : memref<10x128x64xf32, #tpu.memory_space<vmem>> -> memref<1x128x64xf32, #tpu.memory_space<vmem>>
      %dma_wait3A_781 = tpu.memref_squeeze %dma_wait3A_780 : memref<1x128x64xf32, #tpu.memory_space<vmem>> -> memref<128x64xf32, #tpu.memory_space<vmem>>
      %dma_wait3A_782 = arith.constant 0 : i32
      %dma_wait3A_783 = arith.constant 0 : i32
      %dma_wait3A_784 = tpu.memref_slice %arg2[%dma_wait3A_782, %dma_wait3A_783] : memref<1000000x64xf32, #tpu.memory_space<hbm>> -> memref<128x64xf32, #tpu.memory_space<hbm>>
      %dma_wait3A_785 = arith.constant 0 : i32
      %dma_wait3A_786 = arith.constant 0 : i32
      %dma_wait3A_787 = tpu.memref_slice %arg11[%dma_wait3A_777, %dma_wait3A_785, %dma_wait3A_786] : memref<10x128x64xf32, #tpu.memory_space<vmem>> -> memref<1x128x64xf32, #tpu.memory_space<vmem>>
      %dma_wait3A_788 = tpu.memref_squeeze %dma_wait3A_787 : memref<1x128x64xf32, #tpu.memory_space<vmem>> -> memref<128x64xf32, #tpu.memory_space<vmem>>
      %dma_wait3A_789 = arith.constant 0 : i32
      %dma_wait3A_790 = arith.constant 0 : i32
      %dma_wait3A_791 = tpu.memref_slice %arg2[%dma_wait3A_789, %dma_wait3A_790] : memref<1000000x64xf32, #tpu.memory_space<hbm>> -> memref<128x64xf32, #tpu.memory_space<hbm>>
      tpu.wait_dma2 semaphore(%arg18 : memref<!tpu.dma_semaphore, #tpu.memory_space<semaphore_mem>>) src(%dma_wait3A_791 : memref<128x64xf32, #tpu.memory_space<hbm>>) dst(%dma_wait3A_788 : memref<128x64xf32, #tpu.memory_space<vmem>>)
      %dma_start3A_792 = arith.constant 6 : i32
      %dma_start3A_793 = arith.constant 0 : i32
      %dma_start3A_794 = arith.constant 0 : i32
      %dma_start3A_795 = tpu.memref_slice %arg11[%dma_start3A_792, %dma_start3A_793, %dma_start3A_794] : memref<10x128x64xf32, #tpu.memory_space<vmem>> -> memref<1x128x64xf32, #tpu.memory_space<vmem>>
      %dma_start3A_796 = tpu.memref_squeeze %dma_start3A_795 : memref<1x128x64xf32, #tpu.memory_space<vmem>> -> memref<128x64xf32, #tpu.memory_space<vmem>>
      %dma_start3A_797 = arith.constant 0 : i32
      %dma_start3A_798 = tpu.memref_slice %arg10[%add3A_776, %dma_start3A_797] : memref<50x128xi32, #tpu.memory_space<vmem>> -> memref<1x128xi32, #tpu.memory_space<vmem>>
      %dma_start3A_799 = tpu.memref_squeeze %dma_start3A_798 : memref<1x128xi32, #tpu.memory_space<vmem>> -> memref<128xi32, #tpu.memory_space<vmem>>
      %dma_start3A_800 = arith.constant 0 : i32
      %dma_start3A_801 = arith.constant 0 : i32
      %dma_start3A_802 = tpu.memref_slice %arg6[%dma_start3A_800, %dma_start3A_801] : memref<204800x64xf32, #tpu.memory_space<hbm>> -> memref<204800x64xf32, #tpu.memory_space<hbm>>
      tpu.enqueue_indirect_dma source(%dma_start3A_796 : memref<128x64xf32, #tpu.memory_space<vmem>>) target(%dma_start3A_802 : memref<204800x64xf32, #tpu.memory_space<hbm>>) offsets(%dma_start3A_799 : memref<128xi32, #tpu.memory_space<vmem>>) semaphore(%arg28 : memref<!tpu.dma_semaphore, #tpu.memory_space<semaphore_mem>>)
      %lt3A_803 = arith.constant 4 : i32
      %lt3A_804 = arith.cmpi slt, %scan3A_565, %lt3A_803 : i32
      %convert_element_type3A_805 = arith.extui %lt3A_804 : i1 to i32
      %cond3A_806 = arith.constant 0 : i32
      %cond3A_807 = arith.cmpi ne, %convert_element_type3A_805, %cond3A_806 : i32
      scf.if %cond3A_807 {
        %dma_wait3A_913 = arith.constant 6 : i32
        %dma_wait3A_914 = arith.constant 0 : i32
        %dma_wait3A_915 = arith.constant 0 : i32
        %dma_wait3A_916 = tpu.memref_slice %arg11[%dma_wait3A_913, %dma_wait3A_914, %dma_wait3A_915] : memref<10x128x64xf32, #tpu.memory_space<vmem>> -> memref<1x128x64xf32, #tpu.memory_space<vmem>>
        %dma_wait3A_917 = tpu.memref_squeeze %dma_wait3A_916 : memref<1x128x64xf32, #tpu.memory_space<vmem>> -> memref<128x64xf32, #tpu.memory_space<vmem>>
        %dma_wait3A_918 = arith.constant 0 : i32
        %dma_wait3A_919 = arith.constant 0 : i32
        %dma_wait3A_920 = tpu.memref_slice %arg6[%dma_wait3A_918, %dma_wait3A_919] : memref<204800x64xf32, #tpu.memory_space<hbm>> -> memref<128x64xf32, #tpu.memory_space<hbm>>
        %dma_wait3A_921 = arith.constant 0 : i32
        %dma_wait3A_922 = arith.constant 0 : i32
        %dma_wait3A_923 = tpu.memref_slice %arg6[%dma_wait3A_921, %dma_wait3A_922] : memref<204800x64xf32, #tpu.memory_space<hbm>> -> memref<128x64xf32, #tpu.memory_space<hbm>>
        %dma_wait3A_924 = arith.constant 0 : i32
        %dma_wait3A_925 = arith.constant 0 : i32
        %dma_wait3A_926 = tpu.memref_slice %arg11[%dma_wait3A_913, %dma_wait3A_924, %dma_wait3A_925] : memref<10x128x64xf32, #tpu.memory_space<vmem>> -> memref<1x128x64xf32, #tpu.memory_space<vmem>>
        %dma_wait3A_927 = tpu.memref_squeeze %dma_wait3A_926 : memref<1x128x64xf32, #tpu.memory_space<vmem>> -> memref<128x64xf32, #tpu.memory_space<vmem>>
        tpu.wait_dma2 semaphore(%arg28 : memref<!tpu.dma_semaphore, #tpu.memory_space<semaphore_mem>>) src(%dma_wait3A_927 : memref<128x64xf32, #tpu.memory_space<vmem>>) dst(%dma_wait3A_923 : memref<128x64xf32, #tpu.memory_space<hbm>>)
        %add3A_928 = arith.constant 10 : i32
        %add3A_929 = arith.addi %add3A_776, %add3A_928 : i32
        %dma_start3A_930 = arith.constant 6 : i32
        %dma_start3A_931 = arith.constant 0 : i32
        %dma_start3A_932 = arith.constant 0 : i32
        %dma_start3A_933 = tpu.memref_slice %arg11[%dma_start3A_930, %dma_start3A_931, %dma_start3A_932] : memref<10x128x64xf32, #tpu.memory_space<vmem>> -> memref<1x128x64xf32, #tpu.memory_space<vmem>>
        %dma_start3A_934 = tpu.memref_squeeze %dma_start3A_933 : memref<1x128x64xf32, #tpu.memory_space<vmem>> -> memref<128x64xf32, #tpu.memory_space<vmem>>
        %dma_start3A_935 = arith.constant 0 : i32
        %dma_start3A_936 = tpu.memref_slice %arg8[%add3A_929, %dma_start3A_935] : memref<50x128xi32, #tpu.memory_space<vmem>> -> memref<1x128xi32, #tpu.memory_space<vmem>>
        %dma_start3A_937 = tpu.memref_squeeze %dma_start3A_936 : memref<1x128xi32, #tpu.memory_space<vmem>> -> memref<128xi32, #tpu.memory_space<vmem>>
        %dma_start3A_938 = arith.constant 0 : i32
        %dma_start3A_939 = arith.constant 0 : i32
        %dma_start3A_940 = tpu.memref_slice %arg2[%dma_start3A_938, %dma_start3A_939] : memref<1000000x64xf32, #tpu.memory_space<hbm>> -> memref<1000000x64xf32, #tpu.memory_space<hbm>>
        tpu.enqueue_indirect_dma source(%dma_start3A_940 : memref<1000000x64xf32, #tpu.memory_space<hbm>>) target(%dma_start3A_934 : memref<128x64xf32, #tpu.memory_space<vmem>>) offsets(%dma_start3A_937 : memref<128xi32, #tpu.memory_space<vmem>>) semaphore(%arg18 : memref<!tpu.dma_semaphore, #tpu.memory_space<semaphore_mem>>)
      } else {
      }
      %mul3A_808 = arith.constant 10 : i32
      %mul3A_809 = arith.muli %scan3A_565, %mul3A_808 : i32
      %add3A_810 = arith.constant 7 : i32
      %add3A_811 = arith.addi %mul3A_809, %add3A_810 : i32
      %dma_wait3A_812 = arith.constant 7 : i32
      %dma_wait3A_813 = arith.constant 0 : i32
      %dma_wait3A_814 = arith.constant 0 : i32
      %dma_wait3A_815 = tpu.memref_slice %arg11[%dma_wait3A_812, %dma_wait3A_813, %dma_wait3A_814] : memref<10x128x64xf32, #tpu.memory_space<vmem>> -> memref<1x128x64xf32, #tpu.memory_space<vmem>>
      %dma_wait3A_816 = tpu.memref_squeeze %dma_wait3A_815 : memref<1x128x64xf32, #tpu.memory_space<vmem>> -> memref<128x64xf32, #tpu.memory_space<vmem>>
      %dma_wait3A_817 = arith.constant 0 : i32
      %dma_wait3A_818 = arith.constant 0 : i32
      %dma_wait3A_819 = tpu.memref_slice %arg2[%dma_wait3A_817, %dma_wait3A_818] : memref<1000000x64xf32, #tpu.memory_space<hbm>> -> memref<128x64xf32, #tpu.memory_space<hbm>>
      %dma_wait3A_820 = arith.constant 0 : i32
      %dma_wait3A_821 = arith.constant 0 : i32
      %dma_wait3A_822 = tpu.memref_slice %arg11[%dma_wait3A_812, %dma_wait3A_820, %dma_wait3A_821] : memref<10x128x64xf32, #tpu.memory_space<vmem>> -> memref<1x128x64xf32, #tpu.memory_space<vmem>>
      %dma_wait3A_823 = tpu.memref_squeeze %dma_wait3A_822 : memref<1x128x64xf32, #tpu.memory_space<vmem>> -> memref<128x64xf32, #tpu.memory_space<vmem>>
      %dma_wait3A_824 = arith.constant 0 : i32
      %dma_wait3A_825 = arith.constant 0 : i32
      %dma_wait3A_826 = tpu.memref_slice %arg2[%dma_wait3A_824, %dma_wait3A_825] : memref<1000000x64xf32, #tpu.memory_space<hbm>> -> memref<128x64xf32, #tpu.memory_space<hbm>>
      tpu.wait_dma2 semaphore(%arg19 : memref<!tpu.dma_semaphore, #tpu.memory_space<semaphore_mem>>) src(%dma_wait3A_826 : memref<128x64xf32, #tpu.memory_space<hbm>>) dst(%dma_wait3A_823 : memref<128x64xf32, #tpu.memory_space<vmem>>)
      %dma_start3A_827 = arith.constant 7 : i32
      %dma_start3A_828 = arith.constant 0 : i32
      %dma_start3A_829 = arith.constant 0 : i32
      %dma_start3A_830 = tpu.memref_slice %arg11[%dma_start3A_827, %dma_start3A_828, %dma_start3A_829] : memref<10x128x64xf32, #tpu.memory_space<vmem>> -> memref<1x128x64xf32, #tpu.memory_space<vmem>>
      %dma_start3A_831 = tpu.memref_squeeze %dma_start3A_830 : memref<1x128x64xf32, #tpu.memory_space<vmem>> -> memref<128x64xf32, #tpu.memory_space<vmem>>
      %dma_start3A_832 = arith.constant 0 : i32
      %dma_start3A_833 = tpu.memref_slice %arg10[%add3A_811, %dma_start3A_832] : memref<50x128xi32, #tpu.memory_space<vmem>> -> memref<1x128xi32, #tpu.memory_space<vmem>>
      %dma_start3A_834 = tpu.memref_squeeze %dma_start3A_833 : memref<1x128xi32, #tpu.memory_space<vmem>> -> memref<128xi32, #tpu.memory_space<vmem>>
      %dma_start3A_835 = arith.constant 0 : i32
      %dma_start3A_836 = arith.constant 0 : i32
      %dma_start3A_837 = tpu.memref_slice %arg6[%dma_start3A_835, %dma_start3A_836] : memref<204800x64xf32, #tpu.memory_space<hbm>> -> memref<204800x64xf32, #tpu.memory_space<hbm>>
      tpu.enqueue_indirect_dma source(%dma_start3A_831 : memref<128x64xf32, #tpu.memory_space<vmem>>) target(%dma_start3A_837 : memref<204800x64xf32, #tpu.memory_space<hbm>>) offsets(%dma_start3A_834 : memref<128xi32, #tpu.memory_space<vmem>>) semaphore(%arg29 : memref<!tpu.dma_semaphore, #tpu.memory_space<semaphore_mem>>)
      %lt3A_838 = arith.constant 4 : i32
      %lt3A_839 = arith.cmpi slt, %scan3A_565, %lt3A_838 : i32
      %convert_element_type3A_840 = arith.extui %lt3A_839 : i1 to i32
      %cond3A_841 = arith.constant 0 : i32
      %cond3A_842 = arith.cmpi ne, %convert_element_type3A_840, %cond3A_841 : i32
      scf.if %cond3A_842 {
        %dma_wait3A_913 = arith.constant 7 : i32
        %dma_wait3A_914 = arith.constant 0 : i32
        %dma_wait3A_915 = arith.constant 0 : i32
        %dma_wait3A_916 = tpu.memref_slice %arg11[%dma_wait3A_913, %dma_wait3A_914, %dma_wait3A_915] : memref<10x128x64xf32, #tpu.memory_space<vmem>> -> memref<1x128x64xf32, #tpu.memory_space<vmem>>
        %dma_wait3A_917 = tpu.memref_squeeze %dma_wait3A_916 : memref<1x128x64xf32, #tpu.memory_space<vmem>> -> memref<128x64xf32, #tpu.memory_space<vmem>>
        %dma_wait3A_918 = arith.constant 0 : i32
        %dma_wait3A_919 = arith.constant 0 : i32
        %dma_wait3A_920 = tpu.memref_slice %arg6[%dma_wait3A_918, %dma_wait3A_919] : memref<204800x64xf32, #tpu.memory_space<hbm>> -> memref<128x64xf32, #tpu.memory_space<hbm>>
        %dma_wait3A_921 = arith.constant 0 : i32
        %dma_wait3A_922 = arith.constant 0 : i32
        %dma_wait3A_923 = tpu.memref_slice %arg6[%dma_wait3A_921, %dma_wait3A_922] : memref<204800x64xf32, #tpu.memory_space<hbm>> -> memref<128x64xf32, #tpu.memory_space<hbm>>
        %dma_wait3A_924 = arith.constant 0 : i32
        %dma_wait3A_925 = arith.constant 0 : i32
        %dma_wait3A_926 = tpu.memref_slice %arg11[%dma_wait3A_913, %dma_wait3A_924, %dma_wait3A_925] : memref<10x128x64xf32, #tpu.memory_space<vmem>> -> memref<1x128x64xf32, #tpu.memory_space<vmem>>
        %dma_wait3A_927 = tpu.memref_squeeze %dma_wait3A_926 : memref<1x128x64xf32, #tpu.memory_space<vmem>> -> memref<128x64xf32, #tpu.memory_space<vmem>>
        tpu.wait_dma2 semaphore(%arg29 : memref<!tpu.dma_semaphore, #tpu.memory_space<semaphore_mem>>) src(%dma_wait3A_927 : memref<128x64xf32, #tpu.memory_space<vmem>>) dst(%dma_wait3A_923 : memref<128x64xf32, #tpu.memory_space<hbm>>)
        %add3A_928 = arith.constant 10 : i32
        %add3A_929 = arith.addi %add3A_811, %add3A_928 : i32
        %dma_start3A_930 = arith.constant 7 : i32
        %dma_start3A_931 = arith.constant 0 : i32
        %dma_start3A_932 = arith.constant 0 : i32
        %dma_start3A_933 = tpu.memref_slice %arg11[%dma_start3A_930, %dma_start3A_931, %dma_start3A_932] : memref<10x128x64xf32, #tpu.memory_space<vmem>> -> memref<1x128x64xf32, #tpu.memory_space<vmem>>
        %dma_start3A_934 = tpu.memref_squeeze %dma_start3A_933 : memref<1x128x64xf32, #tpu.memory_space<vmem>> -> memref<128x64xf32, #tpu.memory_space<vmem>>
        %dma_start3A_935 = arith.constant 0 : i32
        %dma_start3A_936 = tpu.memref_slice %arg8[%add3A_929, %dma_start3A_935] : memref<50x128xi32, #tpu.memory_space<vmem>> -> memref<1x128xi32, #tpu.memory_space<vmem>>
        %dma_start3A_937 = tpu.memref_squeeze %dma_start3A_936 : memref<1x128xi32, #tpu.memory_space<vmem>> -> memref<128xi32, #tpu.memory_space<vmem>>
        %dma_start3A_938 = arith.constant 0 : i32
        %dma_start3A_939 = arith.constant 0 : i32
        %dma_start3A_940 = tpu.memref_slice %arg2[%dma_start3A_938, %dma_start3A_939] : memref<1000000x64xf32, #tpu.memory_space<hbm>> -> memref<1000000x64xf32, #tpu.memory_space<hbm>>
        tpu.enqueue_indirect_dma source(%dma_start3A_940 : memref<1000000x64xf32, #tpu.memory_space<hbm>>) target(%dma_start3A_934 : memref<128x64xf32, #tpu.memory_space<vmem>>) offsets(%dma_start3A_937 : memref<128xi32, #tpu.memory_space<vmem>>) semaphore(%arg19 : memref<!tpu.dma_semaphore, #tpu.memory_space<semaphore_mem>>)
      } else {
      }
      %mul3A_843 = arith.constant 10 : i32
      %mul3A_844 = arith.muli %scan3A_565, %mul3A_843 : i32
      %add3A_845 = arith.constant 8 : i32
      %add3A_846 = arith.addi %mul3A_844, %add3A_845 : i32
      %dma_wait3A_847 = arith.constant 8 : i32
      %dma_wait3A_848 = arith.constant 0 : i32
      %dma_wait3A_849 = arith.constant 0 : i32
      %dma_wait3A_850 = tpu.memref_slice %arg11[%dma_wait3A_847, %dma_wait3A_848, %dma_wait3A_849] : memref<10x128x64xf32, #tpu.memory_space<vmem>> -> memref<1x128x64xf32, #tpu.memory_space<vmem>>
      %dma_wait3A_851 = tpu.memref_squeeze %dma_wait3A_850 : memref<1x128x64xf32, #tpu.memory_space<vmem>> -> memref<128x64xf32, #tpu.memory_space<vmem>>
      %dma_wait3A_852 = arith.constant 0 : i32
      %dma_wait3A_853 = arith.constant 0 : i32
      %dma_wait3A_854 = tpu.memref_slice %arg2[%dma_wait3A_852, %dma_wait3A_853] : memref<1000000x64xf32, #tpu.memory_space<hbm>> -> memref<128x64xf32, #tpu.memory_space<hbm>>
      %dma_wait3A_855 = arith.constant 0 : i32
      %dma_wait3A_856 = arith.constant 0 : i32
      %dma_wait3A_857 = tpu.memref_slice %arg11[%dma_wait3A_847, %dma_wait3A_855, %dma_wait3A_856] : memref<10x128x64xf32, #tpu.memory_space<vmem>> -> memref<1x128x64xf32, #tpu.memory_space<vmem>>
      %dma_wait3A_858 = tpu.memref_squeeze %dma_wait3A_857 : memref<1x128x64xf32, #tpu.memory_space<vmem>> -> memref<128x64xf32, #tpu.memory_space<vmem>>
      %dma_wait3A_859 = arith.constant 0 : i32
      %dma_wait3A_860 = arith.constant 0 : i32
      %dma_wait3A_861 = tpu.memref_slice %arg2[%dma_wait3A_859, %dma_wait3A_860] : memref<1000000x64xf32, #tpu.memory_space<hbm>> -> memref<128x64xf32, #tpu.memory_space<hbm>>
      tpu.wait_dma2 semaphore(%arg20 : memref<!tpu.dma_semaphore, #tpu.memory_space<semaphore_mem>>) src(%dma_wait3A_861 : memref<128x64xf32, #tpu.memory_space<hbm>>) dst(%dma_wait3A_858 : memref<128x64xf32, #tpu.memory_space<vmem>>)
      %dma_start3A_862 = arith.constant 8 : i32
      %dma_start3A_863 = arith.constant 0 : i32
      %dma_start3A_864 = arith.constant 0 : i32
      %dma_start3A_865 = tpu.memref_slice %arg11[%dma_start3A_862, %dma_start3A_863, %dma_start3A_864] : memref<10x128x64xf32, #tpu.memory_space<vmem>> -> memref<1x128x64xf32, #tpu.memory_space<vmem>>
      %dma_start3A_866 = tpu.memref_squeeze %dma_start3A_865 : memref<1x128x64xf32, #tpu.memory_space<vmem>> -> memref<128x64xf32, #tpu.memory_space<vmem>>
      %dma_start3A_867 = arith.constant 0 : i32
      %dma_start3A_868 = tpu.memref_slice %arg10[%add3A_846, %dma_start3A_867] : memref<50x128xi32, #tpu.memory_space<vmem>> -> memref<1x128xi32, #tpu.memory_space<vmem>>
      %dma_start3A_869 = tpu.memref_squeeze %dma_start3A_868 : memref<1x128xi32, #tpu.memory_space<vmem>> -> memref<128xi32, #tpu.memory_space<vmem>>
      %dma_start3A_870 = arith.constant 0 : i32
      %dma_start3A_871 = arith.constant 0 : i32
      %dma_start3A_872 = tpu.memref_slice %arg6[%dma_start3A_870, %dma_start3A_871] : memref<204800x64xf32, #tpu.memory_space<hbm>> -> memref<204800x64xf32, #tpu.memory_space<hbm>>
      tpu.enqueue_indirect_dma source(%dma_start3A_866 : memref<128x64xf32, #tpu.memory_space<vmem>>) target(%dma_start3A_872 : memref<204800x64xf32, #tpu.memory_space<hbm>>) offsets(%dma_start3A_869 : memref<128xi32, #tpu.memory_space<vmem>>) semaphore(%arg30 : memref<!tpu.dma_semaphore, #tpu.memory_space<semaphore_mem>>)
      %lt3A_873 = arith.constant 4 : i32
      %lt3A_874 = arith.cmpi slt, %scan3A_565, %lt3A_873 : i32
      %convert_element_type3A_875 = arith.extui %lt3A_874 : i1 to i32
      %cond3A_876 = arith.constant 0 : i32
      %cond3A_877 = arith.cmpi ne, %convert_element_type3A_875, %cond3A_876 : i32
      scf.if %cond3A_877 {
        %dma_wait3A_913 = arith.constant 8 : i32
        %dma_wait3A_914 = arith.constant 0 : i32
        %dma_wait3A_915 = arith.constant 0 : i32
        %dma_wait3A_916 = tpu.memref_slice %arg11[%dma_wait3A_913, %dma_wait3A_914, %dma_wait3A_915] : memref<10x128x64xf32, #tpu.memory_space<vmem>> -> memref<1x128x64xf32, #tpu.memory_space<vmem>>
        %dma_wait3A_917 = tpu.memref_squeeze %dma_wait3A_916 : memref<1x128x64xf32, #tpu.memory_space<vmem>> -> memref<128x64xf32, #tpu.memory_space<vmem>>
        %dma_wait3A_918 = arith.constant 0 : i32
        %dma_wait3A_919 = arith.constant 0 : i32
        %dma_wait3A_920 = tpu.memref_slice %arg6[%dma_wait3A_918, %dma_wait3A_919] : memref<204800x64xf32, #tpu.memory_space<hbm>> -> memref<128x64xf32, #tpu.memory_space<hbm>>
        %dma_wait3A_921 = arith.constant 0 : i32
        %dma_wait3A_922 = arith.constant 0 : i32
        %dma_wait3A_923 = tpu.memref_slice %arg6[%dma_wait3A_921, %dma_wait3A_922] : memref<204800x64xf32, #tpu.memory_space<hbm>> -> memref<128x64xf32, #tpu.memory_space<hbm>>
        %dma_wait3A_924 = arith.constant 0 : i32
        %dma_wait3A_925 = arith.constant 0 : i32
        %dma_wait3A_926 = tpu.memref_slice %arg11[%dma_wait3A_913, %dma_wait3A_924, %dma_wait3A_925] : memref<10x128x64xf32, #tpu.memory_space<vmem>> -> memref<1x128x64xf32, #tpu.memory_space<vmem>>
        %dma_wait3A_927 = tpu.memref_squeeze %dma_wait3A_926 : memref<1x128x64xf32, #tpu.memory_space<vmem>> -> memref<128x64xf32, #tpu.memory_space<vmem>>
        tpu.wait_dma2 semaphore(%arg30 : memref<!tpu.dma_semaphore, #tpu.memory_space<semaphore_mem>>) src(%dma_wait3A_927 : memref<128x64xf32, #tpu.memory_space<vmem>>) dst(%dma_wait3A_923 : memref<128x64xf32, #tpu.memory_space<hbm>>)
        %add3A_928 = arith.constant 10 : i32
        %add3A_929 = arith.addi %add3A_846, %add3A_928 : i32
        %dma_start3A_930 = arith.constant 8 : i32
        %dma_start3A_931 = arith.constant 0 : i32
        %dma_start3A_932 = arith.constant 0 : i32
        %dma_start3A_933 = tpu.memref_slice %arg11[%dma_start3A_930, %dma_start3A_931, %dma_start3A_932] : memref<10x128x64xf32, #tpu.memory_space<vmem>> -> memref<1x128x64xf32, #tpu.memory_space<vmem>>
        %dma_start3A_934 = tpu.memref_squeeze %dma_start3A_933 : memref<1x128x64xf32, #tpu.memory_space<vmem>> -> memref<128x64xf32, #tpu.memory_space<vmem>>
        %dma_start3A_935 = arith.constant 0 : i32
        %dma_start3A_936 = tpu.memref_slice %arg8[%add3A_929, %dma_start3A_935] : memref<50x128xi32, #tpu.memory_space<vmem>> -> memref<1x128xi32, #tpu.memory_space<vmem>>
        %dma_start3A_937 = tpu.memref_squeeze %dma_start3A_936 : memref<1x128xi32, #tpu.memory_space<vmem>> -> memref<128xi32, #tpu.memory_space<vmem>>
        %dma_start3A_938 = arith.constant 0 : i32
        %dma_start3A_939 = arith.constant 0 : i32
        %dma_start3A_940 = tpu.memref_slice %arg2[%dma_start3A_938, %dma_start3A_939] : memref<1000000x64xf32, #tpu.memory_space<hbm>> -> memref<1000000x64xf32, #tpu.memory_space<hbm>>
        tpu.enqueue_indirect_dma source(%dma_start3A_940 : memref<1000000x64xf32, #tpu.memory_space<hbm>>) target(%dma_start3A_934 : memref<128x64xf32, #tpu.memory_space<vmem>>) offsets(%dma_start3A_937 : memref<128xi32, #tpu.memory_space<vmem>>) semaphore(%arg20 : memref<!tpu.dma_semaphore, #tpu.memory_space<semaphore_mem>>)
      } else {
      }
      %mul3A_878 = arith.constant 10 : i32
      %mul3A_879 = arith.muli %scan3A_565, %mul3A_878 : i32
      %add3A_880 = arith.constant 9 : i32
      %add3A_881 = arith.addi %mul3A_879, %add3A_880 : i32
      %dma_wait3A_882 = arith.constant 9 : i32
      %dma_wait3A_883 = arith.constant 0 : i32
      %dma_wait3A_884 = arith.constant 0 : i32
      %dma_wait3A_885 = tpu.memref_slice %arg11[%dma_wait3A_882, %dma_wait3A_883, %dma_wait3A_884] : memref<10x128x64xf32, #tpu.memory_space<vmem>> -> memref<1x128x64xf32, #tpu.memory_space<vmem>>
      %dma_wait3A_886 = tpu.memref_squeeze %dma_wait3A_885 : memref<1x128x64xf32, #tpu.memory_space<vmem>> -> memref<128x64xf32, #tpu.memory_space<vmem>>
      %dma_wait3A_887 = arith.constant 0 : i32
      %dma_wait3A_888 = arith.constant 0 : i32
      %dma_wait3A_889 = tpu.memref_slice %arg2[%dma_wait3A_887, %dma_wait3A_888] : memref<1000000x64xf32, #tpu.memory_space<hbm>> -> memref<128x64xf32, #tpu.memory_space<hbm>>
      %dma_wait3A_890 = arith.constant 0 : i32
      %dma_wait3A_891 = arith.constant 0 : i32
      %dma_wait3A_892 = tpu.memref_slice %arg11[%dma_wait3A_882, %dma_wait3A_890, %dma_wait3A_891] : memref<10x128x64xf32, #tpu.memory_space<vmem>> -> memref<1x128x64xf32, #tpu.memory_space<vmem>>
      %dma_wait3A_893 = tpu.memref_squeeze %dma_wait3A_892 : memref<1x128x64xf32, #tpu.memory_space<vmem>> -> memref<128x64xf32, #tpu.memory_space<vmem>>
      %dma_wait3A_894 = arith.constant 0 : i32
      %dma_wait3A_895 = arith.constant 0 : i32
      %dma_wait3A_896 = tpu.memref_slice %arg2[%dma_wait3A_894, %dma_wait3A_895] : memref<1000000x64xf32, #tpu.memory_space<hbm>> -> memref<128x64xf32, #tpu.memory_space<hbm>>
      tpu.wait_dma2 semaphore(%arg21 : memref<!tpu.dma_semaphore, #tpu.memory_space<semaphore_mem>>) src(%dma_wait3A_896 : memref<128x64xf32, #tpu.memory_space<hbm>>) dst(%dma_wait3A_893 : memref<128x64xf32, #tpu.memory_space<vmem>>)
      %dma_start3A_897 = arith.constant 9 : i32
      %dma_start3A_898 = arith.constant 0 : i32
      %dma_start3A_899 = arith.constant 0 : i32
      %dma_start3A_900 = tpu.memref_slice %arg11[%dma_start3A_897, %dma_start3A_898, %dma_start3A_899] : memref<10x128x64xf32, #tpu.memory_space<vmem>> -> memref<1x128x64xf32, #tpu.memory_space<vmem>>
      %dma_start3A_901 = tpu.memref_squeeze %dma_start3A_900 : memref<1x128x64xf32, #tpu.memory_space<vmem>> -> memref<128x64xf32, #tpu.memory_space<vmem>>
      %dma_start3A_902 = arith.constant 0 : i32
      %dma_start3A_903 = tpu.memref_slice %arg10[%add3A_881, %dma_start3A_902] : memref<50x128xi32, #tpu.memory_space<vmem>> -> memref<1x128xi32, #tpu.memory_space<vmem>>
      %dma_start3A_904 = tpu.memref_squeeze %dma_start3A_903 : memref<1x128xi32, #tpu.memory_space<vmem>> -> memref<128xi32, #tpu.memory_space<vmem>>
      %dma_start3A_905 = arith.constant 0 : i32
      %dma_start3A_906 = arith.constant 0 : i32
      %dma_start3A_907 = tpu.memref_slice %arg6[%dma_start3A_905, %dma_start3A_906] : memref<204800x64xf32, #tpu.memory_space<hbm>> -> memref<204800x64xf32, #tpu.memory_space<hbm>>
      tpu.enqueue_indirect_dma source(%dma_start3A_901 : memref<128x64xf32, #tpu.memory_space<vmem>>) target(%dma_start3A_907 : memref<204800x64xf32, #tpu.memory_space<hbm>>) offsets(%dma_start3A_904 : memref<128xi32, #tpu.memory_space<vmem>>) semaphore(%arg31 : memref<!tpu.dma_semaphore, #tpu.memory_space<semaphore_mem>>)
      %lt3A_908 = arith.constant 4 : i32
      %lt3A_909 = arith.cmpi slt, %scan3A_565, %lt3A_908 : i32
      %convert_element_type3A_910 = arith.extui %lt3A_909 : i1 to i32
      %cond3A_911 = arith.constant 0 : i32
      %cond3A_912 = arith.cmpi ne, %convert_element_type3A_910, %cond3A_911 : i32
      scf.if %cond3A_912 {
        %dma_wait3A_913 = arith.constant 9 : i32
        %dma_wait3A_914 = arith.constant 0 : i32
        %dma_wait3A_915 = arith.constant 0 : i32
        %dma_wait3A_916 = tpu.memref_slice %arg11[%dma_wait3A_913, %dma_wait3A_914, %dma_wait3A_915] : memref<10x128x64xf32, #tpu.memory_space<vmem>> -> memref<1x128x64xf32, #tpu.memory_space<vmem>>
        %dma_wait3A_917 = tpu.memref_squeeze %dma_wait3A_916 : memref<1x128x64xf32, #tpu.memory_space<vmem>> -> memref<128x64xf32, #tpu.memory_space<vmem>>
        %dma_wait3A_918 = arith.constant 0 : i32
        %dma_wait3A_919 = arith.constant 0 : i32
        %dma_wait3A_920 = tpu.memref_slice %arg6[%dma_wait3A_918, %dma_wait3A_919] : memref<204800x64xf32, #tpu.memory_space<hbm>> -> memref<128x64xf32, #tpu.memory_space<hbm>>
        %dma_wait3A_921 = arith.constant 0 : i32
        %dma_wait3A_922 = arith.constant 0 : i32
        %dma_wait3A_923 = tpu.memref_slice %arg6[%dma_wait3A_921, %dma_wait3A_922] : memref<204800x64xf32, #tpu.memory_space<hbm>> -> memref<128x64xf32, #tpu.memory_space<hbm>>
        %dma_wait3A_924 = arith.constant 0 : i32
        %dma_wait3A_925 = arith.constant 0 : i32
        %dma_wait3A_926 = tpu.memref_slice %arg11[%dma_wait3A_913, %dma_wait3A_924, %dma_wait3A_925] : memref<10x128x64xf32, #tpu.memory_space<vmem>> -> memref<1x128x64xf32, #tpu.memory_space<vmem>>
        %dma_wait3A_927 = tpu.memref_squeeze %dma_wait3A_926 : memref<1x128x64xf32, #tpu.memory_space<vmem>> -> memref<128x64xf32, #tpu.memory_space<vmem>>
        tpu.wait_dma2 semaphore(%arg31 : memref<!tpu.dma_semaphore, #tpu.memory_space<semaphore_mem>>) src(%dma_wait3A_927 : memref<128x64xf32, #tpu.memory_space<vmem>>) dst(%dma_wait3A_923 : memref<128x64xf32, #tpu.memory_space<hbm>>)
        %add3A_928 = arith.constant 10 : i32
        %add3A_929 = arith.addi %add3A_881, %add3A_928 : i32
        %dma_start3A_930 = arith.constant 9 : i32
        %dma_start3A_931 = arith.constant 0 : i32
        %dma_start3A_932 = arith.constant 0 : i32
        %dma_start3A_933 = tpu.memref_slice %arg11[%dma_start3A_930, %dma_start3A_931, %dma_start3A_932] : memref<10x128x64xf32, #tpu.memory_space<vmem>> -> memref<1x128x64xf32, #tpu.memory_space<vmem>>
        %dma_start3A_934 = tpu.memref_squeeze %dma_start3A_933 : memref<1x128x64xf32, #tpu.memory_space<vmem>> -> memref<128x64xf32, #tpu.memory_space<vmem>>
        %dma_start3A_935 = arith.constant 0 : i32
        %dma_start3A_936 = tpu.memref_slice %arg8[%add3A_929, %dma_start3A_935] : memref<50x128xi32, #tpu.memory_space<vmem>> -> memref<1x128xi32, #tpu.memory_space<vmem>>
        %dma_start3A_937 = tpu.memref_squeeze %dma_start3A_936 : memref<1x128xi32, #tpu.memory_space<vmem>> -> memref<128xi32, #tpu.memory_space<vmem>>
        %dma_start3A_938 = arith.constant 0 : i32
        %dma_start3A_939 = arith.constant 0 : i32
        %dma_start3A_940 = tpu.memref_slice %arg2[%dma_start3A_938, %dma_start3A_939] : memref<1000000x64xf32, #tpu.memory_space<hbm>> -> memref<1000000x64xf32, #tpu.memory_space<hbm>>
        tpu.enqueue_indirect_dma source(%dma_start3A_940 : memref<1000000x64xf32, #tpu.memory_space<hbm>>) target(%dma_start3A_934 : memref<128x64xf32, #tpu.memory_space<vmem>>) offsets(%dma_start3A_937 : memref<128xi32, #tpu.memory_space<vmem>>) semaphore(%arg21 : memref<!tpu.dma_semaphore, #tpu.memory_space<semaphore_mem>>)
      } else {
      }
    }
    %scan3A_139 = arith.constant 5 : i32
    %dma_wait3A = arith.constant 0 : i32
    %dma_wait3A_140 = arith.constant 0 : i32
    %dma_wait3A_141 = arith.constant 0 : i32
    %dma_wait3A_142 = tpu.memref_slice %arg11[%dma_wait3A, %dma_wait3A_140, %dma_wait3A_141] : memref<10x128x64xf32, #tpu.memory_space<vmem>> -> memref<1x128x64xf32, #tpu.memory_space<vmem>>
    %dma_wait3A_143 = tpu.memref_squeeze %dma_wait3A_142 : memref<1x128x64xf32, #tpu.memory_space<vmem>> -> memref<128x64xf32, #tpu.memory_space<vmem>>
    %dma_wait3A_144 = arith.constant 0 : i32
    %dma_wait3A_145 = arith.constant 0 : i32
    %dma_wait3A_146 = tpu.memref_slice %arg7[%dma_wait3A_144, %dma_wait3A_145] : memref<204800x64xf32, #tpu.memory_space<hbm>> -> memref<128x64xf32, #tpu.memory_space<hbm>>
    %dma_wait3A_147 = arith.constant 0 : i32
    %dma_wait3A_148 = arith.constant 0 : i32
    %dma_wait3A_149 = tpu.memref_slice %arg7[%dma_wait3A_147, %dma_wait3A_148] : memref<204800x64xf32, #tpu.memory_space<hbm>> -> memref<128x64xf32, #tpu.memory_space<hbm>>
    %dma_wait3A_150 = arith.constant 0 : i32
    %dma_wait3A_151 = arith.constant 0 : i32
    %dma_wait3A_152 = tpu.memref_slice %arg11[%dma_wait3A, %dma_wait3A_150, %dma_wait3A_151] : memref<10x128x64xf32, #tpu.memory_space<vmem>> -> memref<1x128x64xf32, #tpu.memory_space<vmem>>
    %dma_wait3A_153 = tpu.memref_squeeze %dma_wait3A_152 : memref<1x128x64xf32, #tpu.memory_space<vmem>> -> memref<128x64xf32, #tpu.memory_space<vmem>>
    tpu.wait_dma2 semaphore(%arg22 : memref<!tpu.dma_semaphore, #tpu.memory_space<semaphore_mem>>) src(%dma_wait3A_153 : memref<128x64xf32, #tpu.memory_space<vmem>>) dst(%dma_wait3A_149 : memref<128x64xf32, #tpu.memory_space<hbm>>)
    %dma_start3A_154 = arith.constant 0 : i32
    %dma_start3A_155 = arith.constant 0 : i32
    %dma_start3A_156 = arith.constant 0 : i32
    %dma_start3A_157 = arith.constant 0 : i32
    %dma_start3A_158 = tpu.memref_slice %arg11[%dma_start3A_155, %dma_start3A_156, %dma_start3A_157] : memref<10x128x64xf32, #tpu.memory_space<vmem>> -> memref<1x128x64xf32, #tpu.memory_space<vmem>>
    %dma_start3A_159 = tpu.memref_squeeze %dma_start3A_158 : memref<1x128x64xf32, #tpu.memory_space<vmem>> -> memref<128x64xf32, #tpu.memory_space<vmem>>
    %dma_start3A_160 = arith.constant 0 : i32
    %dma_start3A_161 = tpu.memref_slice %arg9[%dma_start3A_154, %dma_start3A_160] : memref<50x128xi32, #tpu.memory_space<vmem>> -> memref<1x128xi32, #tpu.memory_space<vmem>>
    %dma_start3A_162 = tpu.memref_squeeze %dma_start3A_161 : memref<1x128xi32, #tpu.memory_space<vmem>> -> memref<128xi32, #tpu.memory_space<vmem>>
    %dma_start3A_163 = arith.constant 0 : i32
    %dma_start3A_164 = arith.constant 0 : i32
    %dma_start3A_165 = tpu.memref_slice %arg3[%dma_start3A_163, %dma_start3A_164] : memref<1000000x64xf32, #tpu.memory_space<hbm>> -> memref<1000000x64xf32, #tpu.memory_space<hbm>>
    tpu.enqueue_indirect_dma source(%dma_start3A_165 : memref<1000000x64xf32, #tpu.memory_space<hbm>>) target(%dma_start3A_159 : memref<128x64xf32, #tpu.memory_space<vmem>>) offsets(%dma_start3A_162 : memref<128xi32, #tpu.memory_space<vmem>>) semaphore(%arg12 : memref<!tpu.dma_semaphore, #tpu.memory_space<semaphore_mem>>)
    %dma_wait3A_166 = arith.constant 1 : i32
    %dma_wait3A_167 = arith.constant 0 : i32
    %dma_wait3A_168 = arith.constant 0 : i32
    %dma_wait3A_169 = tpu.memref_slice %arg11[%dma_wait3A_166, %dma_wait3A_167, %dma_wait3A_168] : memref<10x128x64xf32, #tpu.memory_space<vmem>> -> memref<1x128x64xf32, #tpu.memory_space<vmem>>
    %dma_wait3A_170 = tpu.memref_squeeze %dma_wait3A_169 : memref<1x128x64xf32, #tpu.memory_space<vmem>> -> memref<128x64xf32, #tpu.memory_space<vmem>>
    %dma_wait3A_171 = arith.constant 0 : i32
    %dma_wait3A_172 = arith.constant 0 : i32
    %dma_wait3A_173 = tpu.memref_slice %arg7[%dma_wait3A_171, %dma_wait3A_172] : memref<204800x64xf32, #tpu.memory_space<hbm>> -> memref<128x64xf32, #tpu.memory_space<hbm>>
    %dma_wait3A_174 = arith.constant 0 : i32
    %dma_wait3A_175 = arith.constant 0 : i32
    %dma_wait3A_176 = tpu.memref_slice %arg7[%dma_wait3A_174, %dma_wait3A_175] : memref<204800x64xf32, #tpu.memory_space<hbm>> -> memref<128x64xf32, #tpu.memory_space<hbm>>
    %dma_wait3A_177 = arith.constant 0 : i32
    %dma_wait3A_178 = arith.constant 0 : i32
    %dma_wait3A_179 = tpu.memref_slice %arg11[%dma_wait3A_166, %dma_wait3A_177, %dma_wait3A_178] : memref<10x128x64xf32, #tpu.memory_space<vmem>> -> memref<1x128x64xf32, #tpu.memory_space<vmem>>
    %dma_wait3A_180 = tpu.memref_squeeze %dma_wait3A_179 : memref<1x128x64xf32, #tpu.memory_space<vmem>> -> memref<128x64xf32, #tpu.memory_space<vmem>>
    tpu.wait_dma2 semaphore(%arg23 : memref<!tpu.dma_semaphore, #tpu.memory_space<semaphore_mem>>) src(%dma_wait3A_180 : memref<128x64xf32, #tpu.memory_space<vmem>>) dst(%dma_wait3A_176 : memref<128x64xf32, #tpu.memory_space<hbm>>)
    %dma_start3A_181 = arith.constant 1 : i32
    %dma_start3A_182 = arith.constant 1 : i32
    %dma_start3A_183 = arith.constant 0 : i32
    %dma_start3A_184 = arith.constant 0 : i32
    %dma_start3A_185 = tpu.memref_slice %arg11[%dma_start3A_182, %dma_start3A_183, %dma_start3A_184] : memref<10x128x64xf32, #tpu.memory_space<vmem>> -> memref<1x128x64xf32, #tpu.memory_space<vmem>>
    %dma_start3A_186 = tpu.memref_squeeze %dma_start3A_185 : memref<1x128x64xf32, #tpu.memory_space<vmem>> -> memref<128x64xf32, #tpu.memory_space<vmem>>
    %dma_start3A_187 = arith.constant 0 : i32
    %dma_start3A_188 = tpu.memref_slice %arg9[%dma_start3A_181, %dma_start3A_187] : memref<50x128xi32, #tpu.memory_space<vmem>> -> memref<1x128xi32, #tpu.memory_space<vmem>>
    %dma_start3A_189 = tpu.memref_squeeze %dma_start3A_188 : memref<1x128xi32, #tpu.memory_space<vmem>> -> memref<128xi32, #tpu.memory_space<vmem>>
    %dma_start3A_190 = arith.constant 0 : i32
    %dma_start3A_191 = arith.constant 0 : i32
    %dma_start3A_192 = tpu.memref_slice %arg3[%dma_start3A_190, %dma_start3A_191] : memref<1000000x64xf32, #tpu.memory_space<hbm>> -> memref<1000000x64xf32, #tpu.memory_space<hbm>>
    tpu.enqueue_indirect_dma source(%dma_start3A_192 : memref<1000000x64xf32, #tpu.memory_space<hbm>>) target(%dma_start3A_186 : memref<128x64xf32, #tpu.memory_space<vmem>>) offsets(%dma_start3A_189 : memref<128xi32, #tpu.memory_space<vmem>>) semaphore(%arg13 : memref<!tpu.dma_semaphore, #tpu.memory_space<semaphore_mem>>)
    %dma_wait3A_193 = arith.constant 2 : i32
    %dma_wait3A_194 = arith.constant 0 : i32
    %dma_wait3A_195 = arith.constant 0 : i32
    %dma_wait3A_196 = tpu.memref_slice %arg11[%dma_wait3A_193, %dma_wait3A_194, %dma_wait3A_195] : memref<10x128x64xf32, #tpu.memory_space<vmem>> -> memref<1x128x64xf32, #tpu.memory_space<vmem>>
    %dma_wait3A_197 = tpu.memref_squeeze %dma_wait3A_196 : memref<1x128x64xf32, #tpu.memory_space<vmem>> -> memref<128x64xf32, #tpu.memory_space<vmem>>
    %dma_wait3A_198 = arith.constant 0 : i32
    %dma_wait3A_199 = arith.constant 0 : i32
    %dma_wait3A_200 = tpu.memref_slice %arg7[%dma_wait3A_198, %dma_wait3A_199] : memref<204800x64xf32, #tpu.memory_space<hbm>> -> memref<128x64xf32, #tpu.memory_space<hbm>>
    %dma_wait3A_201 = arith.constant 0 : i32
    %dma_wait3A_202 = arith.constant 0 : i32
    %dma_wait3A_203 = tpu.memref_slice %arg7[%dma_wait3A_201, %dma_wait3A_202] : memref<204800x64xf32, #tpu.memory_space<hbm>> -> memref<128x64xf32, #tpu.memory_space<hbm>>
    %dma_wait3A_204 = arith.constant 0 : i32
    %dma_wait3A_205 = arith.constant 0 : i32
    %dma_wait3A_206 = tpu.memref_slice %arg11[%dma_wait3A_193, %dma_wait3A_204, %dma_wait3A_205] : memref<10x128x64xf32, #tpu.memory_space<vmem>> -> memref<1x128x64xf32, #tpu.memory_space<vmem>>
    %dma_wait3A_207 = tpu.memref_squeeze %dma_wait3A_206 : memref<1x128x64xf32, #tpu.memory_space<vmem>> -> memref<128x64xf32, #tpu.memory_space<vmem>>
    tpu.wait_dma2 semaphore(%arg24 : memref<!tpu.dma_semaphore, #tpu.memory_space<semaphore_mem>>) src(%dma_wait3A_207 : memref<128x64xf32, #tpu.memory_space<vmem>>) dst(%dma_wait3A_203 : memref<128x64xf32, #tpu.memory_space<hbm>>)
    %dma_start3A_208 = arith.constant 2 : i32
    %dma_start3A_209 = arith.constant 2 : i32
    %dma_start3A_210 = arith.constant 0 : i32
    %dma_start3A_211 = arith.constant 0 : i32
    %dma_start3A_212 = tpu.memref_slice %arg11[%dma_start3A_209, %dma_start3A_210, %dma_start3A_211] : memref<10x128x64xf32, #tpu.memory_space<vmem>> -> memref<1x128x64xf32, #tpu.memory_space<vmem>>
    %dma_start3A_213 = tpu.memref_squeeze %dma_start3A_212 : memref<1x128x64xf32, #tpu.memory_space<vmem>> -> memref<128x64xf32, #tpu.memory_space<vmem>>
    %dma_start3A_214 = arith.constant 0 : i32
    %dma_start3A_215 = tpu.memref_slice %arg9[%dma_start3A_208, %dma_start3A_214] : memref<50x128xi32, #tpu.memory_space<vmem>> -> memref<1x128xi32, #tpu.memory_space<vmem>>
    %dma_start3A_216 = tpu.memref_squeeze %dma_start3A_215 : memref<1x128xi32, #tpu.memory_space<vmem>> -> memref<128xi32, #tpu.memory_space<vmem>>
    %dma_start3A_217 = arith.constant 0 : i32
    %dma_start3A_218 = arith.constant 0 : i32
    %dma_start3A_219 = tpu.memref_slice %arg3[%dma_start3A_217, %dma_start3A_218] : memref<1000000x64xf32, #tpu.memory_space<hbm>> -> memref<1000000x64xf32, #tpu.memory_space<hbm>>
    tpu.enqueue_indirect_dma source(%dma_start3A_219 : memref<1000000x64xf32, #tpu.memory_space<hbm>>) target(%dma_start3A_213 : memref<128x64xf32, #tpu.memory_space<vmem>>) offsets(%dma_start3A_216 : memref<128xi32, #tpu.memory_space<vmem>>) semaphore(%arg14 : memref<!tpu.dma_semaphore, #tpu.memory_space<semaphore_mem>>)
    %dma_wait3A_220 = arith.constant 3 : i32
    %dma_wait3A_221 = arith.constant 0 : i32
    %dma_wait3A_222 = arith.constant 0 : i32
    %dma_wait3A_223 = tpu.memref_slice %arg11[%dma_wait3A_220, %dma_wait3A_221, %dma_wait3A_222] : memref<10x128x64xf32, #tpu.memory_space<vmem>> -> memref<1x128x64xf32, #tpu.memory_space<vmem>>
    %dma_wait3A_224 = tpu.memref_squeeze %dma_wait3A_223 : memref<1x128x64xf32, #tpu.memory_space<vmem>> -> memref<128x64xf32, #tpu.memory_space<vmem>>
    %dma_wait3A_225 = arith.constant 0 : i32
    %dma_wait3A_226 = arith.constant 0 : i32
    %dma_wait3A_227 = tpu.memref_slice %arg7[%dma_wait3A_225, %dma_wait3A_226] : memref<204800x64xf32, #tpu.memory_space<hbm>> -> memref<128x64xf32, #tpu.memory_space<hbm>>
    %dma_wait3A_228 = arith.constant 0 : i32
    %dma_wait3A_229 = arith.constant 0 : i32
    %dma_wait3A_230 = tpu.memref_slice %arg7[%dma_wait3A_228, %dma_wait3A_229] : memref<204800x64xf32, #tpu.memory_space<hbm>> -> memref<128x64xf32, #tpu.memory_space<hbm>>
    %dma_wait3A_231 = arith.constant 0 : i32
    %dma_wait3A_232 = arith.constant 0 : i32
    %dma_wait3A_233 = tpu.memref_slice %arg11[%dma_wait3A_220, %dma_wait3A_231, %dma_wait3A_232] : memref<10x128x64xf32, #tpu.memory_space<vmem>> -> memref<1x128x64xf32, #tpu.memory_space<vmem>>
    %dma_wait3A_234 = tpu.memref_squeeze %dma_wait3A_233 : memref<1x128x64xf32, #tpu.memory_space<vmem>> -> memref<128x64xf32, #tpu.memory_space<vmem>>
    tpu.wait_dma2 semaphore(%arg25 : memref<!tpu.dma_semaphore, #tpu.memory_space<semaphore_mem>>) src(%dma_wait3A_234 : memref<128x64xf32, #tpu.memory_space<vmem>>) dst(%dma_wait3A_230 : memref<128x64xf32, #tpu.memory_space<hbm>>)
    %dma_start3A_235 = arith.constant 3 : i32
    %dma_start3A_236 = arith.constant 3 : i32
    %dma_start3A_237 = arith.constant 0 : i32
    %dma_start3A_238 = arith.constant 0 : i32
    %dma_start3A_239 = tpu.memref_slice %arg11[%dma_start3A_236, %dma_start3A_237, %dma_start3A_238] : memref<10x128x64xf32, #tpu.memory_space<vmem>> -> memref<1x128x64xf32, #tpu.memory_space<vmem>>
    %dma_start3A_240 = tpu.memref_squeeze %dma_start3A_239 : memref<1x128x64xf32, #tpu.memory_space<vmem>> -> memref<128x64xf32, #tpu.memory_space<vmem>>
    %dma_start3A_241 = arith.constant 0 : i32
    %dma_start3A_242 = tpu.memref_slice %arg9[%dma_start3A_235, %dma_start3A_241] : memref<50x128xi32, #tpu.memory_space<vmem>> -> memref<1x128xi32, #tpu.memory_space<vmem>>
    %dma_start3A_243 = tpu.memref_squeeze %dma_start3A_242 : memref<1x128xi32, #tpu.memory_space<vmem>> -> memref<128xi32, #tpu.memory_space<vmem>>
    %dma_start3A_244 = arith.constant 0 : i32
    %dma_start3A_245 = arith.constant 0 : i32
    %dma_start3A_246 = tpu.memref_slice %arg3[%dma_start3A_244, %dma_start3A_245] : memref<1000000x64xf32, #tpu.memory_space<hbm>> -> memref<1000000x64xf32, #tpu.memory_space<hbm>>
    tpu.enqueue_indirect_dma source(%dma_start3A_246 : memref<1000000x64xf32, #tpu.memory_space<hbm>>) target(%dma_start3A_240 : memref<128x64xf32, #tpu.memory_space<vmem>>) offsets(%dma_start3A_243 : memref<128xi32, #tpu.memory_space<vmem>>) semaphore(%arg15 : memref<!tpu.dma_semaphore, #tpu.memory_space<semaphore_mem>>)
    %dma_wait3A_247 = arith.constant 4 : i32
    %dma_wait3A_248 = arith.constant 0 : i32
    %dma_wait3A_249 = arith.constant 0 : i32
    %dma_wait3A_250 = tpu.memref_slice %arg11[%dma_wait3A_247, %dma_wait3A_248, %dma_wait3A_249] : memref<10x128x64xf32, #tpu.memory_space<vmem>> -> memref<1x128x64xf32, #tpu.memory_space<vmem>>
    %dma_wait3A_251 = tpu.memref_squeeze %dma_wait3A_250 : memref<1x128x64xf32, #tpu.memory_space<vmem>> -> memref<128x64xf32, #tpu.memory_space<vmem>>
    %dma_wait3A_252 = arith.constant 0 : i32
    %dma_wait3A_253 = arith.constant 0 : i32
    %dma_wait3A_254 = tpu.memref_slice %arg7[%dma_wait3A_252, %dma_wait3A_253] : memref<204800x64xf32, #tpu.memory_space<hbm>> -> memref<128x64xf32, #tpu.memory_space<hbm>>
    %dma_wait3A_255 = arith.constant 0 : i32
    %dma_wait3A_256 = arith.constant 0 : i32
    %dma_wait3A_257 = tpu.memref_slice %arg7[%dma_wait3A_255, %dma_wait3A_256] : memref<204800x64xf32, #tpu.memory_space<hbm>> -> memref<128x64xf32, #tpu.memory_space<hbm>>
    %dma_wait3A_258 = arith.constant 0 : i32
    %dma_wait3A_259 = arith.constant 0 : i32
    %dma_wait3A_260 = tpu.memref_slice %arg11[%dma_wait3A_247, %dma_wait3A_258, %dma_wait3A_259] : memref<10x128x64xf32, #tpu.memory_space<vmem>> -> memref<1x128x64xf32, #tpu.memory_space<vmem>>
    %dma_wait3A_261 = tpu.memref_squeeze %dma_wait3A_260 : memref<1x128x64xf32, #tpu.memory_space<vmem>> -> memref<128x64xf32, #tpu.memory_space<vmem>>
    tpu.wait_dma2 semaphore(%arg26 : memref<!tpu.dma_semaphore, #tpu.memory_space<semaphore_mem>>) src(%dma_wait3A_261 : memref<128x64xf32, #tpu.memory_space<vmem>>) dst(%dma_wait3A_257 : memref<128x64xf32, #tpu.memory_space<hbm>>)
    %dma_start3A_262 = arith.constant 4 : i32
    %dma_start3A_263 = arith.constant 4 : i32
    %dma_start3A_264 = arith.constant 0 : i32
    %dma_start3A_265 = arith.constant 0 : i32
    %dma_start3A_266 = tpu.memref_slice %arg11[%dma_start3A_263, %dma_start3A_264, %dma_start3A_265] : memref<10x128x64xf32, #tpu.memory_space<vmem>> -> memref<1x128x64xf32, #tpu.memory_space<vmem>>
    %dma_start3A_267 = tpu.memref_squeeze %dma_start3A_266 : memref<1x128x64xf32, #tpu.memory_space<vmem>> -> memref<128x64xf32, #tpu.memory_space<vmem>>
    %dma_start3A_268 = arith.constant 0 : i32
    %dma_start3A_269 = tpu.memref_slice %arg9[%dma_start3A_262, %dma_start3A_268] : memref<50x128xi32, #tpu.memory_space<vmem>> -> memref<1x128xi32, #tpu.memory_space<vmem>>
    %dma_start3A_270 = tpu.memref_squeeze %dma_start3A_269 : memref<1x128xi32, #tpu.memory_space<vmem>> -> memref<128xi32, #tpu.memory_space<vmem>>
    %dma_start3A_271 = arith.constant 0 : i32
    %dma_start3A_272 = arith.constant 0 : i32
    %dma_start3A_273 = tpu.memref_slice %arg3[%dma_start3A_271, %dma_start3A_272] : memref<1000000x64xf32, #tpu.memory_space<hbm>> -> memref<1000000x64xf32, #tpu.memory_space<hbm>>
    tpu.enqueue_indirect_dma source(%dma_start3A_273 : memref<1000000x64xf32, #tpu.memory_space<hbm>>) target(%dma_start3A_267 : memref<128x64xf32, #tpu.memory_space<vmem>>) offsets(%dma_start3A_270 : memref<128xi32, #tpu.memory_space<vmem>>) semaphore(%arg16 : memref<!tpu.dma_semaphore, #tpu.memory_space<semaphore_mem>>)
    %dma_wait3A_274 = arith.constant 5 : i32
    %dma_wait3A_275 = arith.constant 0 : i32
    %dma_wait3A_276 = arith.constant 0 : i32
    %dma_wait3A_277 = tpu.memref_slice %arg11[%dma_wait3A_274, %dma_wait3A_275, %dma_wait3A_276] : memref<10x128x64xf32, #tpu.memory_space<vmem>> -> memref<1x128x64xf32, #tpu.memory_space<vmem>>
    %dma_wait3A_278 = tpu.memref_squeeze %dma_wait3A_277 : memref<1x128x64xf32, #tpu.memory_space<vmem>> -> memref<128x64xf32, #tpu.memory_space<vmem>>
    %dma_wait3A_279 = arith.constant 0 : i32
    %dma_wait3A_280 = arith.constant 0 : i32
    %dma_wait3A_281 = tpu.memref_slice %arg7[%dma_wait3A_279, %dma_wait3A_280] : memref<204800x64xf32, #tpu.memory_space<hbm>> -> memref<128x64xf32, #tpu.memory_space<hbm>>
    %dma_wait3A_282 = arith.constant 0 : i32
    %dma_wait3A_283 = arith.constant 0 : i32
    %dma_wait3A_284 = tpu.memref_slice %arg7[%dma_wait3A_282, %dma_wait3A_283] : memref<204800x64xf32, #tpu.memory_space<hbm>> -> memref<128x64xf32, #tpu.memory_space<hbm>>
    %dma_wait3A_285 = arith.constant 0 : i32
    %dma_wait3A_286 = arith.constant 0 : i32
    %dma_wait3A_287 = tpu.memref_slice %arg11[%dma_wait3A_274, %dma_wait3A_285, %dma_wait3A_286] : memref<10x128x64xf32, #tpu.memory_space<vmem>> -> memref<1x128x64xf32, #tpu.memory_space<vmem>>
    %dma_wait3A_288 = tpu.memref_squeeze %dma_wait3A_287 : memref<1x128x64xf32, #tpu.memory_space<vmem>> -> memref<128x64xf32, #tpu.memory_space<vmem>>
    tpu.wait_dma2 semaphore(%arg27 : memref<!tpu.dma_semaphore, #tpu.memory_space<semaphore_mem>>) src(%dma_wait3A_288 : memref<128x64xf32, #tpu.memory_space<vmem>>) dst(%dma_wait3A_284 : memref<128x64xf32, #tpu.memory_space<hbm>>)
    %dma_start3A_289 = arith.constant 5 : i32
    %dma_start3A_290 = arith.constant 5 : i32
    %dma_start3A_291 = arith.constant 0 : i32
    %dma_start3A_292 = arith.constant 0 : i32
    %dma_start3A_293 = tpu.memref_slice %arg11[%dma_start3A_290, %dma_start3A_291, %dma_start3A_292] : memref<10x128x64xf32, #tpu.memory_space<vmem>> -> memref<1x128x64xf32, #tpu.memory_space<vmem>>
    %dma_start3A_294 = tpu.memref_squeeze %dma_start3A_293 : memref<1x128x64xf32, #tpu.memory_space<vmem>> -> memref<128x64xf32, #tpu.memory_space<vmem>>
    %dma_start3A_295 = arith.constant 0 : i32
    %dma_start3A_296 = tpu.memref_slice %arg9[%dma_start3A_289, %dma_start3A_295] : memref<50x128xi32, #tpu.memory_space<vmem>> -> memref<1x128xi32, #tpu.memory_space<vmem>>
    %dma_start3A_297 = tpu.memref_squeeze %dma_start3A_296 : memref<1x128xi32, #tpu.memory_space<vmem>> -> memref<128xi32, #tpu.memory_space<vmem>>
    %dma_start3A_298 = arith.constant 0 : i32
    %dma_start3A_299 = arith.constant 0 : i32
    %dma_start3A_300 = tpu.memref_slice %arg3[%dma_start3A_298, %dma_start3A_299] : memref<1000000x64xf32, #tpu.memory_space<hbm>> -> memref<1000000x64xf32, #tpu.memory_space<hbm>>
    tpu.enqueue_indirect_dma source(%dma_start3A_300 : memref<1000000x64xf32, #tpu.memory_space<hbm>>) target(%dma_start3A_294 : memref<128x64xf32, #tpu.memory_space<vmem>>) offsets(%dma_start3A_297 : memref<128xi32, #tpu.memory_space<vmem>>) semaphore(%arg17 : memref<!tpu.dma_semaphore, #tpu.memory_space<semaphore_mem>>)
    %dma_wait3A_301 = arith.constant 6 : i32
    %dma_wait3A_302 = arith.constant 0 : i32
    %dma_wait3A_303 = arith.constant 0 : i32
    %dma_wait3A_304 = tpu.memref_slice %arg11[%dma_wait3A_301, %dma_wait3A_302, %dma_wait3A_303] : memref<10x128x64xf32, #tpu.memory_space<vmem>> -> memref<1x128x64xf32, #tpu.memory_space<vmem>>
    %dma_wait3A_305 = tpu.memref_squeeze %dma_wait3A_304 : memref<1x128x64xf32, #tpu.memory_space<vmem>> -> memref<128x64xf32, #tpu.memory_space<vmem>>
    %dma_wait3A_306 = arith.constant 0 : i32
    %dma_wait3A_307 = arith.constant 0 : i32
    %dma_wait3A_308 = tpu.memref_slice %arg7[%dma_wait3A_306, %dma_wait3A_307] : memref<204800x64xf32, #tpu.memory_space<hbm>> -> memref<128x64xf32, #tpu.memory_space<hbm>>
    %dma_wait3A_309 = arith.constant 0 : i32
    %dma_wait3A_310 = arith.constant 0 : i32
    %dma_wait3A_311 = tpu.memref_slice %arg7[%dma_wait3A_309, %dma_wait3A_310] : memref<204800x64xf32, #tpu.memory_space<hbm>> -> memref<128x64xf32, #tpu.memory_space<hbm>>
    %dma_wait3A_312 = arith.constant 0 : i32
    %dma_wait3A_313 = arith.constant 0 : i32
    %dma_wait3A_314 = tpu.memref_slice %arg11[%dma_wait3A_301, %dma_wait3A_312, %dma_wait3A_313] : memref<10x128x64xf32, #tpu.memory_space<vmem>> -> memref<1x128x64xf32, #tpu.memory_space<vmem>>
    %dma_wait3A_315 = tpu.memref_squeeze %dma_wait3A_314 : memref<1x128x64xf32, #tpu.memory_space<vmem>> -> memref<128x64xf32, #tpu.memory_space<vmem>>
    tpu.wait_dma2 semaphore(%arg28 : memref<!tpu.dma_semaphore, #tpu.memory_space<semaphore_mem>>) src(%dma_wait3A_315 : memref<128x64xf32, #tpu.memory_space<vmem>>) dst(%dma_wait3A_311 : memref<128x64xf32, #tpu.memory_space<hbm>>)
    %dma_start3A_316 = arith.constant 6 : i32
    %dma_start3A_317 = arith.constant 6 : i32
    %dma_start3A_318 = arith.constant 0 : i32
    %dma_start3A_319 = arith.constant 0 : i32
    %dma_start3A_320 = tpu.memref_slice %arg11[%dma_start3A_317, %dma_start3A_318, %dma_start3A_319] : memref<10x128x64xf32, #tpu.memory_space<vmem>> -> memref<1x128x64xf32, #tpu.memory_space<vmem>>
    %dma_start3A_321 = tpu.memref_squeeze %dma_start3A_320 : memref<1x128x64xf32, #tpu.memory_space<vmem>> -> memref<128x64xf32, #tpu.memory_space<vmem>>
    %dma_start3A_322 = arith.constant 0 : i32
    %dma_start3A_323 = tpu.memref_slice %arg9[%dma_start3A_316, %dma_start3A_322] : memref<50x128xi32, #tpu.memory_space<vmem>> -> memref<1x128xi32, #tpu.memory_space<vmem>>
    %dma_start3A_324 = tpu.memref_squeeze %dma_start3A_323 : memref<1x128xi32, #tpu.memory_space<vmem>> -> memref<128xi32, #tpu.memory_space<vmem>>
    %dma_start3A_325 = arith.constant 0 : i32
    %dma_start3A_326 = arith.constant 0 : i32
    %dma_start3A_327 = tpu.memref_slice %arg3[%dma_start3A_325, %dma_start3A_326] : memref<1000000x64xf32, #tpu.memory_space<hbm>> -> memref<1000000x64xf32, #tpu.memory_space<hbm>>
    tpu.enqueue_indirect_dma source(%dma_start3A_327 : memref<1000000x64xf32, #tpu.memory_space<hbm>>) target(%dma_start3A_321 : memref<128x64xf32, #tpu.memory_space<vmem>>) offsets(%dma_start3A_324 : memref<128xi32, #tpu.memory_space<vmem>>) semaphore(%arg18 : memref<!tpu.dma_semaphore, #tpu.memory_space<semaphore_mem>>)
    %dma_wait3A_328 = arith.constant 7 : i32
    %dma_wait3A_329 = arith.constant 0 : i32
    %dma_wait3A_330 = arith.constant 0 : i32
    %dma_wait3A_331 = tpu.memref_slice %arg11[%dma_wait3A_328, %dma_wait3A_329, %dma_wait3A_330] : memref<10x128x64xf32, #tpu.memory_space<vmem>> -> memref<1x128x64xf32, #tpu.memory_space<vmem>>
    %dma_wait3A_332 = tpu.memref_squeeze %dma_wait3A_331 : memref<1x128x64xf32, #tpu.memory_space<vmem>> -> memref<128x64xf32, #tpu.memory_space<vmem>>
    %dma_wait3A_333 = arith.constant 0 : i32
    %dma_wait3A_334 = arith.constant 0 : i32
    %dma_wait3A_335 = tpu.memref_slice %arg7[%dma_wait3A_333, %dma_wait3A_334] : memref<204800x64xf32, #tpu.memory_space<hbm>> -> memref<128x64xf32, #tpu.memory_space<hbm>>
    %dma_wait3A_336 = arith.constant 0 : i32
    %dma_wait3A_337 = arith.constant 0 : i32
    %dma_wait3A_338 = tpu.memref_slice %arg7[%dma_wait3A_336, %dma_wait3A_337] : memref<204800x64xf32, #tpu.memory_space<hbm>> -> memref<128x64xf32, #tpu.memory_space<hbm>>
    %dma_wait3A_339 = arith.constant 0 : i32
    %dma_wait3A_340 = arith.constant 0 : i32
    %dma_wait3A_341 = tpu.memref_slice %arg11[%dma_wait3A_328, %dma_wait3A_339, %dma_wait3A_340] : memref<10x128x64xf32, #tpu.memory_space<vmem>> -> memref<1x128x64xf32, #tpu.memory_space<vmem>>
    %dma_wait3A_342 = tpu.memref_squeeze %dma_wait3A_341 : memref<1x128x64xf32, #tpu.memory_space<vmem>> -> memref<128x64xf32, #tpu.memory_space<vmem>>
    tpu.wait_dma2 semaphore(%arg29 : memref<!tpu.dma_semaphore, #tpu.memory_space<semaphore_mem>>) src(%dma_wait3A_342 : memref<128x64xf32, #tpu.memory_space<vmem>>) dst(%dma_wait3A_338 : memref<128x64xf32, #tpu.memory_space<hbm>>)
    %dma_start3A_343 = arith.constant 7 : i32
    %dma_start3A_344 = arith.constant 7 : i32
    %dma_start3A_345 = arith.constant 0 : i32
    %dma_start3A_346 = arith.constant 0 : i32
    %dma_start3A_347 = tpu.memref_slice %arg11[%dma_start3A_344, %dma_start3A_345, %dma_start3A_346] : memref<10x128x64xf32, #tpu.memory_space<vmem>> -> memref<1x128x64xf32, #tpu.memory_space<vmem>>
    %dma_start3A_348 = tpu.memref_squeeze %dma_start3A_347 : memref<1x128x64xf32, #tpu.memory_space<vmem>> -> memref<128x64xf32, #tpu.memory_space<vmem>>
    %dma_start3A_349 = arith.constant 0 : i32
    %dma_start3A_350 = tpu.memref_slice %arg9[%dma_start3A_343, %dma_start3A_349] : memref<50x128xi32, #tpu.memory_space<vmem>> -> memref<1x128xi32, #tpu.memory_space<vmem>>
    %dma_start3A_351 = tpu.memref_squeeze %dma_start3A_350 : memref<1x128xi32, #tpu.memory_space<vmem>> -> memref<128xi32, #tpu.memory_space<vmem>>
    %dma_start3A_352 = arith.constant 0 : i32
    %dma_start3A_353 = arith.constant 0 : i32
    %dma_start3A_354 = tpu.memref_slice %arg3[%dma_start3A_352, %dma_start3A_353] : memref<1000000x64xf32, #tpu.memory_space<hbm>> -> memref<1000000x64xf32, #tpu.memory_space<hbm>>
    tpu.enqueue_indirect_dma source(%dma_start3A_354 : memref<1000000x64xf32, #tpu.memory_space<hbm>>) target(%dma_start3A_348 : memref<128x64xf32, #tpu.memory_space<vmem>>) offsets(%dma_start3A_351 : memref<128xi32, #tpu.memory_space<vmem>>) semaphore(%arg19 : memref<!tpu.dma_semaphore, #tpu.memory_space<semaphore_mem>>)
    %dma_wait3A_355 = arith.constant 8 : i32
    %dma_wait3A_356 = arith.constant 0 : i32
    %dma_wait3A_357 = arith.constant 0 : i32
    %dma_wait3A_358 = tpu.memref_slice %arg11[%dma_wait3A_355, %dma_wait3A_356, %dma_wait3A_357] : memref<10x128x64xf32, #tpu.memory_space<vmem>> -> memref<1x128x64xf32, #tpu.memory_space<vmem>>
    %dma_wait3A_359 = tpu.memref_squeeze %dma_wait3A_358 : memref<1x128x64xf32, #tpu.memory_space<vmem>> -> memref<128x64xf32, #tpu.memory_space<vmem>>
    %dma_wait3A_360 = arith.constant 0 : i32
    %dma_wait3A_361 = arith.constant 0 : i32
    %dma_wait3A_362 = tpu.memref_slice %arg7[%dma_wait3A_360, %dma_wait3A_361] : memref<204800x64xf32, #tpu.memory_space<hbm>> -> memref<128x64xf32, #tpu.memory_space<hbm>>
    %dma_wait3A_363 = arith.constant 0 : i32
    %dma_wait3A_364 = arith.constant 0 : i32
    %dma_wait3A_365 = tpu.memref_slice %arg7[%dma_wait3A_363, %dma_wait3A_364] : memref<204800x64xf32, #tpu.memory_space<hbm>> -> memref<128x64xf32, #tpu.memory_space<hbm>>
    %dma_wait3A_366 = arith.constant 0 : i32
    %dma_wait3A_367 = arith.constant 0 : i32
    %dma_wait3A_368 = tpu.memref_slice %arg11[%dma_wait3A_355, %dma_wait3A_366, %dma_wait3A_367] : memref<10x128x64xf32, #tpu.memory_space<vmem>> -> memref<1x128x64xf32, #tpu.memory_space<vmem>>
    %dma_wait3A_369 = tpu.memref_squeeze %dma_wait3A_368 : memref<1x128x64xf32, #tpu.memory_space<vmem>> -> memref<128x64xf32, #tpu.memory_space<vmem>>
    tpu.wait_dma2 semaphore(%arg30 : memref<!tpu.dma_semaphore, #tpu.memory_space<semaphore_mem>>) src(%dma_wait3A_369 : memref<128x64xf32, #tpu.memory_space<vmem>>) dst(%dma_wait3A_365 : memref<128x64xf32, #tpu.memory_space<hbm>>)
    %dma_start3A_370 = arith.constant 8 : i32
    %dma_start3A_371 = arith.constant 8 : i32
    %dma_start3A_372 = arith.constant 0 : i32
    %dma_start3A_373 = arith.constant 0 : i32
    %dma_start3A_374 = tpu.memref_slice %arg11[%dma_start3A_371, %dma_start3A_372, %dma_start3A_373] : memref<10x128x64xf32, #tpu.memory_space<vmem>> -> memref<1x128x64xf32, #tpu.memory_space<vmem>>
    %dma_start3A_375 = tpu.memref_squeeze %dma_start3A_374 : memref<1x128x64xf32, #tpu.memory_space<vmem>> -> memref<128x64xf32, #tpu.memory_space<vmem>>
    %dma_start3A_376 = arith.constant 0 : i32
    %dma_start3A_377 = tpu.memref_slice %arg9[%dma_start3A_370, %dma_start3A_376] : memref<50x128xi32, #tpu.memory_space<vmem>> -> memref<1x128xi32, #tpu.memory_space<vmem>>
    %dma_start3A_378 = tpu.memref_squeeze %dma_start3A_377 : memref<1x128xi32, #tpu.memory_space<vmem>> -> memref<128xi32, #tpu.memory_space<vmem>>
    %dma_start3A_379 = arith.constant 0 : i32
    %dma_start3A_380 = arith.constant 0 : i32
    %dma_start3A_381 = tpu.memref_slice %arg3[%dma_start3A_379, %dma_start3A_380] : memref<1000000x64xf32, #tpu.memory_space<hbm>> -> memref<1000000x64xf32, #tpu.memory_space<hbm>>
    tpu.enqueue_indirect_dma source(%dma_start3A_381 : memref<1000000x64xf32, #tpu.memory_space<hbm>>) target(%dma_start3A_375 : memref<128x64xf32, #tpu.memory_space<vmem>>) offsets(%dma_start3A_378 : memref<128xi32, #tpu.memory_space<vmem>>) semaphore(%arg20 : memref<!tpu.dma_semaphore, #tpu.memory_space<semaphore_mem>>)
    %dma_wait3A_382 = arith.constant 9 : i32
    %dma_wait3A_383 = arith.constant 0 : i32
    %dma_wait3A_384 = arith.constant 0 : i32
    %dma_wait3A_385 = tpu.memref_slice %arg11[%dma_wait3A_382, %dma_wait3A_383, %dma_wait3A_384] : memref<10x128x64xf32, #tpu.memory_space<vmem>> -> memref<1x128x64xf32, #tpu.memory_space<vmem>>
    %dma_wait3A_386 = tpu.memref_squeeze %dma_wait3A_385 : memref<1x128x64xf32, #tpu.memory_space<vmem>> -> memref<128x64xf32, #tpu.memory_space<vmem>>
    %dma_wait3A_387 = arith.constant 0 : i32
    %dma_wait3A_388 = arith.constant 0 : i32
    %dma_wait3A_389 = tpu.memref_slice %arg7[%dma_wait3A_387, %dma_wait3A_388] : memref<204800x64xf32, #tpu.memory_space<hbm>> -> memref<128x64xf32, #tpu.memory_space<hbm>>
    %dma_wait3A_390 = arith.constant 0 : i32
    %dma_wait3A_391 = arith.constant 0 : i32
    %dma_wait3A_392 = tpu.memref_slice %arg7[%dma_wait3A_390, %dma_wait3A_391] : memref<204800x64xf32, #tpu.memory_space<hbm>> -> memref<128x64xf32, #tpu.memory_space<hbm>>
    %dma_wait3A_393 = arith.constant 0 : i32
    %dma_wait3A_394 = arith.constant 0 : i32
    %dma_wait3A_395 = tpu.memref_slice %arg11[%dma_wait3A_382, %dma_wait3A_393, %dma_wait3A_394] : memref<10x128x64xf32, #tpu.memory_space<vmem>> -> memref<1x128x64xf32, #tpu.memory_space<vmem>>
    %dma_wait3A_396 = tpu.memref_squeeze %dma_wait3A_395 : memref<1x128x64xf32, #tpu.memory_space<vmem>> -> memref<128x64xf32, #tpu.memory_space<vmem>>
    tpu.wait_dma2 semaphore(%arg31 : memref<!tpu.dma_semaphore, #tpu.memory_space<semaphore_mem>>) src(%dma_wait3A_396 : memref<128x64xf32, #tpu.memory_space<vmem>>) dst(%dma_wait3A_392 : memref<128x64xf32, #tpu.memory_space<hbm>>)
    %dma_start3A_397 = arith.constant 9 : i32
    %dma_start3A_398 = arith.constant 9 : i32
    %dma_start3A_399 = arith.constant 0 : i32
    %dma_start3A_400 = arith.constant 0 : i32
    %dma_start3A_401 = tpu.memref_slice %arg11[%dma_start3A_398, %dma_start3A_399, %dma_start3A_400] : memref<10x128x64xf32, #tpu.memory_space<vmem>> -> memref<1x128x64xf32, #tpu.memory_space<vmem>>
    %dma_start3A_402 = tpu.memref_squeeze %dma_start3A_401 : memref<1x128x64xf32, #tpu.memory_space<vmem>> -> memref<128x64xf32, #tpu.memory_space<vmem>>
    %dma_start3A_403 = arith.constant 0 : i32
    %dma_start3A_404 = tpu.memref_slice %arg9[%dma_start3A_397, %dma_start3A_403] : memref<50x128xi32, #tpu.memory_space<vmem>> -> memref<1x128xi32, #tpu.memory_space<vmem>>
    %dma_start3A_405 = tpu.memref_squeeze %dma_start3A_404 : memref<1x128xi32, #tpu.memory_space<vmem>> -> memref<128xi32, #tpu.memory_space<vmem>>
    %dma_start3A_406 = arith.constant 0 : i32
    %dma_start3A_407 = arith.constant 0 : i32
    %dma_start3A_408 = tpu.memref_slice %arg3[%dma_start3A_406, %dma_start3A_407] : memref<1000000x64xf32, #tpu.memory_space<hbm>> -> memref<1000000x64xf32, #tpu.memory_space<hbm>>
    tpu.enqueue_indirect_dma source(%dma_start3A_408 : memref<1000000x64xf32, #tpu.memory_space<hbm>>) target(%dma_start3A_402 : memref<128x64xf32, #tpu.memory_space<vmem>>) offsets(%dma_start3A_405 : memref<128xi32, #tpu.memory_space<vmem>>) semaphore(%arg21 : memref<!tpu.dma_semaphore, #tpu.memory_space<semaphore_mem>>)
    %scan3A_409 = arith.constant 0 : i32
    %scan3A_410 = arith.constant 0 : i32
    %scan3A_411 = arith.constant 5 : i32
    %scan3A_412 = arith.addi %scan3A_410, %scan3A_411 : i32
    %scan3A_413 = arith.constant 1 : i32
    scf.for %scan3A_565 = %scan3A_410 to %scan3A_412 step %scan3A_413  : i32 {
      %mul3A_566 = arith.constant 10 : i32
      %mul3A_567 = arith.muli %scan3A_565, %mul3A_566 : i32
      %add3A_568 = arith.constant 0 : i32
      %add3A_569 = arith.addi %mul3A_567, %add3A_568 : i32
      %dma_wait3A_570 = arith.constant 0 : i32
      %dma_wait3A_571 = arith.constant 0 : i32
      %dma_wait3A_572 = arith.constant 0 : i32
      %dma_wait3A_573 = tpu.memref_slice %arg11[%dma_wait3A_570, %dma_wait3A_571, %dma_wait3A_572] : memref<10x128x64xf32, #tpu.memory_space<vmem>> -> memref<1x128x64xf32, #tpu.memory_space<vmem>>
      %dma_wait3A_574 = tpu.memref_squeeze %dma_wait3A_573 : memref<1x128x64xf32, #tpu.memory_space<vmem>> -> memref<128x64xf32, #tpu.memory_space<vmem>>
      %dma_wait3A_575 = arith.constant 0 : i32
      %dma_wait3A_576 = arith.constant 0 : i32
      %dma_wait3A_577 = tpu.memref_slice %arg3[%dma_wait3A_575, %dma_wait3A_576] : memref<1000000x64xf32, #tpu.memory_space<hbm>> -> memref<128x64xf32, #tpu.memory_space<hbm>>
      %dma_wait3A_578 = arith.constant 0 : i32
      %dma_wait3A_579 = arith.constant 0 : i32
      %dma_wait3A_580 = tpu.memref_slice %arg11[%dma_wait3A_570, %dma_wait3A_578, %dma_wait3A_579] : memref<10x128x64xf32, #tpu.memory_space<vmem>> -> memref<1x128x64xf32, #tpu.memory_space<vmem>>
      %dma_wait3A_581 = tpu.memref_squeeze %dma_wait3A_580 : memref<1x128x64xf32, #tpu.memory_space<vmem>> -> memref<128x64xf32, #tpu.memory_space<vmem>>
      %dma_wait3A_582 = arith.constant 0 : i32
      %dma_wait3A_583 = arith.constant 0 : i32
      %dma_wait3A_584 = tpu.memref_slice %arg3[%dma_wait3A_582, %dma_wait3A_583] : memref<1000000x64xf32, #tpu.memory_space<hbm>> -> memref<128x64xf32, #tpu.memory_space<hbm>>
      tpu.wait_dma2 semaphore(%arg12 : memref<!tpu.dma_semaphore, #tpu.memory_space<semaphore_mem>>) src(%dma_wait3A_584 : memref<128x64xf32, #tpu.memory_space<hbm>>) dst(%dma_wait3A_581 : memref<128x64xf32, #tpu.memory_space<vmem>>)
      %dma_start3A_585 = arith.constant 0 : i32
      %dma_start3A_586 = arith.constant 0 : i32
      %dma_start3A_587 = arith.constant 0 : i32
      %dma_start3A_588 = tpu.memref_slice %arg11[%dma_start3A_585, %dma_start3A_586, %dma_start3A_587] : memref<10x128x64xf32, #tpu.memory_space<vmem>> -> memref<1x128x64xf32, #tpu.memory_space<vmem>>
      %dma_start3A_589 = tpu.memref_squeeze %dma_start3A_588 : memref<1x128x64xf32, #tpu.memory_space<vmem>> -> memref<128x64xf32, #tpu.memory_space<vmem>>
      %dma_start3A_590 = arith.constant 0 : i32
      %dma_start3A_591 = tpu.memref_slice %arg10[%add3A_569, %dma_start3A_590] : memref<50x128xi32, #tpu.memory_space<vmem>> -> memref<1x128xi32, #tpu.memory_space<vmem>>
      %dma_start3A_592 = tpu.memref_squeeze %dma_start3A_591 : memref<1x128xi32, #tpu.memory_space<vmem>> -> memref<128xi32, #tpu.memory_space<vmem>>
      %dma_start3A_593 = arith.constant 0 : i32
      %dma_start3A_594 = arith.constant 0 : i32
      %dma_start3A_595 = tpu.memref_slice %arg7[%dma_start3A_593, %dma_start3A_594] : memref<204800x64xf32, #tpu.memory_space<hbm>> -> memref<204800x64xf32, #tpu.memory_space<hbm>>
      tpu.enqueue_indirect_dma source(%dma_start3A_589 : memref<128x64xf32, #tpu.memory_space<vmem>>) target(%dma_start3A_595 : memref<204800x64xf32, #tpu.memory_space<hbm>>) offsets(%dma_start3A_592 : memref<128xi32, #tpu.memory_space<vmem>>) semaphore(%arg22 : memref<!tpu.dma_semaphore, #tpu.memory_space<semaphore_mem>>)
      %lt3A = arith.constant 4 : i32
      %lt3A_596 = arith.cmpi slt, %scan3A_565, %lt3A : i32
      %convert_element_type3A = arith.extui %lt3A_596 : i1 to i32
      %cond3A = arith.constant 0 : i32
      %cond3A_597 = arith.cmpi ne, %convert_element_type3A, %cond3A : i32
      scf.if %cond3A_597 {
        %dma_wait3A_913 = arith.constant 0 : i32
        %dma_wait3A_914 = arith.constant 0 : i32
        %dma_wait3A_915 = arith.constant 0 : i32
        %dma_wait3A_916 = tpu.memref_slice %arg11[%dma_wait3A_913, %dma_wait3A_914, %dma_wait3A_915] : memref<10x128x64xf32, #tpu.memory_space<vmem>> -> memref<1x128x64xf32, #tpu.memory_space<vmem>>
        %dma_wait3A_917 = tpu.memref_squeeze %dma_wait3A_916 : memref<1x128x64xf32, #tpu.memory_space<vmem>> -> memref<128x64xf32, #tpu.memory_space<vmem>>
        %dma_wait3A_918 = arith.constant 0 : i32
        %dma_wait3A_919 = arith.constant 0 : i32
        %dma_wait3A_920 = tpu.memref_slice %arg7[%dma_wait3A_918, %dma_wait3A_919] : memref<204800x64xf32, #tpu.memory_space<hbm>> -> memref<128x64xf32, #tpu.memory_space<hbm>>
        %dma_wait3A_921 = arith.constant 0 : i32
        %dma_wait3A_922 = arith.constant 0 : i32
        %dma_wait3A_923 = tpu.memref_slice %arg7[%dma_wait3A_921, %dma_wait3A_922] : memref<204800x64xf32, #tpu.memory_space<hbm>> -> memref<128x64xf32, #tpu.memory_space<hbm>>
        %dma_wait3A_924 = arith.constant 0 : i32
        %dma_wait3A_925 = arith.constant 0 : i32
        %dma_wait3A_926 = tpu.memref_slice %arg11[%dma_wait3A_913, %dma_wait3A_924, %dma_wait3A_925] : memref<10x128x64xf32, #tpu.memory_space<vmem>> -> memref<1x128x64xf32, #tpu.memory_space<vmem>>
        %dma_wait3A_927 = tpu.memref_squeeze %dma_wait3A_926 : memref<1x128x64xf32, #tpu.memory_space<vmem>> -> memref<128x64xf32, #tpu.memory_space<vmem>>
        tpu.wait_dma2 semaphore(%arg22 : memref<!tpu.dma_semaphore, #tpu.memory_space<semaphore_mem>>) src(%dma_wait3A_927 : memref<128x64xf32, #tpu.memory_space<vmem>>) dst(%dma_wait3A_923 : memref<128x64xf32, #tpu.memory_space<hbm>>)
        %add3A_928 = arith.constant 10 : i32
        %add3A_929 = arith.addi %add3A_569, %add3A_928 : i32
        %dma_start3A_930 = arith.constant 0 : i32
        %dma_start3A_931 = arith.constant 0 : i32
        %dma_start3A_932 = arith.constant 0 : i32
        %dma_start3A_933 = tpu.memref_slice %arg11[%dma_start3A_930, %dma_start3A_931, %dma_start3A_932] : memref<10x128x64xf32, #tpu.memory_space<vmem>> -> memref<1x128x64xf32, #tpu.memory_space<vmem>>
        %dma_start3A_934 = tpu.memref_squeeze %dma_start3A_933 : memref<1x128x64xf32, #tpu.memory_space<vmem>> -> memref<128x64xf32, #tpu.memory_space<vmem>>
        %dma_start3A_935 = arith.constant 0 : i32
        %dma_start3A_936 = tpu.memref_slice %arg9[%add3A_929, %dma_start3A_935] : memref<50x128xi32, #tpu.memory_space<vmem>> -> memref<1x128xi32, #tpu.memory_space<vmem>>
        %dma_start3A_937 = tpu.memref_squeeze %dma_start3A_936 : memref<1x128xi32, #tpu.memory_space<vmem>> -> memref<128xi32, #tpu.memory_space<vmem>>
        %dma_start3A_938 = arith.constant 0 : i32
        %dma_start3A_939 = arith.constant 0 : i32
        %dma_start3A_940 = tpu.memref_slice %arg3[%dma_start3A_938, %dma_start3A_939] : memref<1000000x64xf32, #tpu.memory_space<hbm>> -> memref<1000000x64xf32, #tpu.memory_space<hbm>>
        tpu.enqueue_indirect_dma source(%dma_start3A_940 : memref<1000000x64xf32, #tpu.memory_space<hbm>>) target(%dma_start3A_934 : memref<128x64xf32, #tpu.memory_space<vmem>>) offsets(%dma_start3A_937 : memref<128xi32, #tpu.memory_space<vmem>>) semaphore(%arg12 : memref<!tpu.dma_semaphore, #tpu.memory_space<semaphore_mem>>)
      } else {
      }
      %mul3A_598 = arith.constant 10 : i32
      %mul3A_599 = arith.muli %scan3A_565, %mul3A_598 : i32
      %add3A_600 = arith.constant 1 : i32
      %add3A_601 = arith.addi %mul3A_599, %add3A_600 : i32
      %dma_wait3A_602 = arith.constant 1 : i32
      %dma_wait3A_603 = arith.constant 0 : i32
      %dma_wait3A_604 = arith.constant 0 : i32
      %dma_wait3A_605 = tpu.memref_slice %arg11[%dma_wait3A_602, %dma_wait3A_603, %dma_wait3A_604] : memref<10x128x64xf32, #tpu.memory_space<vmem>> -> memref<1x128x64xf32, #tpu.memory_space<vmem>>
      %dma_wait3A_606 = tpu.memref_squeeze %dma_wait3A_605 : memref<1x128x64xf32, #tpu.memory_space<vmem>> -> memref<128x64xf32, #tpu.memory_space<vmem>>
      %dma_wait3A_607 = arith.constant 0 : i32
      %dma_wait3A_608 = arith.constant 0 : i32
      %dma_wait3A_609 = tpu.memref_slice %arg3[%dma_wait3A_607, %dma_wait3A_608] : memref<1000000x64xf32, #tpu.memory_space<hbm>> -> memref<128x64xf32, #tpu.memory_space<hbm>>
      %dma_wait3A_610 = arith.constant 0 : i32
      %dma_wait3A_611 = arith.constant 0 : i32
      %dma_wait3A_612 = tpu.memref_slice %arg11[%dma_wait3A_602, %dma_wait3A_610, %dma_wait3A_611] : memref<10x128x64xf32, #tpu.memory_space<vmem>> -> memref<1x128x64xf32, #tpu.memory_space<vmem>>
      %dma_wait3A_613 = tpu.memref_squeeze %dma_wait3A_612 : memref<1x128x64xf32, #tpu.memory_space<vmem>> -> memref<128x64xf32, #tpu.memory_space<vmem>>
      %dma_wait3A_614 = arith.constant 0 : i32
      %dma_wait3A_615 = arith.constant 0 : i32
      %dma_wait3A_616 = tpu.memref_slice %arg3[%dma_wait3A_614, %dma_wait3A_615] : memref<1000000x64xf32, #tpu.memory_space<hbm>> -> memref<128x64xf32, #tpu.memory_space<hbm>>
      tpu.wait_dma2 semaphore(%arg13 : memref<!tpu.dma_semaphore, #tpu.memory_space<semaphore_mem>>) src(%dma_wait3A_616 : memref<128x64xf32, #tpu.memory_space<hbm>>) dst(%dma_wait3A_613 : memref<128x64xf32, #tpu.memory_space<vmem>>)
      %dma_start3A_617 = arith.constant 1 : i32
      %dma_start3A_618 = arith.constant 0 : i32
      %dma_start3A_619 = arith.constant 0 : i32
      %dma_start3A_620 = tpu.memref_slice %arg11[%dma_start3A_617, %dma_start3A_618, %dma_start3A_619] : memref<10x128x64xf32, #tpu.memory_space<vmem>> -> memref<1x128x64xf32, #tpu.memory_space<vmem>>
      %dma_start3A_621 = tpu.memref_squeeze %dma_start3A_620 : memref<1x128x64xf32, #tpu.memory_space<vmem>> -> memref<128x64xf32, #tpu.memory_space<vmem>>
      %dma_start3A_622 = arith.constant 0 : i32
      %dma_start3A_623 = tpu.memref_slice %arg10[%add3A_601, %dma_start3A_622] : memref<50x128xi32, #tpu.memory_space<vmem>> -> memref<1x128xi32, #tpu.memory_space<vmem>>
      %dma_start3A_624 = tpu.memref_squeeze %dma_start3A_623 : memref<1x128xi32, #tpu.memory_space<vmem>> -> memref<128xi32, #tpu.memory_space<vmem>>
      %dma_start3A_625 = arith.constant 0 : i32
      %dma_start3A_626 = arith.constant 0 : i32
      %dma_start3A_627 = tpu.memref_slice %arg7[%dma_start3A_625, %dma_start3A_626] : memref<204800x64xf32, #tpu.memory_space<hbm>> -> memref<204800x64xf32, #tpu.memory_space<hbm>>
      tpu.enqueue_indirect_dma source(%dma_start3A_621 : memref<128x64xf32, #tpu.memory_space<vmem>>) target(%dma_start3A_627 : memref<204800x64xf32, #tpu.memory_space<hbm>>) offsets(%dma_start3A_624 : memref<128xi32, #tpu.memory_space<vmem>>) semaphore(%arg23 : memref<!tpu.dma_semaphore, #tpu.memory_space<semaphore_mem>>)
      %lt3A_628 = arith.constant 4 : i32
      %lt3A_629 = arith.cmpi slt, %scan3A_565, %lt3A_628 : i32
      %convert_element_type3A_630 = arith.extui %lt3A_629 : i1 to i32
      %cond3A_631 = arith.constant 0 : i32
      %cond3A_632 = arith.cmpi ne, %convert_element_type3A_630, %cond3A_631 : i32
      scf.if %cond3A_632 {
        %dma_wait3A_913 = arith.constant 1 : i32
        %dma_wait3A_914 = arith.constant 0 : i32
        %dma_wait3A_915 = arith.constant 0 : i32
        %dma_wait3A_916 = tpu.memref_slice %arg11[%dma_wait3A_913, %dma_wait3A_914, %dma_wait3A_915] : memref<10x128x64xf32, #tpu.memory_space<vmem>> -> memref<1x128x64xf32, #tpu.memory_space<vmem>>
        %dma_wait3A_917 = tpu.memref_squeeze %dma_wait3A_916 : memref<1x128x64xf32, #tpu.memory_space<vmem>> -> memref<128x64xf32, #tpu.memory_space<vmem>>
        %dma_wait3A_918 = arith.constant 0 : i32
        %dma_wait3A_919 = arith.constant 0 : i32
        %dma_wait3A_920 = tpu.memref_slice %arg7[%dma_wait3A_918, %dma_wait3A_919] : memref<204800x64xf32, #tpu.memory_space<hbm>> -> memref<128x64xf32, #tpu.memory_space<hbm>>
        %dma_wait3A_921 = arith.constant 0 : i32
        %dma_wait3A_922 = arith.constant 0 : i32
        %dma_wait3A_923 = tpu.memref_slice %arg7[%dma_wait3A_921, %dma_wait3A_922] : memref<204800x64xf32, #tpu.memory_space<hbm>> -> memref<128x64xf32, #tpu.memory_space<hbm>>
        %dma_wait3A_924 = arith.constant 0 : i32
        %dma_wait3A_925 = arith.constant 0 : i32
        %dma_wait3A_926 = tpu.memref_slice %arg11[%dma_wait3A_913, %dma_wait3A_924, %dma_wait3A_925] : memref<10x128x64xf32, #tpu.memory_space<vmem>> -> memref<1x128x64xf32, #tpu.memory_space<vmem>>
        %dma_wait3A_927 = tpu.memref_squeeze %dma_wait3A_926 : memref<1x128x64xf32, #tpu.memory_space<vmem>> -> memref<128x64xf32, #tpu.memory_space<vmem>>
        tpu.wait_dma2 semaphore(%arg23 : memref<!tpu.dma_semaphore, #tpu.memory_space<semaphore_mem>>) src(%dma_wait3A_927 : memref<128x64xf32, #tpu.memory_space<vmem>>) dst(%dma_wait3A_923 : memref<128x64xf32, #tpu.memory_space<hbm>>)
        %add3A_928 = arith.constant 10 : i32
        %add3A_929 = arith.addi %add3A_601, %add3A_928 : i32
        %dma_start3A_930 = arith.constant 1 : i32
        %dma_start3A_931 = arith.constant 0 : i32
        %dma_start3A_932 = arith.constant 0 : i32
        %dma_start3A_933 = tpu.memref_slice %arg11[%dma_start3A_930, %dma_start3A_931, %dma_start3A_932] : memref<10x128x64xf32, #tpu.memory_space<vmem>> -> memref<1x128x64xf32, #tpu.memory_space<vmem>>
        %dma_start3A_934 = tpu.memref_squeeze %dma_start3A_933 : memref<1x128x64xf32, #tpu.memory_space<vmem>> -> memref<128x64xf32, #tpu.memory_space<vmem>>
        %dma_start3A_935 = arith.constant 0 : i32
        %dma_start3A_936 = tpu.memref_slice %arg9[%add3A_929, %dma_start3A_935] : memref<50x128xi32, #tpu.memory_space<vmem>> -> memref<1x128xi32, #tpu.memory_space<vmem>>
        %dma_start3A_937 = tpu.memref_squeeze %dma_start3A_936 : memref<1x128xi32, #tpu.memory_space<vmem>> -> memref<128xi32, #tpu.memory_space<vmem>>
        %dma_start3A_938 = arith.constant 0 : i32
        %dma_start3A_939 = arith.constant 0 : i32
        %dma_start3A_940 = tpu.memref_slice %arg3[%dma_start3A_938, %dma_start3A_939] : memref<1000000x64xf32, #tpu.memory_space<hbm>> -> memref<1000000x64xf32, #tpu.memory_space<hbm>>
        tpu.enqueue_indirect_dma source(%dma_start3A_940 : memref<1000000x64xf32, #tpu.memory_space<hbm>>) target(%dma_start3A_934 : memref<128x64xf32, #tpu.memory_space<vmem>>) offsets(%dma_start3A_937 : memref<128xi32, #tpu.memory_space<vmem>>) semaphore(%arg13 : memref<!tpu.dma_semaphore, #tpu.memory_space<semaphore_mem>>)
      } else {
      }
      %mul3A_633 = arith.constant 10 : i32
      %mul3A_634 = arith.muli %scan3A_565, %mul3A_633 : i32
      %add3A_635 = arith.constant 2 : i32
      %add3A_636 = arith.addi %mul3A_634, %add3A_635 : i32
      %dma_wait3A_637 = arith.constant 2 : i32
      %dma_wait3A_638 = arith.constant 0 : i32
      %dma_wait3A_639 = arith.constant 0 : i32
      %dma_wait3A_640 = tpu.memref_slice %arg11[%dma_wait3A_637, %dma_wait3A_638, %dma_wait3A_639] : memref<10x128x64xf32, #tpu.memory_space<vmem>> -> memref<1x128x64xf32, #tpu.memory_space<vmem>>
      %dma_wait3A_641 = tpu.memref_squeeze %dma_wait3A_640 : memref<1x128x64xf32, #tpu.memory_space<vmem>> -> memref<128x64xf32, #tpu.memory_space<vmem>>
      %dma_wait3A_642 = arith.constant 0 : i32
      %dma_wait3A_643 = arith.constant 0 : i32
      %dma_wait3A_644 = tpu.memref_slice %arg3[%dma_wait3A_642, %dma_wait3A_643] : memref<1000000x64xf32, #tpu.memory_space<hbm>> -> memref<128x64xf32, #tpu.memory_space<hbm>>
      %dma_wait3A_645 = arith.constant 0 : i32
      %dma_wait3A_646 = arith.constant 0 : i32
      %dma_wait3A_647 = tpu.memref_slice %arg11[%dma_wait3A_637, %dma_wait3A_645, %dma_wait3A_646] : memref<10x128x64xf32, #tpu.memory_space<vmem>> -> memref<1x128x64xf32, #tpu.memory_space<vmem>>
      %dma_wait3A_648 = tpu.memref_squeeze %dma_wait3A_647 : memref<1x128x64xf32, #tpu.memory_space<vmem>> -> memref<128x64xf32, #tpu.memory_space<vmem>>
      %dma_wait3A_649 = arith.constant 0 : i32
      %dma_wait3A_650 = arith.constant 0 : i32
      %dma_wait3A_651 = tpu.memref_slice %arg3[%dma_wait3A_649, %dma_wait3A_650] : memref<1000000x64xf32, #tpu.memory_space<hbm>> -> memref<128x64xf32, #tpu.memory_space<hbm>>
      tpu.wait_dma2 semaphore(%arg14 : memref<!tpu.dma_semaphore, #tpu.memory_space<semaphore_mem>>) src(%dma_wait3A_651 : memref<128x64xf32, #tpu.memory_space<hbm>>) dst(%dma_wait3A_648 : memref<128x64xf32, #tpu.memory_space<vmem>>)
      %dma_start3A_652 = arith.constant 2 : i32
      %dma_start3A_653 = arith.constant 0 : i32
      %dma_start3A_654 = arith.constant 0 : i32
      %dma_start3A_655 = tpu.memref_slice %arg11[%dma_start3A_652, %dma_start3A_653, %dma_start3A_654] : memref<10x128x64xf32, #tpu.memory_space<vmem>> -> memref<1x128x64xf32, #tpu.memory_space<vmem>>
      %dma_start3A_656 = tpu.memref_squeeze %dma_start3A_655 : memref<1x128x64xf32, #tpu.memory_space<vmem>> -> memref<128x64xf32, #tpu.memory_space<vmem>>
      %dma_start3A_657 = arith.constant 0 : i32
      %dma_start3A_658 = tpu.memref_slice %arg10[%add3A_636, %dma_start3A_657] : memref<50x128xi32, #tpu.memory_space<vmem>> -> memref<1x128xi32, #tpu.memory_space<vmem>>
      %dma_start3A_659 = tpu.memref_squeeze %dma_start3A_658 : memref<1x128xi32, #tpu.memory_space<vmem>> -> memref<128xi32, #tpu.memory_space<vmem>>
      %dma_start3A_660 = arith.constant 0 : i32
      %dma_start3A_661 = arith.constant 0 : i32
      %dma_start3A_662 = tpu.memref_slice %arg7[%dma_start3A_660, %dma_start3A_661] : memref<204800x64xf32, #tpu.memory_space<hbm>> -> memref<204800x64xf32, #tpu.memory_space<hbm>>
      tpu.enqueue_indirect_dma source(%dma_start3A_656 : memref<128x64xf32, #tpu.memory_space<vmem>>) target(%dma_start3A_662 : memref<204800x64xf32, #tpu.memory_space<hbm>>) offsets(%dma_start3A_659 : memref<128xi32, #tpu.memory_space<vmem>>) semaphore(%arg24 : memref<!tpu.dma_semaphore, #tpu.memory_space<semaphore_mem>>)
      %lt3A_663 = arith.constant 4 : i32
      %lt3A_664 = arith.cmpi slt, %scan3A_565, %lt3A_663 : i32
      %convert_element_type3A_665 = arith.extui %lt3A_664 : i1 to i32
      %cond3A_666 = arith.constant 0 : i32
      %cond3A_667 = arith.cmpi ne, %convert_element_type3A_665, %cond3A_666 : i32
      scf.if %cond3A_667 {
        %dma_wait3A_913 = arith.constant 2 : i32
        %dma_wait3A_914 = arith.constant 0 : i32
        %dma_wait3A_915 = arith.constant 0 : i32
        %dma_wait3A_916 = tpu.memref_slice %arg11[%dma_wait3A_913, %dma_wait3A_914, %dma_wait3A_915] : memref<10x128x64xf32, #tpu.memory_space<vmem>> -> memref<1x128x64xf32, #tpu.memory_space<vmem>>
        %dma_wait3A_917 = tpu.memref_squeeze %dma_wait3A_916 : memref<1x128x64xf32, #tpu.memory_space<vmem>> -> memref<128x64xf32, #tpu.memory_space<vmem>>
        %dma_wait3A_918 = arith.constant 0 : i32
        %dma_wait3A_919 = arith.constant 0 : i32
        %dma_wait3A_920 = tpu.memref_slice %arg7[%dma_wait3A_918, %dma_wait3A_919] : memref<204800x64xf32, #tpu.memory_space<hbm>> -> memref<128x64xf32, #tpu.memory_space<hbm>>
        %dma_wait3A_921 = arith.constant 0 : i32
        %dma_wait3A_922 = arith.constant 0 : i32
        %dma_wait3A_923 = tpu.memref_slice %arg7[%dma_wait3A_921, %dma_wait3A_922] : memref<204800x64xf32, #tpu.memory_space<hbm>> -> memref<128x64xf32, #tpu.memory_space<hbm>>
        %dma_wait3A_924 = arith.constant 0 : i32
        %dma_wait3A_925 = arith.constant 0 : i32
        %dma_wait3A_926 = tpu.memref_slice %arg11[%dma_wait3A_913, %dma_wait3A_924, %dma_wait3A_925] : memref<10x128x64xf32, #tpu.memory_space<vmem>> -> memref<1x128x64xf32, #tpu.memory_space<vmem>>
        %dma_wait3A_927 = tpu.memref_squeeze %dma_wait3A_926 : memref<1x128x64xf32, #tpu.memory_space<vmem>> -> memref<128x64xf32, #tpu.memory_space<vmem>>
        tpu.wait_dma2 semaphore(%arg24 : memref<!tpu.dma_semaphore, #tpu.memory_space<semaphore_mem>>) src(%dma_wait3A_927 : memref<128x64xf32, #tpu.memory_space<vmem>>) dst(%dma_wait3A_923 : memref<128x64xf32, #tpu.memory_space<hbm>>)
        %add3A_928 = arith.constant 10 : i32
        %add3A_929 = arith.addi %add3A_636, %add3A_928 : i32
        %dma_start3A_930 = arith.constant 2 : i32
        %dma_start3A_931 = arith.constant 0 : i32
        %dma_start3A_932 = arith.constant 0 : i32
        %dma_start3A_933 = tpu.memref_slice %arg11[%dma_start3A_930, %dma_start3A_931, %dma_start3A_932] : memref<10x128x64xf32, #tpu.memory_space<vmem>> -> memref<1x128x64xf32, #tpu.memory_space<vmem>>
        %dma_start3A_934 = tpu.memref_squeeze %dma_start3A_933 : memref<1x128x64xf32, #tpu.memory_space<vmem>> -> memref<128x64xf32, #tpu.memory_space<vmem>>
        %dma_start3A_935 = arith.constant 0 : i32
        %dma_start3A_936 = tpu.memref_slice %arg9[%add3A_929, %dma_start3A_935] : memref<50x128xi32, #tpu.memory_space<vmem>> -> memref<1x128xi32, #tpu.memory_space<vmem>>
        %dma_start3A_937 = tpu.memref_squeeze %dma_start3A_936 : memref<1x128xi32, #tpu.memory_space<vmem>> -> memref<128xi32, #tpu.memory_space<vmem>>
        %dma_start3A_938 = arith.constant 0 : i32
        %dma_start3A_939 = arith.constant 0 : i32
        %dma_start3A_940 = tpu.memref_slice %arg3[%dma_start3A_938, %dma_start3A_939] : memref<1000000x64xf32, #tpu.memory_space<hbm>> -> memref<1000000x64xf32, #tpu.memory_space<hbm>>
        tpu.enqueue_indirect_dma source(%dma_start3A_940 : memref<1000000x64xf32, #tpu.memory_space<hbm>>) target(%dma_start3A_934 : memref<128x64xf32, #tpu.memory_space<vmem>>) offsets(%dma_start3A_937 : memref<128xi32, #tpu.memory_space<vmem>>) semaphore(%arg14 : memref<!tpu.dma_semaphore, #tpu.memory_space<semaphore_mem>>)
      } else {
      }
      %mul3A_668 = arith.constant 10 : i32
      %mul3A_669 = arith.muli %scan3A_565, %mul3A_668 : i32
      %add3A_670 = arith.constant 3 : i32
      %add3A_671 = arith.addi %mul3A_669, %add3A_670 : i32
      %dma_wait3A_672 = arith.constant 3 : i32
      %dma_wait3A_673 = arith.constant 0 : i32
      %dma_wait3A_674 = arith.constant 0 : i32
      %dma_wait3A_675 = tpu.memref_slice %arg11[%dma_wait3A_672, %dma_wait3A_673, %dma_wait3A_674] : memref<10x128x64xf32, #tpu.memory_space<vmem>> -> memref<1x128x64xf32, #tpu.memory_space<vmem>>
      %dma_wait3A_676 = tpu.memref_squeeze %dma_wait3A_675 : memref<1x128x64xf32, #tpu.memory_space<vmem>> -> memref<128x64xf32, #tpu.memory_space<vmem>>
      %dma_wait3A_677 = arith.constant 0 : i32
      %dma_wait3A_678 = arith.constant 0 : i32
      %dma_wait3A_679 = tpu.memref_slice %arg3[%dma_wait3A_677, %dma_wait3A_678] : memref<1000000x64xf32, #tpu.memory_space<hbm>> -> memref<128x64xf32, #tpu.memory_space<hbm>>
      %dma_wait3A_680 = arith.constant 0 : i32
      %dma_wait3A_681 = arith.constant 0 : i32
      %dma_wait3A_682 = tpu.memref_slice %arg11[%dma_wait3A_672, %dma_wait3A_680, %dma_wait3A_681] : memref<10x128x64xf32, #tpu.memory_space<vmem>> -> memref<1x128x64xf32, #tpu.memory_space<vmem>>
      %dma_wait3A_683 = tpu.memref_squeeze %dma_wait3A_682 : memref<1x128x64xf32, #tpu.memory_space<vmem>> -> memref<128x64xf32, #tpu.memory_space<vmem>>
      %dma_wait3A_684 = arith.constant 0 : i32
      %dma_wait3A_685 = arith.constant 0 : i32
      %dma_wait3A_686 = tpu.memref_slice %arg3[%dma_wait3A_684, %dma_wait3A_685] : memref<1000000x64xf32, #tpu.memory_space<hbm>> -> memref<128x64xf32, #tpu.memory_space<hbm>>
      tpu.wait_dma2 semaphore(%arg15 : memref<!tpu.dma_semaphore, #tpu.memory_space<semaphore_mem>>) src(%dma_wait3A_686 : memref<128x64xf32, #tpu.memory_space<hbm>>) dst(%dma_wait3A_683 : memref<128x64xf32, #tpu.memory_space<vmem>>)
      %dma_start3A_687 = arith.constant 3 : i32
      %dma_start3A_688 = arith.constant 0 : i32
      %dma_start3A_689 = arith.constant 0 : i32
      %dma_start3A_690 = tpu.memref_slice %arg11[%dma_start3A_687, %dma_start3A_688, %dma_start3A_689] : memref<10x128x64xf32, #tpu.memory_space<vmem>> -> memref<1x128x64xf32, #tpu.memory_space<vmem>>
      %dma_start3A_691 = tpu.memref_squeeze %dma_start3A_690 : memref<1x128x64xf32, #tpu.memory_space<vmem>> -> memref<128x64xf32, #tpu.memory_space<vmem>>
      %dma_start3A_692 = arith.constant 0 : i32
      %dma_start3A_693 = tpu.memref_slice %arg10[%add3A_671, %dma_start3A_692] : memref<50x128xi32, #tpu.memory_space<vmem>> -> memref<1x128xi32, #tpu.memory_space<vmem>>
      %dma_start3A_694 = tpu.memref_squeeze %dma_start3A_693 : memref<1x128xi32, #tpu.memory_space<vmem>> -> memref<128xi32, #tpu.memory_space<vmem>>
      %dma_start3A_695 = arith.constant 0 : i32
      %dma_start3A_696 = arith.constant 0 : i32
      %dma_start3A_697 = tpu.memref_slice %arg7[%dma_start3A_695, %dma_start3A_696] : memref<204800x64xf32, #tpu.memory_space<hbm>> -> memref<204800x64xf32, #tpu.memory_space<hbm>>
      tpu.enqueue_indirect_dma source(%dma_start3A_691 : memref<128x64xf32, #tpu.memory_space<vmem>>) target(%dma_start3A_697 : memref<204800x64xf32, #tpu.memory_space<hbm>>) offsets(%dma_start3A_694 : memref<128xi32, #tpu.memory_space<vmem>>) semaphore(%arg25 : memref<!tpu.dma_semaphore, #tpu.memory_space<semaphore_mem>>)
      %lt3A_698 = arith.constant 4 : i32
      %lt3A_699 = arith.cmpi slt, %scan3A_565, %lt3A_698 : i32
      %convert_element_type3A_700 = arith.extui %lt3A_699 : i1 to i32
      %cond3A_701 = arith.constant 0 : i32
      %cond3A_702 = arith.cmpi ne, %convert_element_type3A_700, %cond3A_701 : i32
      scf.if %cond3A_702 {
        %dma_wait3A_913 = arith.constant 3 : i32
        %dma_wait3A_914 = arith.constant 0 : i32
        %dma_wait3A_915 = arith.constant 0 : i32
        %dma_wait3A_916 = tpu.memref_slice %arg11[%dma_wait3A_913, %dma_wait3A_914, %dma_wait3A_915] : memref<10x128x64xf32, #tpu.memory_space<vmem>> -> memref<1x128x64xf32, #tpu.memory_space<vmem>>
        %dma_wait3A_917 = tpu.memref_squeeze %dma_wait3A_916 : memref<1x128x64xf32, #tpu.memory_space<vmem>> -> memref<128x64xf32, #tpu.memory_space<vmem>>
        %dma_wait3A_918 = arith.constant 0 : i32
        %dma_wait3A_919 = arith.constant 0 : i32
        %dma_wait3A_920 = tpu.memref_slice %arg7[%dma_wait3A_918, %dma_wait3A_919] : memref<204800x64xf32, #tpu.memory_space<hbm>> -> memref<128x64xf32, #tpu.memory_space<hbm>>
        %dma_wait3A_921 = arith.constant 0 : i32
        %dma_wait3A_922 = arith.constant 0 : i32
        %dma_wait3A_923 = tpu.memref_slice %arg7[%dma_wait3A_921, %dma_wait3A_922] : memref<204800x64xf32, #tpu.memory_space<hbm>> -> memref<128x64xf32, #tpu.memory_space<hbm>>
        %dma_wait3A_924 = arith.constant 0 : i32
        %dma_wait3A_925 = arith.constant 0 : i32
        %dma_wait3A_926 = tpu.memref_slice %arg11[%dma_wait3A_913, %dma_wait3A_924, %dma_wait3A_925] : memref<10x128x64xf32, #tpu.memory_space<vmem>> -> memref<1x128x64xf32, #tpu.memory_space<vmem>>
        %dma_wait3A_927 = tpu.memref_squeeze %dma_wait3A_926 : memref<1x128x64xf32, #tpu.memory_space<vmem>> -> memref<128x64xf32, #tpu.memory_space<vmem>>
        tpu.wait_dma2 semaphore(%arg25 : memref<!tpu.dma_semaphore, #tpu.memory_space<semaphore_mem>>) src(%dma_wait3A_927 : memref<128x64xf32, #tpu.memory_space<vmem>>) dst(%dma_wait3A_923 : memref<128x64xf32, #tpu.memory_space<hbm>>)
        %add3A_928 = arith.constant 10 : i32
        %add3A_929 = arith.addi %add3A_671, %add3A_928 : i32
        %dma_start3A_930 = arith.constant 3 : i32
        %dma_start3A_931 = arith.constant 0 : i32
        %dma_start3A_932 = arith.constant 0 : i32
        %dma_start3A_933 = tpu.memref_slice %arg11[%dma_start3A_930, %dma_start3A_931, %dma_start3A_932] : memref<10x128x64xf32, #tpu.memory_space<vmem>> -> memref<1x128x64xf32, #tpu.memory_space<vmem>>
        %dma_start3A_934 = tpu.memref_squeeze %dma_start3A_933 : memref<1x128x64xf32, #tpu.memory_space<vmem>> -> memref<128x64xf32, #tpu.memory_space<vmem>>
        %dma_start3A_935 = arith.constant 0 : i32
        %dma_start3A_936 = tpu.memref_slice %arg9[%add3A_929, %dma_start3A_935] : memref<50x128xi32, #tpu.memory_space<vmem>> -> memref<1x128xi32, #tpu.memory_space<vmem>>
        %dma_start3A_937 = tpu.memref_squeeze %dma_start3A_936 : memref<1x128xi32, #tpu.memory_space<vmem>> -> memref<128xi32, #tpu.memory_space<vmem>>
        %dma_start3A_938 = arith.constant 0 : i32
        %dma_start3A_939 = arith.constant 0 : i32
        %dma_start3A_940 = tpu.memref_slice %arg3[%dma_start3A_938, %dma_start3A_939] : memref<1000000x64xf32, #tpu.memory_space<hbm>> -> memref<1000000x64xf32, #tpu.memory_space<hbm>>
        tpu.enqueue_indirect_dma source(%dma_start3A_940 : memref<1000000x64xf32, #tpu.memory_space<hbm>>) target(%dma_start3A_934 : memref<128x64xf32, #tpu.memory_space<vmem>>) offsets(%dma_start3A_937 : memref<128xi32, #tpu.memory_space<vmem>>) semaphore(%arg15 : memref<!tpu.dma_semaphore, #tpu.memory_space<semaphore_mem>>)
      } else {
      }
      %mul3A_703 = arith.constant 10 : i32
      %mul3A_704 = arith.muli %scan3A_565, %mul3A_703 : i32
      %add3A_705 = arith.constant 4 : i32
      %add3A_706 = arith.addi %mul3A_704, %add3A_705 : i32
      %dma_wait3A_707 = arith.constant 4 : i32
      %dma_wait3A_708 = arith.constant 0 : i32
      %dma_wait3A_709 = arith.constant 0 : i32
      %dma_wait3A_710 = tpu.memref_slice %arg11[%dma_wait3A_707, %dma_wait3A_708, %dma_wait3A_709] : memref<10x128x64xf32, #tpu.memory_space<vmem>> -> memref<1x128x64xf32, #tpu.memory_space<vmem>>
      %dma_wait3A_711 = tpu.memref_squeeze %dma_wait3A_710 : memref<1x128x64xf32, #tpu.memory_space<vmem>> -> memref<128x64xf32, #tpu.memory_space<vmem>>
      %dma_wait3A_712 = arith.constant 0 : i32
      %dma_wait3A_713 = arith.constant 0 : i32
      %dma_wait3A_714 = tpu.memref_slice %arg3[%dma_wait3A_712, %dma_wait3A_713] : memref<1000000x64xf32, #tpu.memory_space<hbm>> -> memref<128x64xf32, #tpu.memory_space<hbm>>
      %dma_wait3A_715 = arith.constant 0 : i32
      %dma_wait3A_716 = arith.constant 0 : i32
      %dma_wait3A_717 = tpu.memref_slice %arg11[%dma_wait3A_707, %dma_wait3A_715, %dma_wait3A_716] : memref<10x128x64xf32, #tpu.memory_space<vmem>> -> memref<1x128x64xf32, #tpu.memory_space<vmem>>
      %dma_wait3A_718 = tpu.memref_squeeze %dma_wait3A_717 : memref<1x128x64xf32, #tpu.memory_space<vmem>> -> memref<128x64xf32, #tpu.memory_space<vmem>>
      %dma_wait3A_719 = arith.constant 0 : i32
      %dma_wait3A_720 = arith.constant 0 : i32
      %dma_wait3A_721 = tpu.memref_slice %arg3[%dma_wait3A_719, %dma_wait3A_720] : memref<1000000x64xf32, #tpu.memory_space<hbm>> -> memref<128x64xf32, #tpu.memory_space<hbm>>
      tpu.wait_dma2 semaphore(%arg16 : memref<!tpu.dma_semaphore, #tpu.memory_space<semaphore_mem>>) src(%dma_wait3A_721 : memref<128x64xf32, #tpu.memory_space<hbm>>) dst(%dma_wait3A_718 : memref<128x64xf32, #tpu.memory_space<vmem>>)
      %dma_start3A_722 = arith.constant 4 : i32
      %dma_start3A_723 = arith.constant 0 : i32
      %dma_start3A_724 = arith.constant 0 : i32
      %dma_start3A_725 = tpu.memref_slice %arg11[%dma_start3A_722, %dma_start3A_723, %dma_start3A_724] : memref<10x128x64xf32, #tpu.memory_space<vmem>> -> memref<1x128x64xf32, #tpu.memory_space<vmem>>
      %dma_start3A_726 = tpu.memref_squeeze %dma_start3A_725 : memref<1x128x64xf32, #tpu.memory_space<vmem>> -> memref<128x64xf32, #tpu.memory_space<vmem>>
      %dma_start3A_727 = arith.constant 0 : i32
      %dma_start3A_728 = tpu.memref_slice %arg10[%add3A_706, %dma_start3A_727] : memref<50x128xi32, #tpu.memory_space<vmem>> -> memref<1x128xi32, #tpu.memory_space<vmem>>
      %dma_start3A_729 = tpu.memref_squeeze %dma_start3A_728 : memref<1x128xi32, #tpu.memory_space<vmem>> -> memref<128xi32, #tpu.memory_space<vmem>>
      %dma_start3A_730 = arith.constant 0 : i32
      %dma_start3A_731 = arith.constant 0 : i32
      %dma_start3A_732 = tpu.memref_slice %arg7[%dma_start3A_730, %dma_start3A_731] : memref<204800x64xf32, #tpu.memory_space<hbm>> -> memref<204800x64xf32, #tpu.memory_space<hbm>>
      tpu.enqueue_indirect_dma source(%dma_start3A_726 : memref<128x64xf32, #tpu.memory_space<vmem>>) target(%dma_start3A_732 : memref<204800x64xf32, #tpu.memory_space<hbm>>) offsets(%dma_start3A_729 : memref<128xi32, #tpu.memory_space<vmem>>) semaphore(%arg26 : memref<!tpu.dma_semaphore, #tpu.memory_space<semaphore_mem>>)
      %lt3A_733 = arith.constant 4 : i32
      %lt3A_734 = arith.cmpi slt, %scan3A_565, %lt3A_733 : i32
      %convert_element_type3A_735 = arith.extui %lt3A_734 : i1 to i32
      %cond3A_736 = arith.constant 0 : i32
      %cond3A_737 = arith.cmpi ne, %convert_element_type3A_735, %cond3A_736 : i32
      scf.if %cond3A_737 {
        %dma_wait3A_913 = arith.constant 4 : i32
        %dma_wait3A_914 = arith.constant 0 : i32
        %dma_wait3A_915 = arith.constant 0 : i32
        %dma_wait3A_916 = tpu.memref_slice %arg11[%dma_wait3A_913, %dma_wait3A_914, %dma_wait3A_915] : memref<10x128x64xf32, #tpu.memory_space<vmem>> -> memref<1x128x64xf32, #tpu.memory_space<vmem>>
        %dma_wait3A_917 = tpu.memref_squeeze %dma_wait3A_916 : memref<1x128x64xf32, #tpu.memory_space<vmem>> -> memref<128x64xf32, #tpu.memory_space<vmem>>
        %dma_wait3A_918 = arith.constant 0 : i32
        %dma_wait3A_919 = arith.constant 0 : i32
        %dma_wait3A_920 = tpu.memref_slice %arg7[%dma_wait3A_918, %dma_wait3A_919] : memref<204800x64xf32, #tpu.memory_space<hbm>> -> memref<128x64xf32, #tpu.memory_space<hbm>>
        %dma_wait3A_921 = arith.constant 0 : i32
        %dma_wait3A_922 = arith.constant 0 : i32
        %dma_wait3A_923 = tpu.memref_slice %arg7[%dma_wait3A_921, %dma_wait3A_922] : memref<204800x64xf32, #tpu.memory_space<hbm>> -> memref<128x64xf32, #tpu.memory_space<hbm>>
        %dma_wait3A_924 = arith.constant 0 : i32
        %dma_wait3A_925 = arith.constant 0 : i32
        %dma_wait3A_926 = tpu.memref_slice %arg11[%dma_wait3A_913, %dma_wait3A_924, %dma_wait3A_925] : memref<10x128x64xf32, #tpu.memory_space<vmem>> -> memref<1x128x64xf32, #tpu.memory_space<vmem>>
        %dma_wait3A_927 = tpu.memref_squeeze %dma_wait3A_926 : memref<1x128x64xf32, #tpu.memory_space<vmem>> -> memref<128x64xf32, #tpu.memory_space<vmem>>
        tpu.wait_dma2 semaphore(%arg26 : memref<!tpu.dma_semaphore, #tpu.memory_space<semaphore_mem>>) src(%dma_wait3A_927 : memref<128x64xf32, #tpu.memory_space<vmem>>) dst(%dma_wait3A_923 : memref<128x64xf32, #tpu.memory_space<hbm>>)
        %add3A_928 = arith.constant 10 : i32
        %add3A_929 = arith.addi %add3A_706, %add3A_928 : i32
        %dma_start3A_930 = arith.constant 4 : i32
        %dma_start3A_931 = arith.constant 0 : i32
        %dma_start3A_932 = arith.constant 0 : i32
        %dma_start3A_933 = tpu.memref_slice %arg11[%dma_start3A_930, %dma_start3A_931, %dma_start3A_932] : memref<10x128x64xf32, #tpu.memory_space<vmem>> -> memref<1x128x64xf32, #tpu.memory_space<vmem>>
        %dma_start3A_934 = tpu.memref_squeeze %dma_start3A_933 : memref<1x128x64xf32, #tpu.memory_space<vmem>> -> memref<128x64xf32, #tpu.memory_space<vmem>>
        %dma_start3A_935 = arith.constant 0 : i32
        %dma_start3A_936 = tpu.memref_slice %arg9[%add3A_929, %dma_start3A_935] : memref<50x128xi32, #tpu.memory_space<vmem>> -> memref<1x128xi32, #tpu.memory_space<vmem>>
        %dma_start3A_937 = tpu.memref_squeeze %dma_start3A_936 : memref<1x128xi32, #tpu.memory_space<vmem>> -> memref<128xi32, #tpu.memory_space<vmem>>
        %dma_start3A_938 = arith.constant 0 : i32
        %dma_start3A_939 = arith.constant 0 : i32
        %dma_start3A_940 = tpu.memref_slice %arg3[%dma_start3A_938, %dma_start3A_939] : memref<1000000x64xf32, #tpu.memory_space<hbm>> -> memref<1000000x64xf32, #tpu.memory_space<hbm>>
        tpu.enqueue_indirect_dma source(%dma_start3A_940 : memref<1000000x64xf32, #tpu.memory_space<hbm>>) target(%dma_start3A_934 : memref<128x64xf32, #tpu.memory_space<vmem>>) offsets(%dma_start3A_937 : memref<128xi32, #tpu.memory_space<vmem>>) semaphore(%arg16 : memref<!tpu.dma_semaphore, #tpu.memory_space<semaphore_mem>>)
      } else {
      }
      %mul3A_738 = arith.constant 10 : i32
      %mul3A_739 = arith.muli %scan3A_565, %mul3A_738 : i32
      %add3A_740 = arith.constant 5 : i32
      %add3A_741 = arith.addi %mul3A_739, %add3A_740 : i32
      %dma_wait3A_742 = arith.constant 5 : i32
      %dma_wait3A_743 = arith.constant 0 : i32
      %dma_wait3A_744 = arith.constant 0 : i32
      %dma_wait3A_745 = tpu.memref_slice %arg11[%dma_wait3A_742, %dma_wait3A_743, %dma_wait3A_744] : memref<10x128x64xf32, #tpu.memory_space<vmem>> -> memref<1x128x64xf32, #tpu.memory_space<vmem>>
      %dma_wait3A_746 = tpu.memref_squeeze %dma_wait3A_745 : memref<1x128x64xf32, #tpu.memory_space<vmem>> -> memref<128x64xf32, #tpu.memory_space<vmem>>
      %dma_wait3A_747 = arith.constant 0 : i32
      %dma_wait3A_748 = arith.constant 0 : i32
      %dma_wait3A_749 = tpu.memref_slice %arg3[%dma_wait3A_747, %dma_wait3A_748] : memref<1000000x64xf32, #tpu.memory_space<hbm>> -> memref<128x64xf32, #tpu.memory_space<hbm>>
      %dma_wait3A_750 = arith.constant 0 : i32
      %dma_wait3A_751 = arith.constant 0 : i32
      %dma_wait3A_752 = tpu.memref_slice %arg11[%dma_wait3A_742, %dma_wait3A_750, %dma_wait3A_751] : memref<10x128x64xf32, #tpu.memory_space<vmem>> -> memref<1x128x64xf32, #tpu.memory_space<vmem>>
      %dma_wait3A_753 = tpu.memref_squeeze %dma_wait3A_752 : memref<1x128x64xf32, #tpu.memory_space<vmem>> -> memref<128x64xf32, #tpu.memory_space<vmem>>
      %dma_wait3A_754 = arith.constant 0 : i32
      %dma_wait3A_755 = arith.constant 0 : i32
      %dma_wait3A_756 = tpu.memref_slice %arg3[%dma_wait3A_754, %dma_wait3A_755] : memref<1000000x64xf32, #tpu.memory_space<hbm>> -> memref<128x64xf32, #tpu.memory_space<hbm>>
      tpu.wait_dma2 semaphore(%arg17 : memref<!tpu.dma_semaphore, #tpu.memory_space<semaphore_mem>>) src(%dma_wait3A_756 : memref<128x64xf32, #tpu.memory_space<hbm>>) dst(%dma_wait3A_753 : memref<128x64xf32, #tpu.memory_space<vmem>>)
      %dma_start3A_757 = arith.constant 5 : i32
      %dma_start3A_758 = arith.constant 0 : i32
      %dma_start3A_759 = arith.constant 0 : i32
      %dma_start3A_760 = tpu.memref_slice %arg11[%dma_start3A_757, %dma_start3A_758, %dma_start3A_759] : memref<10x128x64xf32, #tpu.memory_space<vmem>> -> memref<1x128x64xf32, #tpu.memory_space<vmem>>
      %dma_start3A_761 = tpu.memref_squeeze %dma_start3A_760 : memref<1x128x64xf32, #tpu.memory_space<vmem>> -> memref<128x64xf32, #tpu.memory_space<vmem>>
      %dma_start3A_762 = arith.constant 0 : i32
      %dma_start3A_763 = tpu.memref_slice %arg10[%add3A_741, %dma_start3A_762] : memref<50x128xi32, #tpu.memory_space<vmem>> -> memref<1x128xi32, #tpu.memory_space<vmem>>
      %dma_start3A_764 = tpu.memref_squeeze %dma_start3A_763 : memref<1x128xi32, #tpu.memory_space<vmem>> -> memref<128xi32, #tpu.memory_space<vmem>>
      %dma_start3A_765 = arith.constant 0 : i32
      %dma_start3A_766 = arith.constant 0 : i32
      %dma_start3A_767 = tpu.memref_slice %arg7[%dma_start3A_765, %dma_start3A_766] : memref<204800x64xf32, #tpu.memory_space<hbm>> -> memref<204800x64xf32, #tpu.memory_space<hbm>>
      tpu.enqueue_indirect_dma source(%dma_start3A_761 : memref<128x64xf32, #tpu.memory_space<vmem>>) target(%dma_start3A_767 : memref<204800x64xf32, #tpu.memory_space<hbm>>) offsets(%dma_start3A_764 : memref<128xi32, #tpu.memory_space<vmem>>) semaphore(%arg27 : memref<!tpu.dma_semaphore, #tpu.memory_space<semaphore_mem>>)
      %lt3A_768 = arith.constant 4 : i32
      %lt3A_769 = arith.cmpi slt, %scan3A_565, %lt3A_768 : i32
      %convert_element_type3A_770 = arith.extui %lt3A_769 : i1 to i32
      %cond3A_771 = arith.constant 0 : i32
      %cond3A_772 = arith.cmpi ne, %convert_element_type3A_770, %cond3A_771 : i32
      scf.if %cond3A_772 {
        %dma_wait3A_913 = arith.constant 5 : i32
        %dma_wait3A_914 = arith.constant 0 : i32
        %dma_wait3A_915 = arith.constant 0 : i32
        %dma_wait3A_916 = tpu.memref_slice %arg11[%dma_wait3A_913, %dma_wait3A_914, %dma_wait3A_915] : memref<10x128x64xf32, #tpu.memory_space<vmem>> -> memref<1x128x64xf32, #tpu.memory_space<vmem>>
        %dma_wait3A_917 = tpu.memref_squeeze %dma_wait3A_916 : memref<1x128x64xf32, #tpu.memory_space<vmem>> -> memref<128x64xf32, #tpu.memory_space<vmem>>
        %dma_wait3A_918 = arith.constant 0 : i32
        %dma_wait3A_919 = arith.constant 0 : i32
        %dma_wait3A_920 = tpu.memref_slice %arg7[%dma_wait3A_918, %dma_wait3A_919] : memref<204800x64xf32, #tpu.memory_space<hbm>> -> memref<128x64xf32, #tpu.memory_space<hbm>>
        %dma_wait3A_921 = arith.constant 0 : i32
        %dma_wait3A_922 = arith.constant 0 : i32
        %dma_wait3A_923 = tpu.memref_slice %arg7[%dma_wait3A_921, %dma_wait3A_922] : memref<204800x64xf32, #tpu.memory_space<hbm>> -> memref<128x64xf32, #tpu.memory_space<hbm>>
        %dma_wait3A_924 = arith.constant 0 : i32
        %dma_wait3A_925 = arith.constant 0 : i32
        %dma_wait3A_926 = tpu.memref_slice %arg11[%dma_wait3A_913, %dma_wait3A_924, %dma_wait3A_925] : memref<10x128x64xf32, #tpu.memory_space<vmem>> -> memref<1x128x64xf32, #tpu.memory_space<vmem>>
        %dma_wait3A_927 = tpu.memref_squeeze %dma_wait3A_926 : memref<1x128x64xf32, #tpu.memory_space<vmem>> -> memref<128x64xf32, #tpu.memory_space<vmem>>
        tpu.wait_dma2 semaphore(%arg27 : memref<!tpu.dma_semaphore, #tpu.memory_space<semaphore_mem>>) src(%dma_wait3A_927 : memref<128x64xf32, #tpu.memory_space<vmem>>) dst(%dma_wait3A_923 : memref<128x64xf32, #tpu.memory_space<hbm>>)
        %add3A_928 = arith.constant 10 : i32
        %add3A_929 = arith.addi %add3A_741, %add3A_928 : i32
        %dma_start3A_930 = arith.constant 5 : i32
        %dma_start3A_931 = arith.constant 0 : i32
        %dma_start3A_932 = arith.constant 0 : i32
        %dma_start3A_933 = tpu.memref_slice %arg11[%dma_start3A_930, %dma_start3A_931, %dma_start3A_932] : memref<10x128x64xf32, #tpu.memory_space<vmem>> -> memref<1x128x64xf32, #tpu.memory_space<vmem>>
        %dma_start3A_934 = tpu.memref_squeeze %dma_start3A_933 : memref<1x128x64xf32, #tpu.memory_space<vmem>> -> memref<128x64xf32, #tpu.memory_space<vmem>>
        %dma_start3A_935 = arith.constant 0 : i32
        %dma_start3A_936 = tpu.memref_slice %arg9[%add3A_929, %dma_start3A_935] : memref<50x128xi32, #tpu.memory_space<vmem>> -> memref<1x128xi32, #tpu.memory_space<vmem>>
        %dma_start3A_937 = tpu.memref_squeeze %dma_start3A_936 : memref<1x128xi32, #tpu.memory_space<vmem>> -> memref<128xi32, #tpu.memory_space<vmem>>
        %dma_start3A_938 = arith.constant 0 : i32
        %dma_start3A_939 = arith.constant 0 : i32
        %dma_start3A_940 = tpu.memref_slice %arg3[%dma_start3A_938, %dma_start3A_939] : memref<1000000x64xf32, #tpu.memory_space<hbm>> -> memref<1000000x64xf32, #tpu.memory_space<hbm>>
        tpu.enqueue_indirect_dma source(%dma_start3A_940 : memref<1000000x64xf32, #tpu.memory_space<hbm>>) target(%dma_start3A_934 : memref<128x64xf32, #tpu.memory_space<vmem>>) offsets(%dma_start3A_937 : memref<128xi32, #tpu.memory_space<vmem>>) semaphore(%arg17 : memref<!tpu.dma_semaphore, #tpu.memory_space<semaphore_mem>>)
      } else {
      }
      %mul3A_773 = arith.constant 10 : i32
      %mul3A_774 = arith.muli %scan3A_565, %mul3A_773 : i32
      %add3A_775 = arith.constant 6 : i32
      %add3A_776 = arith.addi %mul3A_774, %add3A_775 : i32
      %dma_wait3A_777 = arith.constant 6 : i32
      %dma_wait3A_778 = arith.constant 0 : i32
      %dma_wait3A_779 = arith.constant 0 : i32
      %dma_wait3A_780 = tpu.memref_slice %arg11[%dma_wait3A_777, %dma_wait3A_778, %dma_wait3A_779] : memref<10x128x64xf32, #tpu.memory_space<vmem>> -> memref<1x128x64xf32, #tpu.memory_space<vmem>>
      %dma_wait3A_781 = tpu.memref_squeeze %dma_wait3A_780 : memref<1x128x64xf32, #tpu.memory_space<vmem>> -> memref<128x64xf32, #tpu.memory_space<vmem>>
      %dma_wait3A_782 = arith.constant 0 : i32
      %dma_wait3A_783 = arith.constant 0 : i32
      %dma_wait3A_784 = tpu.memref_slice %arg3[%dma_wait3A_782, %dma_wait3A_783] : memref<1000000x64xf32, #tpu.memory_space<hbm>> -> memref<128x64xf32, #tpu.memory_space<hbm>>
      %dma_wait3A_785 = arith.constant 0 : i32
      %dma_wait3A_786 = arith.constant 0 : i32
      %dma_wait3A_787 = tpu.memref_slice %arg11[%dma_wait3A_777, %dma_wait3A_785, %dma_wait3A_786] : memref<10x128x64xf32, #tpu.memory_space<vmem>> -> memref<1x128x64xf32, #tpu.memory_space<vmem>>
      %dma_wait3A_788 = tpu.memref_squeeze %dma_wait3A_787 : memref<1x128x64xf32, #tpu.memory_space<vmem>> -> memref<128x64xf32, #tpu.memory_space<vmem>>
      %dma_wait3A_789 = arith.constant 0 : i32
      %dma_wait3A_790 = arith.constant 0 : i32
      %dma_wait3A_791 = tpu.memref_slice %arg3[%dma_wait3A_789, %dma_wait3A_790] : memref<1000000x64xf32, #tpu.memory_space<hbm>> -> memref<128x64xf32, #tpu.memory_space<hbm>>
      tpu.wait_dma2 semaphore(%arg18 : memref<!tpu.dma_semaphore, #tpu.memory_space<semaphore_mem>>) src(%dma_wait3A_791 : memref<128x64xf32, #tpu.memory_space<hbm>>) dst(%dma_wait3A_788 : memref<128x64xf32, #tpu.memory_space<vmem>>)
      %dma_start3A_792 = arith.constant 6 : i32
      %dma_start3A_793 = arith.constant 0 : i32
      %dma_start3A_794 = arith.constant 0 : i32
      %dma_start3A_795 = tpu.memref_slice %arg11[%dma_start3A_792, %dma_start3A_793, %dma_start3A_794] : memref<10x128x64xf32, #tpu.memory_space<vmem>> -> memref<1x128x64xf32, #tpu.memory_space<vmem>>
      %dma_start3A_796 = tpu.memref_squeeze %dma_start3A_795 : memref<1x128x64xf32, #tpu.memory_space<vmem>> -> memref<128x64xf32, #tpu.memory_space<vmem>>
      %dma_start3A_797 = arith.constant 0 : i32
      %dma_start3A_798 = tpu.memref_slice %arg10[%add3A_776, %dma_start3A_797] : memref<50x128xi32, #tpu.memory_space<vmem>> -> memref<1x128xi32, #tpu.memory_space<vmem>>
      %dma_start3A_799 = tpu.memref_squeeze %dma_start3A_798 : memref<1x128xi32, #tpu.memory_space<vmem>> -> memref<128xi32, #tpu.memory_space<vmem>>
      %dma_start3A_800 = arith.constant 0 : i32
      %dma_start3A_801 = arith.constant 0 : i32
      %dma_start3A_802 = tpu.memref_slice %arg7[%dma_start3A_800, %dma_start3A_801] : memref<204800x64xf32, #tpu.memory_space<hbm>> -> memref<204800x64xf32, #tpu.memory_space<hbm>>
      tpu.enqueue_indirect_dma source(%dma_start3A_796 : memref<128x64xf32, #tpu.memory_space<vmem>>) target(%dma_start3A_802 : memref<204800x64xf32, #tpu.memory_space<hbm>>) offsets(%dma_start3A_799 : memref<128xi32, #tpu.memory_space<vmem>>) semaphore(%arg28 : memref<!tpu.dma_semaphore, #tpu.memory_space<semaphore_mem>>)
      %lt3A_803 = arith.constant 4 : i32
      %lt3A_804 = arith.cmpi slt, %scan3A_565, %lt3A_803 : i32
      %convert_element_type3A_805 = arith.extui %lt3A_804 : i1 to i32
      %cond3A_806 = arith.constant 0 : i32
      %cond3A_807 = arith.cmpi ne, %convert_element_type3A_805, %cond3A_806 : i32
      scf.if %cond3A_807 {
        %dma_wait3A_913 = arith.constant 6 : i32
        %dma_wait3A_914 = arith.constant 0 : i32
        %dma_wait3A_915 = arith.constant 0 : i32
        %dma_wait3A_916 = tpu.memref_slice %arg11[%dma_wait3A_913, %dma_wait3A_914, %dma_wait3A_915] : memref<10x128x64xf32, #tpu.memory_space<vmem>> -> memref<1x128x64xf32, #tpu.memory_space<vmem>>
        %dma_wait3A_917 = tpu.memref_squeeze %dma_wait3A_916 : memref<1x128x64xf32, #tpu.memory_space<vmem>> -> memref<128x64xf32, #tpu.memory_space<vmem>>
        %dma_wait3A_918 = arith.constant 0 : i32
        %dma_wait3A_919 = arith.constant 0 : i32
        %dma_wait3A_920 = tpu.memref_slice %arg7[%dma_wait3A_918, %dma_wait3A_919] : memref<204800x64xf32, #tpu.memory_space<hbm>> -> memref<128x64xf32, #tpu.memory_space<hbm>>
        %dma_wait3A_921 = arith.constant 0 : i32
        %dma_wait3A_922 = arith.constant 0 : i32
        %dma_wait3A_923 = tpu.memref_slice %arg7[%dma_wait3A_921, %dma_wait3A_922] : memref<204800x64xf32, #tpu.memory_space<hbm>> -> memref<128x64xf32, #tpu.memory_space<hbm>>
        %dma_wait3A_924 = arith.constant 0 : i32
        %dma_wait3A_925 = arith.constant 0 : i32
        %dma_wait3A_926 = tpu.memref_slice %arg11[%dma_wait3A_913, %dma_wait3A_924, %dma_wait3A_925] : memref<10x128x64xf32, #tpu.memory_space<vmem>> -> memref<1x128x64xf32, #tpu.memory_space<vmem>>
        %dma_wait3A_927 = tpu.memref_squeeze %dma_wait3A_926 : memref<1x128x64xf32, #tpu.memory_space<vmem>> -> memref<128x64xf32, #tpu.memory_space<vmem>>
        tpu.wait_dma2 semaphore(%arg28 : memref<!tpu.dma_semaphore, #tpu.memory_space<semaphore_mem>>) src(%dma_wait3A_927 : memref<128x64xf32, #tpu.memory_space<vmem>>) dst(%dma_wait3A_923 : memref<128x64xf32, #tpu.memory_space<hbm>>)
        %add3A_928 = arith.constant 10 : i32
        %add3A_929 = arith.addi %add3A_776, %add3A_928 : i32
        %dma_start3A_930 = arith.constant 6 : i32
        %dma_start3A_931 = arith.constant 0 : i32
        %dma_start3A_932 = arith.constant 0 : i32
        %dma_start3A_933 = tpu.memref_slice %arg11[%dma_start3A_930, %dma_start3A_931, %dma_start3A_932] : memref<10x128x64xf32, #tpu.memory_space<vmem>> -> memref<1x128x64xf32, #tpu.memory_space<vmem>>
        %dma_start3A_934 = tpu.memref_squeeze %dma_start3A_933 : memref<1x128x64xf32, #tpu.memory_space<vmem>> -> memref<128x64xf32, #tpu.memory_space<vmem>>
        %dma_start3A_935 = arith.constant 0 : i32
        %dma_start3A_936 = tpu.memref_slice %arg9[%add3A_929, %dma_start3A_935] : memref<50x128xi32, #tpu.memory_space<vmem>> -> memref<1x128xi32, #tpu.memory_space<vmem>>
        %dma_start3A_937 = tpu.memref_squeeze %dma_start3A_936 : memref<1x128xi32, #tpu.memory_space<vmem>> -> memref<128xi32, #tpu.memory_space<vmem>>
        %dma_start3A_938 = arith.constant 0 : i32
        %dma_start3A_939 = arith.constant 0 : i32
        %dma_start3A_940 = tpu.memref_slice %arg3[%dma_start3A_938, %dma_start3A_939] : memref<1000000x64xf32, #tpu.memory_space<hbm>> -> memref<1000000x64xf32, #tpu.memory_space<hbm>>
        tpu.enqueue_indirect_dma source(%dma_start3A_940 : memref<1000000x64xf32, #tpu.memory_space<hbm>>) target(%dma_start3A_934 : memref<128x64xf32, #tpu.memory_space<vmem>>) offsets(%dma_start3A_937 : memref<128xi32, #tpu.memory_space<vmem>>) semaphore(%arg18 : memref<!tpu.dma_semaphore, #tpu.memory_space<semaphore_mem>>)
      } else {
      }
      %mul3A_808 = arith.constant 10 : i32
      %mul3A_809 = arith.muli %scan3A_565, %mul3A_808 : i32
      %add3A_810 = arith.constant 7 : i32
      %add3A_811 = arith.addi %mul3A_809, %add3A_810 : i32
      %dma_wait3A_812 = arith.constant 7 : i32
      %dma_wait3A_813 = arith.constant 0 : i32
      %dma_wait3A_814 = arith.constant 0 : i32
      %dma_wait3A_815 = tpu.memref_slice %arg11[%dma_wait3A_812, %dma_wait3A_813, %dma_wait3A_814] : memref<10x128x64xf32, #tpu.memory_space<vmem>> -> memref<1x128x64xf32, #tpu.memory_space<vmem>>
      %dma_wait3A_816 = tpu.memref_squeeze %dma_wait3A_815 : memref<1x128x64xf32, #tpu.memory_space<vmem>> -> memref<128x64xf32, #tpu.memory_space<vmem>>
      %dma_wait3A_817 = arith.constant 0 : i32
      %dma_wait3A_818 = arith.constant 0 : i32
      %dma_wait3A_819 = tpu.memref_slice %arg3[%dma_wait3A_817, %dma_wait3A_818] : memref<1000000x64xf32, #tpu.memory_space<hbm>> -> memref<128x64xf32, #tpu.memory_space<hbm>>
      %dma_wait3A_820 = arith.constant 0 : i32
      %dma_wait3A_821 = arith.constant 0 : i32
      %dma_wait3A_822 = tpu.memref_slice %arg11[%dma_wait3A_812, %dma_wait3A_820, %dma_wait3A_821] : memref<10x128x64xf32, #tpu.memory_space<vmem>> -> memref<1x128x64xf32, #tpu.memory_space<vmem>>
      %dma_wait3A_823 = tpu.memref_squeeze %dma_wait3A_822 : memref<1x128x64xf32, #tpu.memory_space<vmem>> -> memref<128x64xf32, #tpu.memory_space<vmem>>
      %dma_wait3A_824 = arith.constant 0 : i32
      %dma_wait3A_825 = arith.constant 0 : i32
      %dma_wait3A_826 = tpu.memref_slice %arg3[%dma_wait3A_824, %dma_wait3A_825] : memref<1000000x64xf32, #tpu.memory_space<hbm>> -> memref<128x64xf32, #tpu.memory_space<hbm>>
      tpu.wait_dma2 semaphore(%arg19 : memref<!tpu.dma_semaphore, #tpu.memory_space<semaphore_mem>>) src(%dma_wait3A_826 : memref<128x64xf32, #tpu.memory_space<hbm>>) dst(%dma_wait3A_823 : memref<128x64xf32, #tpu.memory_space<vmem>>)
      %dma_start3A_827 = arith.constant 7 : i32
      %dma_start3A_828 = arith.constant 0 : i32
      %dma_start3A_829 = arith.constant 0 : i32
      %dma_start3A_830 = tpu.memref_slice %arg11[%dma_start3A_827, %dma_start3A_828, %dma_start3A_829] : memref<10x128x64xf32, #tpu.memory_space<vmem>> -> memref<1x128x64xf32, #tpu.memory_space<vmem>>
      %dma_start3A_831 = tpu.memref_squeeze %dma_start3A_830 : memref<1x128x64xf32, #tpu.memory_space<vmem>> -> memref<128x64xf32, #tpu.memory_space<vmem>>
      %dma_start3A_832 = arith.constant 0 : i32
      %dma_start3A_833 = tpu.memref_slice %arg10[%add3A_811, %dma_start3A_832] : memref<50x128xi32, #tpu.memory_space<vmem>> -> memref<1x128xi32, #tpu.memory_space<vmem>>
      %dma_start3A_834 = tpu.memref_squeeze %dma_start3A_833 : memref<1x128xi32, #tpu.memory_space<vmem>> -> memref<128xi32, #tpu.memory_space<vmem>>
      %dma_start3A_835 = arith.constant 0 : i32
      %dma_start3A_836 = arith.constant 0 : i32
      %dma_start3A_837 = tpu.memref_slice %arg7[%dma_start3A_835, %dma_start3A_836] : memref<204800x64xf32, #tpu.memory_space<hbm>> -> memref<204800x64xf32, #tpu.memory_space<hbm>>
      tpu.enqueue_indirect_dma source(%dma_start3A_831 : memref<128x64xf32, #tpu.memory_space<vmem>>) target(%dma_start3A_837 : memref<204800x64xf32, #tpu.memory_space<hbm>>) offsets(%dma_start3A_834 : memref<128xi32, #tpu.memory_space<vmem>>) semaphore(%arg29 : memref<!tpu.dma_semaphore, #tpu.memory_space<semaphore_mem>>)
      %lt3A_838 = arith.constant 4 : i32
      %lt3A_839 = arith.cmpi slt, %scan3A_565, %lt3A_838 : i32
      %convert_element_type3A_840 = arith.extui %lt3A_839 : i1 to i32
      %cond3A_841 = arith.constant 0 : i32
      %cond3A_842 = arith.cmpi ne, %convert_element_type3A_840, %cond3A_841 : i32
      scf.if %cond3A_842 {
        %dma_wait3A_913 = arith.constant 7 : i32
        %dma_wait3A_914 = arith.constant 0 : i32
        %dma_wait3A_915 = arith.constant 0 : i32
        %dma_wait3A_916 = tpu.memref_slice %arg11[%dma_wait3A_913, %dma_wait3A_914, %dma_wait3A_915] : memref<10x128x64xf32, #tpu.memory_space<vmem>> -> memref<1x128x64xf32, #tpu.memory_space<vmem>>
        %dma_wait3A_917 = tpu.memref_squeeze %dma_wait3A_916 : memref<1x128x64xf32, #tpu.memory_space<vmem>> -> memref<128x64xf32, #tpu.memory_space<vmem>>
        %dma_wait3A_918 = arith.constant 0 : i32
        %dma_wait3A_919 = arith.constant 0 : i32
        %dma_wait3A_920 = tpu.memref_slice %arg7[%dma_wait3A_918, %dma_wait3A_919] : memref<204800x64xf32, #tpu.memory_space<hbm>> -> memref<128x64xf32, #tpu.memory_space<hbm>>
        %dma_wait3A_921 = arith.constant 0 : i32
        %dma_wait3A_922 = arith.constant 0 : i32
        %dma_wait3A_923 = tpu.memref_slice %arg7[%dma_wait3A_921, %dma_wait3A_922] : memref<204800x64xf32, #tpu.memory_space<hbm>> -> memref<128x64xf32, #tpu.memory_space<hbm>>
        %dma_wait3A_924 = arith.constant 0 : i32
        %dma_wait3A_925 = arith.constant 0 : i32
        %dma_wait3A_926 = tpu.memref_slice %arg11[%dma_wait3A_913, %dma_wait3A_924, %dma_wait3A_925] : memref<10x128x64xf32, #tpu.memory_space<vmem>> -> memref<1x128x64xf32, #tpu.memory_space<vmem>>
        %dma_wait3A_927 = tpu.memref_squeeze %dma_wait3A_926 : memref<1x128x64xf32, #tpu.memory_space<vmem>> -> memref<128x64xf32, #tpu.memory_space<vmem>>
        tpu.wait_dma2 semaphore(%arg29 : memref<!tpu.dma_semaphore, #tpu.memory_space<semaphore_mem>>) src(%dma_wait3A_927 : memref<128x64xf32, #tpu.memory_space<vmem>>) dst(%dma_wait3A_923 : memref<128x64xf32, #tpu.memory_space<hbm>>)
        %add3A_928 = arith.constant 10 : i32
        %add3A_929 = arith.addi %add3A_811, %add3A_928 : i32
        %dma_start3A_930 = arith.constant 7 : i32
        %dma_start3A_931 = arith.constant 0 : i32
        %dma_start3A_932 = arith.constant 0 : i32
        %dma_start3A_933 = tpu.memref_slice %arg11[%dma_start3A_930, %dma_start3A_931, %dma_start3A_932] : memref<10x128x64xf32, #tpu.memory_space<vmem>> -> memref<1x128x64xf32, #tpu.memory_space<vmem>>
        %dma_start3A_934 = tpu.memref_squeeze %dma_start3A_933 : memref<1x128x64xf32, #tpu.memory_space<vmem>> -> memref<128x64xf32, #tpu.memory_space<vmem>>
        %dma_start3A_935 = arith.constant 0 : i32
        %dma_start3A_936 = tpu.memref_slice %arg9[%add3A_929, %dma_start3A_935] : memref<50x128xi32, #tpu.memory_space<vmem>> -> memref<1x128xi32, #tpu.memory_space<vmem>>
        %dma_start3A_937 = tpu.memref_squeeze %dma_start3A_936 : memref<1x128xi32, #tpu.memory_space<vmem>> -> memref<128xi32, #tpu.memory_space<vmem>>
        %dma_start3A_938 = arith.constant 0 : i32
        %dma_start3A_939 = arith.constant 0 : i32
        %dma_start3A_940 = tpu.memref_slice %arg3[%dma_start3A_938, %dma_start3A_939] : memref<1000000x64xf32, #tpu.memory_space<hbm>> -> memref<1000000x64xf32, #tpu.memory_space<hbm>>
        tpu.enqueue_indirect_dma source(%dma_start3A_940 : memref<1000000x64xf32, #tpu.memory_space<hbm>>) target(%dma_start3A_934 : memref<128x64xf32, #tpu.memory_space<vmem>>) offsets(%dma_start3A_937 : memref<128xi32, #tpu.memory_space<vmem>>) semaphore(%arg19 : memref<!tpu.dma_semaphore, #tpu.memory_space<semaphore_mem>>)
      } else {
      }
      %mul3A_843 = arith.constant 10 : i32
      %mul3A_844 = arith.muli %scan3A_565, %mul3A_843 : i32
      %add3A_845 = arith.constant 8 : i32
      %add3A_846 = arith.addi %mul3A_844, %add3A_845 : i32
      %dma_wait3A_847 = arith.constant 8 : i32
      %dma_wait3A_848 = arith.constant 0 : i32
      %dma_wait3A_849 = arith.constant 0 : i32
      %dma_wait3A_850 = tpu.memref_slice %arg11[%dma_wait3A_847, %dma_wait3A_848, %dma_wait3A_849] : memref<10x128x64xf32, #tpu.memory_space<vmem>> -> memref<1x128x64xf32, #tpu.memory_space<vmem>>
      %dma_wait3A_851 = tpu.memref_squeeze %dma_wait3A_850 : memref<1x128x64xf32, #tpu.memory_space<vmem>> -> memref<128x64xf32, #tpu.memory_space<vmem>>
      %dma_wait3A_852 = arith.constant 0 : i32
      %dma_wait3A_853 = arith.constant 0 : i32
      %dma_wait3A_854 = tpu.memref_slice %arg3[%dma_wait3A_852, %dma_wait3A_853] : memref<1000000x64xf32, #tpu.memory_space<hbm>> -> memref<128x64xf32, #tpu.memory_space<hbm>>
      %dma_wait3A_855 = arith.constant 0 : i32
      %dma_wait3A_856 = arith.constant 0 : i32
      %dma_wait3A_857 = tpu.memref_slice %arg11[%dma_wait3A_847, %dma_wait3A_855, %dma_wait3A_856] : memref<10x128x64xf32, #tpu.memory_space<vmem>> -> memref<1x128x64xf32, #tpu.memory_space<vmem>>
      %dma_wait3A_858 = tpu.memref_squeeze %dma_wait3A_857 : memref<1x128x64xf32, #tpu.memory_space<vmem>> -> memref<128x64xf32, #tpu.memory_space<vmem>>
      %dma_wait3A_859 = arith.constant 0 : i32
      %dma_wait3A_860 = arith.constant 0 : i32
      %dma_wait3A_861 = tpu.memref_slice %arg3[%dma_wait3A_859, %dma_wait3A_860] : memref<1000000x64xf32, #tpu.memory_space<hbm>> -> memref<128x64xf32, #tpu.memory_space<hbm>>
      tpu.wait_dma2 semaphore(%arg20 : memref<!tpu.dma_semaphore, #tpu.memory_space<semaphore_mem>>) src(%dma_wait3A_861 : memref<128x64xf32, #tpu.memory_space<hbm>>) dst(%dma_wait3A_858 : memref<128x64xf32, #tpu.memory_space<vmem>>)
      %dma_start3A_862 = arith.constant 8 : i32
      %dma_start3A_863 = arith.constant 0 : i32
      %dma_start3A_864 = arith.constant 0 : i32
      %dma_start3A_865 = tpu.memref_slice %arg11[%dma_start3A_862, %dma_start3A_863, %dma_start3A_864] : memref<10x128x64xf32, #tpu.memory_space<vmem>> -> memref<1x128x64xf32, #tpu.memory_space<vmem>>
      %dma_start3A_866 = tpu.memref_squeeze %dma_start3A_865 : memref<1x128x64xf32, #tpu.memory_space<vmem>> -> memref<128x64xf32, #tpu.memory_space<vmem>>
      %dma_start3A_867 = arith.constant 0 : i32
      %dma_start3A_868 = tpu.memref_slice %arg10[%add3A_846, %dma_start3A_867] : memref<50x128xi32, #tpu.memory_space<vmem>> -> memref<1x128xi32, #tpu.memory_space<vmem>>
      %dma_start3A_869 = tpu.memref_squeeze %dma_start3A_868 : memref<1x128xi32, #tpu.memory_space<vmem>> -> memref<128xi32, #tpu.memory_space<vmem>>
      %dma_start3A_870 = arith.constant 0 : i32
      %dma_start3A_871 = arith.constant 0 : i32
      %dma_start3A_872 = tpu.memref_slice %arg7[%dma_start3A_870, %dma_start3A_871] : memref<204800x64xf32, #tpu.memory_space<hbm>> -> memref<204800x64xf32, #tpu.memory_space<hbm>>
      tpu.enqueue_indirect_dma source(%dma_start3A_866 : memref<128x64xf32, #tpu.memory_space<vmem>>) target(%dma_start3A_872 : memref<204800x64xf32, #tpu.memory_space<hbm>>) offsets(%dma_start3A_869 : memref<128xi32, #tpu.memory_space<vmem>>) semaphore(%arg30 : memref<!tpu.dma_semaphore, #tpu.memory_space<semaphore_mem>>)
      %lt3A_873 = arith.constant 4 : i32
      %lt3A_874 = arith.cmpi slt, %scan3A_565, %lt3A_873 : i32
      %convert_element_type3A_875 = arith.extui %lt3A_874 : i1 to i32
      %cond3A_876 = arith.constant 0 : i32
      %cond3A_877 = arith.cmpi ne, %convert_element_type3A_875, %cond3A_876 : i32
      scf.if %cond3A_877 {
        %dma_wait3A_913 = arith.constant 8 : i32
        %dma_wait3A_914 = arith.constant 0 : i32
        %dma_wait3A_915 = arith.constant 0 : i32
        %dma_wait3A_916 = tpu.memref_slice %arg11[%dma_wait3A_913, %dma_wait3A_914, %dma_wait3A_915] : memref<10x128x64xf32, #tpu.memory_space<vmem>> -> memref<1x128x64xf32, #tpu.memory_space<vmem>>
        %dma_wait3A_917 = tpu.memref_squeeze %dma_wait3A_916 : memref<1x128x64xf32, #tpu.memory_space<vmem>> -> memref<128x64xf32, #tpu.memory_space<vmem>>
        %dma_wait3A_918 = arith.constant 0 : i32
        %dma_wait3A_919 = arith.constant 0 : i32
        %dma_wait3A_920 = tpu.memref_slice %arg7[%dma_wait3A_918, %dma_wait3A_919] : memref<204800x64xf32, #tpu.memory_space<hbm>> -> memref<128x64xf32, #tpu.memory_space<hbm>>
        %dma_wait3A_921 = arith.constant 0 : i32
        %dma_wait3A_922 = arith.constant 0 : i32
        %dma_wait3A_923 = tpu.memref_slice %arg7[%dma_wait3A_921, %dma_wait3A_922] : memref<204800x64xf32, #tpu.memory_space<hbm>> -> memref<128x64xf32, #tpu.memory_space<hbm>>
        %dma_wait3A_924 = arith.constant 0 : i32
        %dma_wait3A_925 = arith.constant 0 : i32
        %dma_wait3A_926 = tpu.memref_slice %arg11[%dma_wait3A_913, %dma_wait3A_924, %dma_wait3A_925] : memref<10x128x64xf32, #tpu.memory_space<vmem>> -> memref<1x128x64xf32, #tpu.memory_space<vmem>>
        %dma_wait3A_927 = tpu.memref_squeeze %dma_wait3A_926 : memref<1x128x64xf32, #tpu.memory_space<vmem>> -> memref<128x64xf32, #tpu.memory_space<vmem>>
        tpu.wait_dma2 semaphore(%arg30 : memref<!tpu.dma_semaphore, #tpu.memory_space<semaphore_mem>>) src(%dma_wait3A_927 : memref<128x64xf32, #tpu.memory_space<vmem>>) dst(%dma_wait3A_923 : memref<128x64xf32, #tpu.memory_space<hbm>>)
        %add3A_928 = arith.constant 10 : i32
        %add3A_929 = arith.addi %add3A_846, %add3A_928 : i32
        %dma_start3A_930 = arith.constant 8 : i32
        %dma_start3A_931 = arith.constant 0 : i32
        %dma_start3A_932 = arith.constant 0 : i32
        %dma_start3A_933 = tpu.memref_slice %arg11[%dma_start3A_930, %dma_start3A_931, %dma_start3A_932] : memref<10x128x64xf32, #tpu.memory_space<vmem>> -> memref<1x128x64xf32, #tpu.memory_space<vmem>>
        %dma_start3A_934 = tpu.memref_squeeze %dma_start3A_933 : memref<1x128x64xf32, #tpu.memory_space<vmem>> -> memref<128x64xf32, #tpu.memory_space<vmem>>
        %dma_start3A_935 = arith.constant 0 : i32
        %dma_start3A_936 = tpu.memref_slice %arg9[%add3A_929, %dma_start3A_935] : memref<50x128xi32, #tpu.memory_space<vmem>> -> memref<1x128xi32, #tpu.memory_space<vmem>>
        %dma_start3A_937 = tpu.memref_squeeze %dma_start3A_936 : memref<1x128xi32, #tpu.memory_space<vmem>> -> memref<128xi32, #tpu.memory_space<vmem>>
        %dma_start3A_938 = arith.constant 0 : i32
        %dma_start3A_939 = arith.constant 0 : i32
        %dma_start3A_940 = tpu.memref_slice %arg3[%dma_start3A_938, %dma_start3A_939] : memref<1000000x64xf32, #tpu.memory_space<hbm>> -> memref<1000000x64xf32, #tpu.memory_space<hbm>>
        tpu.enqueue_indirect_dma source(%dma_start3A_940 : memref<1000000x64xf32, #tpu.memory_space<hbm>>) target(%dma_start3A_934 : memref<128x64xf32, #tpu.memory_space<vmem>>) offsets(%dma_start3A_937 : memref<128xi32, #tpu.memory_space<vmem>>) semaphore(%arg20 : memref<!tpu.dma_semaphore, #tpu.memory_space<semaphore_mem>>)
      } else {
      }
      %mul3A_878 = arith.constant 10 : i32
      %mul3A_879 = arith.muli %scan3A_565, %mul3A_878 : i32
      %add3A_880 = arith.constant 9 : i32
      %add3A_881 = arith.addi %mul3A_879, %add3A_880 : i32
      %dma_wait3A_882 = arith.constant 9 : i32
      %dma_wait3A_883 = arith.constant 0 : i32
      %dma_wait3A_884 = arith.constant 0 : i32
      %dma_wait3A_885 = tpu.memref_slice %arg11[%dma_wait3A_882, %dma_wait3A_883, %dma_wait3A_884] : memref<10x128x64xf32, #tpu.memory_space<vmem>> -> memref<1x128x64xf32, #tpu.memory_space<vmem>>
      %dma_wait3A_886 = tpu.memref_squeeze %dma_wait3A_885 : memref<1x128x64xf32, #tpu.memory_space<vmem>> -> memref<128x64xf32, #tpu.memory_space<vmem>>
      %dma_wait3A_887 = arith.constant 0 : i32
      %dma_wait3A_888 = arith.constant 0 : i32
      %dma_wait3A_889 = tpu.memref_slice %arg3[%dma_wait3A_887, %dma_wait3A_888] : memref<1000000x64xf32, #tpu.memory_space<hbm>> -> memref<128x64xf32, #tpu.memory_space<hbm>>
      %dma_wait3A_890 = arith.constant 0 : i32
      %dma_wait3A_891 = arith.constant 0 : i32
      %dma_wait3A_892 = tpu.memref_slice %arg11[%dma_wait3A_882, %dma_wait3A_890, %dma_wait3A_891] : memref<10x128x64xf32, #tpu.memory_space<vmem>> -> memref<1x128x64xf32, #tpu.memory_space<vmem>>
      %dma_wait3A_893 = tpu.memref_squeeze %dma_wait3A_892 : memref<1x128x64xf32, #tpu.memory_space<vmem>> -> memref<128x64xf32, #tpu.memory_space<vmem>>
      %dma_wait3A_894 = arith.constant 0 : i32
      %dma_wait3A_895 = arith.constant 0 : i32
      %dma_wait3A_896 = tpu.memref_slice %arg3[%dma_wait3A_894, %dma_wait3A_895] : memref<1000000x64xf32, #tpu.memory_space<hbm>> -> memref<128x64xf32, #tpu.memory_space<hbm>>
      tpu.wait_dma2 semaphore(%arg21 : memref<!tpu.dma_semaphore, #tpu.memory_space<semaphore_mem>>) src(%dma_wait3A_896 : memref<128x64xf32, #tpu.memory_space<hbm>>) dst(%dma_wait3A_893 : memref<128x64xf32, #tpu.memory_space<vmem>>)
      %dma_start3A_897 = arith.constant 9 : i32
      %dma_start3A_898 = arith.constant 0 : i32
      %dma_start3A_899 = arith.constant 0 : i32
      %dma_start3A_900 = tpu.memref_slice %arg11[%dma_start3A_897, %dma_start3A_898, %dma_start3A_899] : memref<10x128x64xf32, #tpu.memory_space<vmem>> -> memref<1x128x64xf32, #tpu.memory_space<vmem>>
      %dma_start3A_901 = tpu.memref_squeeze %dma_start3A_900 : memref<1x128x64xf32, #tpu.memory_space<vmem>> -> memref<128x64xf32, #tpu.memory_space<vmem>>
      %dma_start3A_902 = arith.constant 0 : i32
      %dma_start3A_903 = tpu.memref_slice %arg10[%add3A_881, %dma_start3A_902] : memref<50x128xi32, #tpu.memory_space<vmem>> -> memref<1x128xi32, #tpu.memory_space<vmem>>
      %dma_start3A_904 = tpu.memref_squeeze %dma_start3A_903 : memref<1x128xi32, #tpu.memory_space<vmem>> -> memref<128xi32, #tpu.memory_space<vmem>>
      %dma_start3A_905 = arith.constant 0 : i32
      %dma_start3A_906 = arith.constant 0 : i32
      %dma_start3A_907 = tpu.memref_slice %arg7[%dma_start3A_905, %dma_start3A_906] : memref<204800x64xf32, #tpu.memory_space<hbm>> -> memref<204800x64xf32, #tpu.memory_space<hbm>>
      tpu.enqueue_indirect_dma source(%dma_start3A_901 : memref<128x64xf32, #tpu.memory_space<vmem>>) target(%dma_start3A_907 : memref<204800x64xf32, #tpu.memory_space<hbm>>) offsets(%dma_start3A_904 : memref<128xi32, #tpu.memory_space<vmem>>) semaphore(%arg31 : memref<!tpu.dma_semaphore, #tpu.memory_space<semaphore_mem>>)
      %lt3A_908 = arith.constant 4 : i32
      %lt3A_909 = arith.cmpi slt, %scan3A_565, %lt3A_908 : i32
      %convert_element_type3A_910 = arith.extui %lt3A_909 : i1 to i32
      %cond3A_911 = arith.constant 0 : i32
      %cond3A_912 = arith.cmpi ne, %convert_element_type3A_910, %cond3A_911 : i32
      scf.if %cond3A_912 {
        %dma_wait3A_913 = arith.constant 9 : i32
        %dma_wait3A_914 = arith.constant 0 : i32
        %dma_wait3A_915 = arith.constant 0 : i32
        %dma_wait3A_916 = tpu.memref_slice %arg11[%dma_wait3A_913, %dma_wait3A_914, %dma_wait3A_915] : memref<10x128x64xf32, #tpu.memory_space<vmem>> -> memref<1x128x64xf32, #tpu.memory_space<vmem>>
        %dma_wait3A_917 = tpu.memref_squeeze %dma_wait3A_916 : memref<1x128x64xf32, #tpu.memory_space<vmem>> -> memref<128x64xf32, #tpu.memory_space<vmem>>
        %dma_wait3A_918 = arith.constant 0 : i32
        %dma_wait3A_919 = arith.constant 0 : i32
        %dma_wait3A_920 = tpu.memref_slice %arg7[%dma_wait3A_918, %dma_wait3A_919] : memref<204800x64xf32, #tpu.memory_space<hbm>> -> memref<128x64xf32, #tpu.memory_space<hbm>>
        %dma_wait3A_921 = arith.constant 0 : i32
        %dma_wait3A_922 = arith.constant 0 : i32
        %dma_wait3A_923 = tpu.memref_slice %arg7[%dma_wait3A_921, %dma_wait3A_922] : memref<204800x64xf32, #tpu.memory_space<hbm>> -> memref<128x64xf32, #tpu.memory_space<hbm>>
        %dma_wait3A_924 = arith.constant 0 : i32
        %dma_wait3A_925 = arith.constant 0 : i32
        %dma_wait3A_926 = tpu.memref_slice %arg11[%dma_wait3A_913, %dma_wait3A_924, %dma_wait3A_925] : memref<10x128x64xf32, #tpu.memory_space<vmem>> -> memref<1x128x64xf32, #tpu.memory_space<vmem>>
        %dma_wait3A_927 = tpu.memref_squeeze %dma_wait3A_926 : memref<1x128x64xf32, #tpu.memory_space<vmem>> -> memref<128x64xf32, #tpu.memory_space<vmem>>
        tpu.wait_dma2 semaphore(%arg31 : memref<!tpu.dma_semaphore, #tpu.memory_space<semaphore_mem>>) src(%dma_wait3A_927 : memref<128x64xf32, #tpu.memory_space<vmem>>) dst(%dma_wait3A_923 : memref<128x64xf32, #tpu.memory_space<hbm>>)
        %add3A_928 = arith.constant 10 : i32
        %add3A_929 = arith.addi %add3A_881, %add3A_928 : i32
        %dma_start3A_930 = arith.constant 9 : i32
        %dma_start3A_931 = arith.constant 0 : i32
        %dma_start3A_932 = arith.constant 0 : i32
        %dma_start3A_933 = tpu.memref_slice %arg11[%dma_start3A_930, %dma_start3A_931, %dma_start3A_932] : memref<10x128x64xf32, #tpu.memory_space<vmem>> -> memref<1x128x64xf32, #tpu.memory_space<vmem>>
        %dma_start3A_934 = tpu.memref_squeeze %dma_start3A_933 : memref<1x128x64xf32, #tpu.memory_space<vmem>> -> memref<128x64xf32, #tpu.memory_space<vmem>>
        %dma_start3A_935 = arith.constant 0 : i32
        %dma_start3A_936 = tpu.memref_slice %arg9[%add3A_929, %dma_start3A_935] : memref<50x128xi32, #tpu.memory_space<vmem>> -> memref<1x128xi32, #tpu.memory_space<vmem>>
        %dma_start3A_937 = tpu.memref_squeeze %dma_start3A_936 : memref<1x128xi32, #tpu.memory_space<vmem>> -> memref<128xi32, #tpu.memory_space<vmem>>
        %dma_start3A_938 = arith.constant 0 : i32
        %dma_start3A_939 = arith.constant 0 : i32
        %dma_start3A_940 = tpu.memref_slice %arg3[%dma_start3A_938, %dma_start3A_939] : memref<1000000x64xf32, #tpu.memory_space<hbm>> -> memref<1000000x64xf32, #tpu.memory_space<hbm>>
        tpu.enqueue_indirect_dma source(%dma_start3A_940 : memref<1000000x64xf32, #tpu.memory_space<hbm>>) target(%dma_start3A_934 : memref<128x64xf32, #tpu.memory_space<vmem>>) offsets(%dma_start3A_937 : memref<128xi32, #tpu.memory_space<vmem>>) semaphore(%arg21 : memref<!tpu.dma_semaphore, #tpu.memory_space<semaphore_mem>>)
      } else {
      }
    }
    %scan3A_414 = arith.constant 5 : i32
    %dma_wait3A_415 = arith.constant 0 : i32
    %dma_wait3A_416 = arith.constant 0 : i32
    %dma_wait3A_417 = arith.constant 0 : i32
    %dma_wait3A_418 = tpu.memref_slice %arg11[%dma_wait3A_415, %dma_wait3A_416, %dma_wait3A_417] : memref<10x128x64xf32, #tpu.memory_space<vmem>> -> memref<1x128x64xf32, #tpu.memory_space<vmem>>
    %dma_wait3A_419 = tpu.memref_squeeze %dma_wait3A_418 : memref<1x128x64xf32, #tpu.memory_space<vmem>> -> memref<128x64xf32, #tpu.memory_space<vmem>>
    %dma_wait3A_420 = arith.constant 0 : i32
    %dma_wait3A_421 = arith.constant 0 : i32
    %dma_wait3A_422 = tpu.memref_slice %arg7[%dma_wait3A_420, %dma_wait3A_421] : memref<204800x64xf32, #tpu.memory_space<hbm>> -> memref<128x64xf32, #tpu.memory_space<hbm>>
    %dma_wait3A_423 = arith.constant 0 : i32
    %dma_wait3A_424 = arith.constant 0 : i32
    %dma_wait3A_425 = tpu.memref_slice %arg7[%dma_wait3A_423, %dma_wait3A_424] : memref<204800x64xf32, #tpu.memory_space<hbm>> -> memref<128x64xf32, #tpu.memory_space<hbm>>
    %dma_wait3A_426 = arith.constant 0 : i32
    %dma_wait3A_427 = arith.constant 0 : i32
    %dma_wait3A_428 = tpu.memref_slice %arg11[%dma_wait3A_415, %dma_wait3A_426, %dma_wait3A_427] : memref<10x128x64xf32, #tpu.memory_space<vmem>> -> memref<1x128x64xf32, #tpu.memory_space<vmem>>
    %dma_wait3A_429 = tpu.memref_squeeze %dma_wait3A_428 : memref<1x128x64xf32, #tpu.memory_space<vmem>> -> memref<128x64xf32, #tpu.memory_space<vmem>>
    tpu.wait_dma2 semaphore(%arg22 : memref<!tpu.dma_semaphore, #tpu.memory_space<semaphore_mem>>) src(%dma_wait3A_429 : memref<128x64xf32, #tpu.memory_space<vmem>>) dst(%dma_wait3A_425 : memref<128x64xf32, #tpu.memory_space<hbm>>)
    %dma_wait3A_430 = arith.constant 1 : i32
    %dma_wait3A_431 = arith.constant 0 : i32
    %dma_wait3A_432 = arith.constant 0 : i32
    %dma_wait3A_433 = tpu.memref_slice %arg11[%dma_wait3A_430, %dma_wait3A_431, %dma_wait3A_432] : memref<10x128x64xf32, #tpu.memory_space<vmem>> -> memref<1x128x64xf32, #tpu.memory_space<vmem>>
    %dma_wait3A_434 = tpu.memref_squeeze %dma_wait3A_433 : memref<1x128x64xf32, #tpu.memory_space<vmem>> -> memref<128x64xf32, #tpu.memory_space<vmem>>
    %dma_wait3A_435 = arith.constant 0 : i32
    %dma_wait3A_436 = arith.constant 0 : i32
    %dma_wait3A_437 = tpu.memref_slice %arg7[%dma_wait3A_435, %dma_wait3A_436] : memref<204800x64xf32, #tpu.memory_space<hbm>> -> memref<128x64xf32, #tpu.memory_space<hbm>>
    %dma_wait3A_438 = arith.constant 0 : i32
    %dma_wait3A_439 = arith.constant 0 : i32
    %dma_wait3A_440 = tpu.memref_slice %arg7[%dma_wait3A_438, %dma_wait3A_439] : memref<204800x64xf32, #tpu.memory_space<hbm>> -> memref<128x64xf32, #tpu.memory_space<hbm>>
    %dma_wait3A_441 = arith.constant 0 : i32
    %dma_wait3A_442 = arith.constant 0 : i32
    %dma_wait3A_443 = tpu.memref_slice %arg11[%dma_wait3A_430, %dma_wait3A_441, %dma_wait3A_442] : memref<10x128x64xf32, #tpu.memory_space<vmem>> -> memref<1x128x64xf32, #tpu.memory_space<vmem>>
    %dma_wait3A_444 = tpu.memref_squeeze %dma_wait3A_443 : memref<1x128x64xf32, #tpu.memory_space<vmem>> -> memref<128x64xf32, #tpu.memory_space<vmem>>
    tpu.wait_dma2 semaphore(%arg23 : memref<!tpu.dma_semaphore, #tpu.memory_space<semaphore_mem>>) src(%dma_wait3A_444 : memref<128x64xf32, #tpu.memory_space<vmem>>) dst(%dma_wait3A_440 : memref<128x64xf32, #tpu.memory_space<hbm>>)
    %dma_wait3A_445 = arith.constant 2 : i32
    %dma_wait3A_446 = arith.constant 0 : i32
    %dma_wait3A_447 = arith.constant 0 : i32
    %dma_wait3A_448 = tpu.memref_slice %arg11[%dma_wait3A_445, %dma_wait3A_446, %dma_wait3A_447] : memref<10x128x64xf32, #tpu.memory_space<vmem>> -> memref<1x128x64xf32, #tpu.memory_space<vmem>>
    %dma_wait3A_449 = tpu.memref_squeeze %dma_wait3A_448 : memref<1x128x64xf32, #tpu.memory_space<vmem>> -> memref<128x64xf32, #tpu.memory_space<vmem>>
    %dma_wait3A_450 = arith.constant 0 : i32
    %dma_wait3A_451 = arith.constant 0 : i32
    %dma_wait3A_452 = tpu.memref_slice %arg7[%dma_wait3A_450, %dma_wait3A_451] : memref<204800x64xf32, #tpu.memory_space<hbm>> -> memref<128x64xf32, #tpu.memory_space<hbm>>
    %dma_wait3A_453 = arith.constant 0 : i32
    %dma_wait3A_454 = arith.constant 0 : i32
    %dma_wait3A_455 = tpu.memref_slice %arg7[%dma_wait3A_453, %dma_wait3A_454] : memref<204800x64xf32, #tpu.memory_space<hbm>> -> memref<128x64xf32, #tpu.memory_space<hbm>>
    %dma_wait3A_456 = arith.constant 0 : i32
    %dma_wait3A_457 = arith.constant 0 : i32
    %dma_wait3A_458 = tpu.memref_slice %arg11[%dma_wait3A_445, %dma_wait3A_456, %dma_wait3A_457] : memref<10x128x64xf32, #tpu.memory_space<vmem>> -> memref<1x128x64xf32, #tpu.memory_space<vmem>>
    %dma_wait3A_459 = tpu.memref_squeeze %dma_wait3A_458 : memref<1x128x64xf32, #tpu.memory_space<vmem>> -> memref<128x64xf32, #tpu.memory_space<vmem>>
    tpu.wait_dma2 semaphore(%arg24 : memref<!tpu.dma_semaphore, #tpu.memory_space<semaphore_mem>>) src(%dma_wait3A_459 : memref<128x64xf32, #tpu.memory_space<vmem>>) dst(%dma_wait3A_455 : memref<128x64xf32, #tpu.memory_space<hbm>>)
    %dma_wait3A_460 = arith.constant 3 : i32
    %dma_wait3A_461 = arith.constant 0 : i32
    %dma_wait3A_462 = arith.constant 0 : i32
    %dma_wait3A_463 = tpu.memref_slice %arg11[%dma_wait3A_460, %dma_wait3A_461, %dma_wait3A_462] : memref<10x128x64xf32, #tpu.memory_space<vmem>> -> memref<1x128x64xf32, #tpu.memory_space<vmem>>
    %dma_wait3A_464 = tpu.memref_squeeze %dma_wait3A_463 : memref<1x128x64xf32, #tpu.memory_space<vmem>> -> memref<128x64xf32, #tpu.memory_space<vmem>>
    %dma_wait3A_465 = arith.constant 0 : i32
    %dma_wait3A_466 = arith.constant 0 : i32
    %dma_wait3A_467 = tpu.memref_slice %arg7[%dma_wait3A_465, %dma_wait3A_466] : memref<204800x64xf32, #tpu.memory_space<hbm>> -> memref<128x64xf32, #tpu.memory_space<hbm>>
    %dma_wait3A_468 = arith.constant 0 : i32
    %dma_wait3A_469 = arith.constant 0 : i32
    %dma_wait3A_470 = tpu.memref_slice %arg7[%dma_wait3A_468, %dma_wait3A_469] : memref<204800x64xf32, #tpu.memory_space<hbm>> -> memref<128x64xf32, #tpu.memory_space<hbm>>
    %dma_wait3A_471 = arith.constant 0 : i32
    %dma_wait3A_472 = arith.constant 0 : i32
    %dma_wait3A_473 = tpu.memref_slice %arg11[%dma_wait3A_460, %dma_wait3A_471, %dma_wait3A_472] : memref<10x128x64xf32, #tpu.memory_space<vmem>> -> memref<1x128x64xf32, #tpu.memory_space<vmem>>
    %dma_wait3A_474 = tpu.memref_squeeze %dma_wait3A_473 : memref<1x128x64xf32, #tpu.memory_space<vmem>> -> memref<128x64xf32, #tpu.memory_space<vmem>>
    tpu.wait_dma2 semaphore(%arg25 : memref<!tpu.dma_semaphore, #tpu.memory_space<semaphore_mem>>) src(%dma_wait3A_474 : memref<128x64xf32, #tpu.memory_space<vmem>>) dst(%dma_wait3A_470 : memref<128x64xf32, #tpu.memory_space<hbm>>)
    %dma_wait3A_475 = arith.constant 4 : i32
    %dma_wait3A_476 = arith.constant 0 : i32
    %dma_wait3A_477 = arith.constant 0 : i32
    %dma_wait3A_478 = tpu.memref_slice %arg11[%dma_wait3A_475, %dma_wait3A_476, %dma_wait3A_477] : memref<10x128x64xf32, #tpu.memory_space<vmem>> -> memref<1x128x64xf32, #tpu.memory_space<vmem>>
    %dma_wait3A_479 = tpu.memref_squeeze %dma_wait3A_478 : memref<1x128x64xf32, #tpu.memory_space<vmem>> -> memref<128x64xf32, #tpu.memory_space<vmem>>
    %dma_wait3A_480 = arith.constant 0 : i32
    %dma_wait3A_481 = arith.constant 0 : i32
    %dma_wait3A_482 = tpu.memref_slice %arg7[%dma_wait3A_480, %dma_wait3A_481] : memref<204800x64xf32, #tpu.memory_space<hbm>> -> memref<128x64xf32, #tpu.memory_space<hbm>>
    %dma_wait3A_483 = arith.constant 0 : i32
    %dma_wait3A_484 = arith.constant 0 : i32
    %dma_wait3A_485 = tpu.memref_slice %arg7[%dma_wait3A_483, %dma_wait3A_484] : memref<204800x64xf32, #tpu.memory_space<hbm>> -> memref<128x64xf32, #tpu.memory_space<hbm>>
    %dma_wait3A_486 = arith.constant 0 : i32
    %dma_wait3A_487 = arith.constant 0 : i32
    %dma_wait3A_488 = tpu.memref_slice %arg11[%dma_wait3A_475, %dma_wait3A_486, %dma_wait3A_487] : memref<10x128x64xf32, #tpu.memory_space<vmem>> -> memref<1x128x64xf32, #tpu.memory_space<vmem>>
    %dma_wait3A_489 = tpu.memref_squeeze %dma_wait3A_488 : memref<1x128x64xf32, #tpu.memory_space<vmem>> -> memref<128x64xf32, #tpu.memory_space<vmem>>
    tpu.wait_dma2 semaphore(%arg26 : memref<!tpu.dma_semaphore, #tpu.memory_space<semaphore_mem>>) src(%dma_wait3A_489 : memref<128x64xf32, #tpu.memory_space<vmem>>) dst(%dma_wait3A_485 : memref<128x64xf32, #tpu.memory_space<hbm>>)
    %dma_wait3A_490 = arith.constant 5 : i32
    %dma_wait3A_491 = arith.constant 0 : i32
    %dma_wait3A_492 = arith.constant 0 : i32
    %dma_wait3A_493 = tpu.memref_slice %arg11[%dma_wait3A_490, %dma_wait3A_491, %dma_wait3A_492] : memref<10x128x64xf32, #tpu.memory_space<vmem>> -> memref<1x128x64xf32, #tpu.memory_space<vmem>>
    %dma_wait3A_494 = tpu.memref_squeeze %dma_wait3A_493 : memref<1x128x64xf32, #tpu.memory_space<vmem>> -> memref<128x64xf32, #tpu.memory_space<vmem>>
    %dma_wait3A_495 = arith.constant 0 : i32
    %dma_wait3A_496 = arith.constant 0 : i32
    %dma_wait3A_497 = tpu.memref_slice %arg7[%dma_wait3A_495, %dma_wait3A_496] : memref<204800x64xf32, #tpu.memory_space<hbm>> -> memref<128x64xf32, #tpu.memory_space<hbm>>
    %dma_wait3A_498 = arith.constant 0 : i32
    %dma_wait3A_499 = arith.constant 0 : i32
    %dma_wait3A_500 = tpu.memref_slice %arg7[%dma_wait3A_498, %dma_wait3A_499] : memref<204800x64xf32, #tpu.memory_space<hbm>> -> memref<128x64xf32, #tpu.memory_space<hbm>>
    %dma_wait3A_501 = arith.constant 0 : i32
    %dma_wait3A_502 = arith.constant 0 : i32
    %dma_wait3A_503 = tpu.memref_slice %arg11[%dma_wait3A_490, %dma_wait3A_501, %dma_wait3A_502] : memref<10x128x64xf32, #tpu.memory_space<vmem>> -> memref<1x128x64xf32, #tpu.memory_space<vmem>>
    %dma_wait3A_504 = tpu.memref_squeeze %dma_wait3A_503 : memref<1x128x64xf32, #tpu.memory_space<vmem>> -> memref<128x64xf32, #tpu.memory_space<vmem>>
    tpu.wait_dma2 semaphore(%arg27 : memref<!tpu.dma_semaphore, #tpu.memory_space<semaphore_mem>>) src(%dma_wait3A_504 : memref<128x64xf32, #tpu.memory_space<vmem>>) dst(%dma_wait3A_500 : memref<128x64xf32, #tpu.memory_space<hbm>>)
    %dma_wait3A_505 = arith.constant 6 : i32
    %dma_wait3A_506 = arith.constant 0 : i32
    %dma_wait3A_507 = arith.constant 0 : i32
    %dma_wait3A_508 = tpu.memref_slice %arg11[%dma_wait3A_505, %dma_wait3A_506, %dma_wait3A_507] : memref<10x128x64xf32, #tpu.memory_space<vmem>> -> memref<1x128x64xf32, #tpu.memory_space<vmem>>
    %dma_wait3A_509 = tpu.memref_squeeze %dma_wait3A_508 : memref<1x128x64xf32, #tpu.memory_space<vmem>> -> memref<128x64xf32, #tpu.memory_space<vmem>>
    %dma_wait3A_510 = arith.constant 0 : i32
    %dma_wait3A_511 = arith.constant 0 : i32
    %dma_wait3A_512 = tpu.memref_slice %arg7[%dma_wait3A_510, %dma_wait3A_511] : memref<204800x64xf32, #tpu.memory_space<hbm>> -> memref<128x64xf32, #tpu.memory_space<hbm>>
    %dma_wait3A_513 = arith.constant 0 : i32
    %dma_wait3A_514 = arith.constant 0 : i32
    %dma_wait3A_515 = tpu.memref_slice %arg7[%dma_wait3A_513, %dma_wait3A_514] : memref<204800x64xf32, #tpu.memory_space<hbm>> -> memref<128x64xf32, #tpu.memory_space<hbm>>
    %dma_wait3A_516 = arith.constant 0 : i32
    %dma_wait3A_517 = arith.constant 0 : i32
    %dma_wait3A_518 = tpu.memref_slice %arg11[%dma_wait3A_505, %dma_wait3A_516, %dma_wait3A_517] : memref<10x128x64xf32, #tpu.memory_space<vmem>> -> memref<1x128x64xf32, #tpu.memory_space<vmem>>
    %dma_wait3A_519 = tpu.memref_squeeze %dma_wait3A_518 : memref<1x128x64xf32, #tpu.memory_space<vmem>> -> memref<128x64xf32, #tpu.memory_space<vmem>>
    tpu.wait_dma2 semaphore(%arg28 : memref<!tpu.dma_semaphore, #tpu.memory_space<semaphore_mem>>) src(%dma_wait3A_519 : memref<128x64xf32, #tpu.memory_space<vmem>>) dst(%dma_wait3A_515 : memref<128x64xf32, #tpu.memory_space<hbm>>)
    %dma_wait3A_520 = arith.constant 7 : i32
    %dma_wait3A_521 = arith.constant 0 : i32
    %dma_wait3A_522 = arith.constant 0 : i32
    %dma_wait3A_523 = tpu.memref_slice %arg11[%dma_wait3A_520, %dma_wait3A_521, %dma_wait3A_522] : memref<10x128x64xf32, #tpu.memory_space<vmem>> -> memref<1x128x64xf32, #tpu.memory_space<vmem>>
    %dma_wait3A_524 = tpu.memref_squeeze %dma_wait3A_523 : memref<1x128x64xf32, #tpu.memory_space<vmem>> -> memref<128x64xf32, #tpu.memory_space<vmem>>
    %dma_wait3A_525 = arith.constant 0 : i32
    %dma_wait3A_526 = arith.constant 0 : i32
    %dma_wait3A_527 = tpu.memref_slice %arg7[%dma_wait3A_525, %dma_wait3A_526] : memref<204800x64xf32, #tpu.memory_space<hbm>> -> memref<128x64xf32, #tpu.memory_space<hbm>>
    %dma_wait3A_528 = arith.constant 0 : i32
    %dma_wait3A_529 = arith.constant 0 : i32
    %dma_wait3A_530 = tpu.memref_slice %arg7[%dma_wait3A_528, %dma_wait3A_529] : memref<204800x64xf32, #tpu.memory_space<hbm>> -> memref<128x64xf32, #tpu.memory_space<hbm>>
    %dma_wait3A_531 = arith.constant 0 : i32
    %dma_wait3A_532 = arith.constant 0 : i32
    %dma_wait3A_533 = tpu.memref_slice %arg11[%dma_wait3A_520, %dma_wait3A_531, %dma_wait3A_532] : memref<10x128x64xf32, #tpu.memory_space<vmem>> -> memref<1x128x64xf32, #tpu.memory_space<vmem>>
    %dma_wait3A_534 = tpu.memref_squeeze %dma_wait3A_533 : memref<1x128x64xf32, #tpu.memory_space<vmem>> -> memref<128x64xf32, #tpu.memory_space<vmem>>
    tpu.wait_dma2 semaphore(%arg29 : memref<!tpu.dma_semaphore, #tpu.memory_space<semaphore_mem>>) src(%dma_wait3A_534 : memref<128x64xf32, #tpu.memory_space<vmem>>) dst(%dma_wait3A_530 : memref<128x64xf32, #tpu.memory_space<hbm>>)
    %dma_wait3A_535 = arith.constant 8 : i32
    %dma_wait3A_536 = arith.constant 0 : i32
    %dma_wait3A_537 = arith.constant 0 : i32
    %dma_wait3A_538 = tpu.memref_slice %arg11[%dma_wait3A_535, %dma_wait3A_536, %dma_wait3A_537] : memref<10x128x64xf32, #tpu.memory_space<vmem>> -> memref<1x128x64xf32, #tpu.memory_space<vmem>>
    %dma_wait3A_539 = tpu.memref_squeeze %dma_wait3A_538 : memref<1x128x64xf32, #tpu.memory_space<vmem>> -> memref<128x64xf32, #tpu.memory_space<vmem>>
    %dma_wait3A_540 = arith.constant 0 : i32
    %dma_wait3A_541 = arith.constant 0 : i32
    %dma_wait3A_542 = tpu.memref_slice %arg7[%dma_wait3A_540, %dma_wait3A_541] : memref<204800x64xf32, #tpu.memory_space<hbm>> -> memref<128x64xf32, #tpu.memory_space<hbm>>
    %dma_wait3A_543 = arith.constant 0 : i32
    %dma_wait3A_544 = arith.constant 0 : i32
    %dma_wait3A_545 = tpu.memref_slice %arg7[%dma_wait3A_543, %dma_wait3A_544] : memref<204800x64xf32, #tpu.memory_space<hbm>> -> memref<128x64xf32, #tpu.memory_space<hbm>>
    %dma_wait3A_546 = arith.constant 0 : i32
    %dma_wait3A_547 = arith.constant 0 : i32
    %dma_wait3A_548 = tpu.memref_slice %arg11[%dma_wait3A_535, %dma_wait3A_546, %dma_wait3A_547] : memref<10x128x64xf32, #tpu.memory_space<vmem>> -> memref<1x128x64xf32, #tpu.memory_space<vmem>>
    %dma_wait3A_549 = tpu.memref_squeeze %dma_wait3A_548 : memref<1x128x64xf32, #tpu.memory_space<vmem>> -> memref<128x64xf32, #tpu.memory_space<vmem>>
    tpu.wait_dma2 semaphore(%arg30 : memref<!tpu.dma_semaphore, #tpu.memory_space<semaphore_mem>>) src(%dma_wait3A_549 : memref<128x64xf32, #tpu.memory_space<vmem>>) dst(%dma_wait3A_545 : memref<128x64xf32, #tpu.memory_space<hbm>>)
    %dma_wait3A_550 = arith.constant 9 : i32
    %dma_wait3A_551 = arith.constant 0 : i32
    %dma_wait3A_552 = arith.constant 0 : i32
    %dma_wait3A_553 = tpu.memref_slice %arg11[%dma_wait3A_550, %dma_wait3A_551, %dma_wait3A_552] : memref<10x128x64xf32, #tpu.memory_space<vmem>> -> memref<1x128x64xf32, #tpu.memory_space<vmem>>
    %dma_wait3A_554 = tpu.memref_squeeze %dma_wait3A_553 : memref<1x128x64xf32, #tpu.memory_space<vmem>> -> memref<128x64xf32, #tpu.memory_space<vmem>>
    %dma_wait3A_555 = arith.constant 0 : i32
    %dma_wait3A_556 = arith.constant 0 : i32
    %dma_wait3A_557 = tpu.memref_slice %arg7[%dma_wait3A_555, %dma_wait3A_556] : memref<204800x64xf32, #tpu.memory_space<hbm>> -> memref<128x64xf32, #tpu.memory_space<hbm>>
    %dma_wait3A_558 = arith.constant 0 : i32
    %dma_wait3A_559 = arith.constant 0 : i32
    %dma_wait3A_560 = tpu.memref_slice %arg7[%dma_wait3A_558, %dma_wait3A_559] : memref<204800x64xf32, #tpu.memory_space<hbm>> -> memref<128x64xf32, #tpu.memory_space<hbm>>
    %dma_wait3A_561 = arith.constant 0 : i32
    %dma_wait3A_562 = arith.constant 0 : i32
    %dma_wait3A_563 = tpu.memref_slice %arg11[%dma_wait3A_550, %dma_wait3A_561, %dma_wait3A_562] : memref<10x128x64xf32, #tpu.memory_space<vmem>> -> memref<1x128x64xf32, #tpu.memory_space<vmem>>
    %dma_wait3A_564 = tpu.memref_squeeze %dma_wait3A_563 : memref<1x128x64xf32, #tpu.memory_space<vmem>> -> memref<128x64xf32, #tpu.memory_space<vmem>>
    tpu.wait_dma2 semaphore(%arg31 : memref<!tpu.dma_semaphore, #tpu.memory_space<semaphore_mem>>) src(%dma_wait3A_564 : memref<128x64xf32, #tpu.memory_space<vmem>>) dst(%dma_wait3A_560 : memref<128x64xf32, #tpu.memory_space<hbm>>)
    return
  }
}

</mosaic_0001>

<sc_bundles>
// kernel: kernel.3.cloned.1.call-start
scs
__scs_entry_jumppad:
0x0: {  	(pc) =	sbr.rel $0x88, $3  }
0x1: {  	(tag) =	ssettag $0x0;
	lr =	simm.s32 $0x1  }
0x2: {  	[smem:$0x3F9D] =	sst lr;
	_ =	strace $0xD0000000  }
0x3: {  	_ = 	snop  }
0x4: {  	_ = 	snop  }
0x5: {  	_ = 	snop  }
0x6: {  	_ = 	snop  }
0x7: {  	_ = 	snop  }
__scs_overlays_trampoline_lowered:
0x8: {  	[smem:$0x3FAC] =	sst s0  }
0x9: {  	[smem:$0x3FAD] =	sst s1  }
0xa: {  	[smem:$0x3FAE] =	sst s2  }
0xb: {  	[smem:$0x3FAF] =	sst s3  }
0xc: {  	[smem:$0x3FB0] =	sst s4  }
0xd: {  	[smem:$0x3FB1] =	sst s5  }
0xe: {  	[smem:$0x3FB2] =	sst s6  }
0xf: {  	[smem:$0x3FB3] =	sst s7  }
0x10: {  	[smem:$0x3FB4] =	sst s8  }
0x11: {  	[smem:$0x3FB5] =	sst s9;
	s0 =	simm.s32 @!p0 $0x0  }
0x12: {  	s1 =	sld [smem:$0x3F9B];
	s0 =	simm.s32 @p0 $0x1  }
0x13: {  	[smem:$0x3FB6] =	sst s0;
	s0 =	simm.s32 @!p1 $0x0  }
0x14: {  	s2 =	sld [smem:$0x3F9A];
	s0 =	simm.s32 @p1 $0x1  }
0x15: {  	[smem:$0x3FB7] =	sst s0;
	s0 =	simm.s32 @!p2 $0x0  }
0x16: {  	s3 =	sld [smem:$0x3FDB];
	s0 =	simm.s32 @p2 $0x1  }
0x17: {  	s4 =	simm.s32 $0x1BF5;
	[smem:$0x3FB9] =	sst s0  }
0x18: {  	s0 =	sld [smem:$0x3F9C];
	_ =	swait.ge [sflag:s4], $0x0  }
0x19: {  	s7 =	sld [smem:$0x3F9D]  }
0x1a: {  	s8 =	sadd.s32 $0xFFFFE003, lr  }
0x1b: {  	s9 =	sadd.s32 $0xFFFFFEF7, lr;
	s5 =	simm.s32 $0xFFFFFFFF;
	p2 =	slt.u32 s8, $0xFFFFF086  }
0x1c: {  	p1 =	slt.u32 s9, $0xF7A;
	s5 =	simm.s32 @!p2 $0x0  }
0x1d: {  	s5 =	simm.s32 @p1 $0x1;
	p0 =	seq.s32 s7, s2  }
0x1e: {  	s7 =	smul.u32 @!p0 $0xF7A, s2;
	p2 =	seq.s32 @!p0 s5, $0x0  }
0x1f: {  	s9 =	smul.u32 $0xF7A, s1;
	s8 =	simm.s32 @!p0 $0x1BF5;
	p2 =	por !p2, p0  }
0x20: {  	[sflag:s8] =	ssyncset.s32 @!p0 $0xFFFFF086;
	s6 =	sadd.s32 @!p0 s3, s7;
	s7 =	simm.s32 @!p0 $0x108  }
0x21: {  	s3 =	sadd.s32 s3, s9;
	s6 =	sadd.s32 @!p0 $0x88, s6;
	s7 =	simm.s32 @p2 $0x1082  }
0x22: {  	[simem:s7], [sflag:s8] =	dma.local @!p0 [hbm:s6], $0xF7A  }
0x23: {  	s9 =	sor.u32 $0xD0000000, s2;
	s6 =	simm.s32 $0x108;
	_ =	swait.ge @!p0 [sflag:s8], $0x0  }
0x24: {  	s3 =	sadd.s32 $0x88, s3;
	s6 =	simm.s32 @!p1 $0x1082;
	[sflag:s4] =	ssyncset.s32 $0xFFFFF086  }
0x25: {  	[simem:s6], [sflag:s4] =	dma.local [hbm:s3], $0xF7A  }
0x26: {  	[smem:$0x3F9D] =	sst s1;
	(tag) =	ssettag s2;
	_ =	strace s9  }
0x27: {  	s1 =	sld [smem:$0x3FAD]  }
0x28: {  	s2 =	sld [smem:$0x3FAE]  }
0x29: {  	s4 =	sld [smem:$0x3FB0]  }
0x2a: {  	p0 =	seq.s32 s5, $0x0;
	s5 =	sld [smem:$0x3FB1]  }
0x2b: {  	s6 =	sld [smem:$0x3FB2]  }
0x2c: {  	s7 =	sld [smem:$0x3FB3]  }
0x2d: {  	s3 =	simm.s32 $0x108;
	s8 =	sld [smem:$0x3FB4]  }
0x2e: {  	s3 =	simm.s32 @!p0 $0x1082;
	s9 =	sld [smem:$0x3FB5]  }
0x2f: {  	lr =	sadd.s32 s0, s3;
	s0 =	sld [smem:$0x3FAC]  }
0x30: {  	s3 =	sld [smem:$0x3FAF]  }
0x31: {  	[smem:$0x3FB8] =	sst s10  }
0x32: {  	s10 =	sld [smem:$0x3FB6];
	_ =	sdelay $0x3  }
0x33: {  	p0 =	seq.s32 s10, $0x1;
	s10 =	sld [smem:$0x3FB8];
	_ =	sdelay $0x3  }
0x34: {  	[smem:$0x3FB8] =	sst s10  }
0x35: {  	s10 =	sld [smem:$0x3FB7];
	_ =	sdelay $0x3  }
0x36: {  	p1 =	seq.s32 s10, $0x1;
	s10 =	sld [smem:$0x3FB8];
	_ =	sdelay $0x3  }
0x37: {  	[smem:$0x3FB8] =	sst s10  }
0x38: {  	s10 =	sld [smem:$0x3FB9]  }
0x39: {  	_ = 	snop;
	(pc) =	sbr.ind lr, $3  }
0x3a: {  	_ = 	snop  }
0x3b: {  	_ = 	snop  }
0x3c: {  	p2 =	seq.s32 s10, $0x1;
	s10 =	sld [smem:$0x3FB8]  }
0x3d: {  	_ =	shalt  }
0x3e: {  	_ =	shalt  }
0x3f: {  	_ =	shalt  }
0x40: {  	_ =	shalt  }
0x41: {  	_ =	shalt  }
0x42: {  	_ =	shalt  }
0x43: {  	_ =	shalt  }
0x44: {  	_ =	shalt  }
0x45: {  	_ =	shalt  }
0x46: {  	_ =	shalt  }
0x47: {  	_ =	shalt  }
0x48: {  	_ =	shalt  }
0x49: {  	_ =	shalt  }
0x4a: {  	_ =	shalt  }
0x4b: {  	_ =	shalt  }
0x4c: {  	_ =	shalt  }
0x4d: {  	_ =	shalt  }
0x4e: {  	_ =	shalt  }
0x4f: {  	_ =	shalt  }
0x50: {  	_ =	shalt  }
0x51: {  	_ =	shalt  }
0x52: {  	_ =	shalt  }
0x53: {  	_ =	shalt  }
0x54: {  	_ =	shalt  }
0x55: {  	_ =	shalt  }
0x56: {  	_ =	shalt  }
0x57: {  	_ =	shalt  }
0x58: {  	_ =	shalt  }
0x59: {  	_ =	shalt  }
0x5a: {  	_ =	shalt  }
0x5b: {  	_ =	shalt  }
0x5c: {  	_ =	shalt  }
0x5d: {  	_ =	shalt  }
0x5e: {  	_ =	shalt  }
0x5f: {  	_ =	shalt  }
0x60: {  	_ =	shalt  }
0x61: {  	_ =	shalt  }
0x62: {  	_ =	shalt  }
0x63: {  	_ =	shalt  }
0x64: {  	_ =	shalt  }
0x65: {  	_ =	shalt  }
0x66: {  	_ =	shalt  }
0x67: {  	_ =	shalt  }
0x68: {  	_ =	shalt  }
0x69: {  	_ =	shalt  }
0x6a: {  	_ =	shalt  }
0x6b: {  	_ =	shalt  }
0x6c: {  	_ =	shalt  }
0x6d: {  	_ =	shalt  }
0x6e: {  	_ =	shalt  }
0x6f: {  	_ =	shalt  }
0x70: {  	_ =	shalt  }
0x71: {  	_ =	shalt  }
0x72: {  	_ =	shalt  }
0x73: {  	_ =	shalt  }
0x74: {  	_ =	shalt  }
0x75: {  	_ =	shalt  }
0x76: {  	_ =	shalt  }
0x77: {  	_ =	shalt  }
0x78: {  	_ =	shalt  }
0x79: {  	_ =	shalt  }
0x7a: {  	_ =	shalt  }
0x7b: {  	_ =	shalt  }
0x7c: {  	_ =	shalt  }
0x7d: {  	_ =	shalt  }
0x7e: {  	_ =	shalt  }
0x7f: {  	_ =	shalt  }
0x80: {  	_ =	shalt  }
0x81: {  	_ =	shalt  }
0x82: {  	_ =	shalt  }
0x83: {  	_ =	shalt  }
0x84: {  	_ =	shalt  }
0x85: {  	_ =	shalt  }
0x86: {  	_ =	shalt  }
0x87: {  	_ =	shalt  }
.Lfunc_end0:
.L_simem_size_0:
called_computation.2_lowered:
.L_overlay_start_0:
0x88: {  	s2 =	sld [smem:$0x3FD9]  }
0x89: {  	s3 =	sld [smem:$0x3FFE];
	_ =	sdelay $0x1  }
0x8a: {  	s1 =	srdreg.scid  }
0x8b: {  	s0 =	sand.u32 $0x1, s1  }
0x8c: {  	s14 =	sshll.u32 s0, $0xA;
	s2 =	sadd.s32 s3, s2  }
0x8d: {  	s2 =	sadd.s32 s2, s14  }
0x8e: {  	[smem:$0x3FC4] =	sst s2  }
0x8f: {  	_ = 	snop  }
0x90: {  	s2 =	sld [smem:$0x3FD0];
	_ =	sdelay $0x2  }
0x91: {  	s15 =	simm.s32 $0xB;
	s4 =	simm.s32 $0x10  }
0x92: {  	[smem:s4], [sflag:s15] =	dma.local [hbm:s2], $0x1  }
0x93: {  	_ =	swait.eq [sflag:s15], $0x1  }
0x94: {  	[sflag:s15] =	ssyncset.done $0x0  }
0x95: {  	s16 =	sld [smem:$0x10];
	[sflag:s15] =	ssyncadd.s32 $0xFFFFFFFF  }
0x96: {  	s17 =	sld [smem:$0x11];
	(tm) =	ssettm $0x1  }
0x97: {  	s18 =	sld [smem:$0x3FFB];
	_ =	sdelay $0x3  }
0x98: {  	_ =	strace s18  }
0x99: {  	s4 =	sld [smem:$0x3FFC];
	_ =	sdelay $0x3  }
0x9a: {  	_ =	strace s4  }
0x9b: {  	s4 =	sld [smem:$0x3FFD];
	_ =	sdelay $0x3  }
0x9c: {  	_ =	strace s4  }
0x9d: {  	_ =	strace $0x8FFFFFFF  }
0x9e: {  	s19 =	sld [smem:$0x3FDB];
	_ =	sdelay $0x1  }
0x9f: {  	s5 =	simm.s32 $_scs_section_size  }
0xa0: {  	s6 =	simm.s32 $_size__tile_overlayer_lowered;
	s7 =	simm.s32 $_tile_overlayer_lowered  }
0xa1: {  	s22 =	simm.s32 $0x1BFF;
	s21 =	sshll.u32 s7, $0x1;
	s4 =	sadd.s32 s5, s19  }
0xa2: {  	s8 =	simm.s32 $0x0;
	s20 =	sshll.u32 s6, $0x1;
	s6 =	sadd.s32 s21, s4  }
0xa3: {  	[timem:s8], [sflag:s22] =	dma.local [hbm:s6], s20  }
0xa4: {  	_ =	swait.ge [sflag:s22], s20  }
0xa5: {  	s5 =	ssub.s32 $0x0, s20;
	[sflag:s22] =	ssyncset.done $0x0  }
0xa6: {  	[sflag:s22] =	ssyncadd.s32 s5;
	_ =	sdelay $0x1  }
0xa7: {  	s23 =	simm.s32 $0x1B8B  }
0xa8: {  	_ =	swait.ge [sflag:s23], $0x1  }
0xa9: {  	[sflag:s23] =	ssyncset.done $0x0  }
0xaa: {  	s25 =	simm.s32 $0x1B8E;
	s24 =	sld [smem:$0x3FFE];
	[sflag:s23] =	ssyncadd.s32 $0xFFFFFFFF  }
0xab: {  	s26 =	simm.s32 $execute0_lowered;
	[smem:$0x3FD2] =	sst s25  }
0xac: {  	s6 =	sshll.u32 s26, $0x1;
	_ =	strace $0x80000046;
	[dreg:$0x1] =	wrdreg $0xFFFFFFFF  }
0xad: {  	s28 =	simm.s32 $_size_execute0_lowered;
	s4 =	sadd.s32 s4, s6;
	[dreg:$0x0] =	wrdreg $0x0  }
0xae: {  	s6 =	sshll.u32 s28, $0x1;
	[dreg:$0x2] =	wrdreg s4  }
0xaf: {  	[dreg:$0x3] =	wrdreg s6  }
0xb0: {  	[dreg:$0x4] =	wrdreg $0xC0  }
0xb1: {  	_ =	task [dreg:s8], $0x5FFFF  }
0xb2: {  	[dreg:$0x1] =	wrdreg $0xFFFFFFFF  }
0xb3: {  	[dreg:$0x0] =	wrdreg $0x60  }
0xb4: {  	[dreg:$0x2] =	wrdreg s24  }
0xb5: {  	[dreg:$0x3] =	wrdreg s16  }
0xb6: {  	[dreg:$0x4] =	wrdreg s17  }
0xb7: {  	[dreg:$0x5] =	wrdreg $0x9  }
0xb8: {  	_ =	task.clear_ibuf [dreg:s8], $0x6FFFF;
	_ =	strace $0x90000046  }
0xb9: {  	s29 =	simm.s32 $0x9;
	_ =	strace $0x80000048  }
0xba: {  	_ =	swait.ge [sflag:s29], $0x1  }
0xbb: {  	[sflag:s29] =	ssyncadd.s32 $0xFFFFFFFF  }
0xbc: {  	_ =	strace $0x90000048  }
0xbd: {  	_ =	sfence  }
0xbe: {  	s30 =	sld [smem:$0x0];
	_ =	sdelay $0x2  }
0xbf: {  	s31 =	sshll.u32 s1, $0xD;
	s1 =	sshrl.u32 s1, $0x2  }
0xc0: {  	s3 =	sand.u32 $0x4000, s31;
	s1 =	sadd.s32 s1, s30  }
0xc1: {  	s0 =	sor.u32 s3, s0;
	s1 =	sshll.u32 s1, $0x11  }
0xc2: {  	s0 =	sor.u32 s1, s0  }
0xc3: {  	s0 =	sadd.s32 $0x8F2B, s0  }
0xc4: {  	[sflag:s0] =	ssyncadd.remote.s32 $0x1  }
0xc5: {  	_ =	sfence.sel $0xFFFF  }
0xc6: {  	[dreg:$0x0] =	wrdreg $0xFFFFFFFF;
	(pc) =	sbr.abs _section_cstart, $3  }
0xc7: {  	[dreg:$0x1] =	wrdreg $0xFFFFFFFF  }
0xc8: {  	_ =	task.clear_ibuf [dreg:s8], $0x2FFFF;
	_ =	strace $0x9FFFFFFF  }
0xc9: {  	(tm) =	ssettm $0x7FFFFFFF  }
tec
execute0_lowered:
.L_overlay_start_1:
0x0: {  	(tag) =	ssettag $0x1  }
0x1: {  	s0 =	rddreg [dreg:$0x0]  }
0x2: {  	s1 =	rddreg [dreg:$0x1]  }
0x3: {  	s2 =	rddreg [dreg:$0x2];
	s3 =	simm.s32 $0x0  }
0x4: {  	s28 =	srdreg.scid;
	s8 =	stileid.u32;
	s11 =	simm.s32 $0x80  }
0x5: {  	s15 =	simm.s32 $0x4B00;
	s18 =	simm.s32 $0x8B00;
	s22 =	simm.s32 $0xCB00  }
0x6: {  	s26 =	simm.s32 $0x10B00;
	s31 =	simm.s32 $0x14B00;
	s17 =	simm.s32 $0x3  }
0x7: {  	s19 =	simm.s32 $0x5;
	s21 =	simm.s32 $0x7;
	s23 =	simm.s32 $0x9  }
0x8: {  	s25 =	simm.s32 $0xA;
	s20 =	simm.s32 $0x14;
	s24 =	simm.s32 $0x0  }
0x9: {  	[smem:$0x7FF] =	sst s3;
	s3 =	sand.u32 $0x1, s28;
	s5 =	sadd.s32 $0x16E4A00, s0  }
0xa: {  	s4 =	sshll.u32 s8, $0x5;
	s8 =	smul.u32 $0x3200, s8;
	_ =	strace $0x80000047  }
0xb: {  	s6 =	sshll.u32 s3, $0x4;
	s7 =	ssub.s32 $0x2, s3;
	s3 =	smul.u32 $0x1900, s3  }
0xc: {  	s4 =	sor.u32 s6, s4;
	s9 =	sshrl.u32 s7, $0x1;
	s6 =	sadd.s32 $0xF43800, s0  }
.Ltmp0:
0xd: {  	s4 =	sadd.s32 s4, s0;
	s29 =	ssub.s32 s7, s9;
	(pc) =	sbr.rel .LBB2_1-.Ltmp0, $4  }
0xe: {  	s10 =	sadd.s32 s3, s8;
	s3 =	simm.s32 $0x16B00;
	s30 =	sadd.s32 $0x7800, s4  }
0xf: {  	v0 =	vlaneseq.u32;
	s7 =	simm.s32 $0x11;
	s4 =	sadd.s32 $0x1400, s4;
	[dreg:$0x4] =	wrdreg s30  }
0x10: {  	v0 =	vmul.u32 $0x32, v0;
	s8 =	simm.s32 $0x12;
	s0 =	smax.u32 s29, $0x1;
	[dreg:$0x5] =	wrdreg s4  }
0x11: {  	s9 =	simm.s32 $0x13;
	[dreg:$0x6] =	wrdreg s0;
	s4 =	simm.s32 $0x1  }
.LBB2_9:
0x12: {  	_ =	swait.ge [sflag:s25], $0x2000  }
0x13: {  	[sflag:s25] =	ssyncset.done $0x0  }
0x14: {  	s12 =	simm.s32 $0xB;
	[sflag:s25] =	ssyncadd.s32 $0xFFFFE000  }
0x15: {  	[hbm4b:s2+s11] =	stream.indirect.scatter [tilespmem:s3], [sflag:$0x14], $0x40, s0, s11, $0xb8;
	[tilespmem:$0x18B00] =	vst v63  }
0x16: {  	_ =	swait.ge [sflag:s12], $0x2000  }
0x17: {  	[sflag:s12] =	ssyncset.done $0x0  }
0x18: {  	s13 =	simm.s32 $0xC;
	[sflag:s12] =	ssyncadd.s32 $0xFFFFE000  }
0x19: {  	_ =	swait.ge [sflag:s13], $0x2000  }
0x1a: {  	[sflag:s13] =	ssyncset.done $0x0  }
0x1b: {  	s14 =	simm.s32 $0xD;
	[sflag:s13] =	ssyncadd.s32 $0xFFFFE000  }
0x1c: {  	_ =	swait.ge [sflag:s14], $0x2000  }
0x1d: {  	[sflag:s14] =	ssyncset.done $0x0  }
0x1e: {  	s16 =	simm.s32 $0xE;
	[sflag:s14] =	ssyncadd.s32 $0xFFFFE000  }
0x1f: {  	_ =	swait.ge [sflag:s16], $0x2000  }
0x20: {  	[sflag:s16] =	ssyncset.done $0x0  }
0x21: {  	s28 =	simm.s32 $0xF;
	[sflag:s16] =	ssyncadd.s32 $0xFFFFE000  }
0x22: {  	_ =	swait.ge [sflag:s28], $0x2000  }
0x23: {  	[sflag:s28] =	ssyncset.done $0x0  }
0x24: {  	s29 =	simm.s32 $0x10;
	[sflag:s28] =	ssyncadd.s32 $0xFFFFE000  }
0x25: {  	_ =	swait.ge [sflag:s29], $0x2000  }
0x26: {  	[sflag:s29] =	ssyncset.done $0x0  }
0x27: {  	[sflag:s29] =	ssyncadd.s32 $0xFFFFE000  }
0x28: {  	_ =	swait.ge [sflag:s7], $0x2000  }
0x29: {  	[sflag:s7] =	ssyncset.done $0x0  }
0x2a: {  	[sflag:s7] =	ssyncadd.s32 $0xFFFFE000  }
0x2b: {  	_ =	swait.ge [sflag:s8], $0x2000  }
0x2c: {  	[sflag:s8] =	ssyncset.done $0x0  }
0x2d: {  	[sflag:s8] =	ssyncadd.s32 $0xFFFFE000  }
0x2e: {  	_ =	swait.ge [sflag:s9], $0x2000  }
0x2f: {  	[sflag:s9] =	ssyncset.done $0x0  }
0x30: {  	[sflag:s9] =	ssyncadd.s32 $0xFFFFE000  }
0x31: {  	_ =	swait.ge [sflag:s20], $0x2000  }
0x32: {  	s24 =	sadd.s32 $0x1, s24;
	s30 =	rddreg [dreg:$0x6]  }
0x33: {  	p0 =	sne.s32 s24, s30  }
.Ltmp1:
0x34: {  	_ = 	snop;
	(pc) =	sbr.rel @!p0 .LBB2_10-.Ltmp1, $3  }
0x35: {  	_ =	sdelay $0x1  }
0x36: {  	[sflag:s20] =	ssyncset.done $0x0  }
0x37: {  	[sflag:s20] =	ssyncadd.s32 $0xFFFFE000  }
.LBB2_1:
0x38: {  	s0 =	simm.s32 $0x0  }
0x39: {  	s12 =	rddreg [dreg:$0x4];
	s13 =	simm.s32 $0x1000;
	s14 =	simm.s32 $0x15  }
0x3a: {  	[tilespmem:s0], [sflag:$0x15] =	stream.strided.gather [hbm4b:s12+s11], $0x1900, s13, s11, $0x38;
	[tilespmem:$0x18B00] =	vst v63  }
0x3b: {  	_ =	swait.ge [sflag:s14], $0x1900  }
0x3c: {  	[sflag:s14] =	ssyncset.done $0x0  }
0x3d: {  	s28 =	simm.s32 $0x1900;
	s16 =	rddreg [dreg:$0x5];
	[sflag:s14] =	ssyncadd.s32 $0xFFFFE700  }
0x3e: {  	[tilespmem:s28], [sflag:$0x15] =	stream.strided.gather [hbm4b:s16+s11], $0x1900, s13, s11, $0x38;
	[tilespmem:$0x18B00] =	vst v63  }
0x3f: {  	s12 =	sadd.s32 $0x0, s10;
	_ =	swait.ge [sflag:s14], $0x1900  }
0x40: {  	s29 =	sadd.s32 $0x15E0, s12;
	[sflag:s14] =	ssyncset.done $0x0  }
0x41: {  	s0 =	simm.s32 $0x3240;
	v1 =	vadd.s32 s29, v0;
	s28 =	sadd.s32 $0x320, s12;
	[sflag:s14] =	ssyncadd.s32 $0xFFFFE700  }
0x42: {  	s29 =	sadd.s32 $0xFA0, s12;
	v2 =	vadd.s32 s28, v0;
	[tilespmem:s0+$0x30] =	vst v1  }
0x43: {  	s30 =	sadd.s32 $0x640, s12;
	v3 =	vadd.s32 s29, v0;
	[tilespmem:s0+$0xFFFFFFD0] =	vst v2  }
0x44: {  	s14 =	sadd.s32 $0x960, s12;
	v1 =	vadd.s32 s30, v0;
	[tilespmem:s0+$0x10] =	vst v3  }
0x45: {  	s16 =	sadd.s32 $0xC80, s12;
	v2 =	vadd.s32 s14, v0;
	[tilespmem:s0+$0xFFFFFFE0] =	vst v1  }
0x46: {  	s30 =	sadd.s32 $0x12C0, s12;
	v1 =	vadd.s32 s16, v0;
	[tilespmem:s0+$0xFFFFFFF0] =	vst v2  }
0x47: {  	s13 =	simm.s32 $0x2;
	v2 =	vadd.s32 s30, v0;
	[tilespmem:s0+$0x0] =	vst v1;
	v1 =	vadd.s32 s12, v0;
	s12 =	sadd.s32 $0x1, s10  }
.LBB2_2:
0x48: {  	p0 =	sne.s32 s13, $0x31;
	v3 =	vadd.s32 s12, v0;
	s28 =	sadd.s32 $0x320, s12;
	s29 =	sadd.s32 $0x15E0, s12;
	[tilespmem:s0+$0x20] =	vst v2  }
0x49: {  	s30 =	sadd.s32 $0x960, s12;
	v2 =	vadd.s32 s28, v0;
	s28 =	sadd.s32 $0x640, s12;
	v4 =	vadd.s32 s29, v0;
	[tilespmem:s0+$0xFFFFFFC0] =	vst v1;
	s0 =	sadd.s32 $0x80, s0;
	v1 =	vmov v3  }
0x4a: {  	v5 =	vadd.s32 s30, v0;
	s29 =	sadd.s32 $0xFA0, s12;
	v3 =	vadd.s32 s28, v0;
	s28 =	sadd.s32 $0xC80, s12;
	s12 =	sadd.s32 $0x12C0, s12;
	[tilespmem:s0+$0x30] =	vst v4  }
.Ltmp2:
0x4b: {  	v6 =	vadd.s32 s29, v0;
	[tilespmem:s0+$0xFFFFFFD0] =	vst v2;
	v4 =	vadd.s32 s28, v0;
	v2 =	vadd.s32 s12, v0;
	(pc) =	sbr.rel @p0 .LBB2_2-.Ltmp2, $4  }
0x4c: {  	[tilespmem:s0+$0xFFFFFFE0] =	vst v3  }
0x4d: {  	[tilespmem:s0+$0xFFFFFFF0] =	vst v5  }
0x4e: {  	[tilespmem:s0+$0x0] =	vst v4  }
0x4f: {  	s12 =	sadd.s32 s13, s10;
	s13 =	sadd.s32 $0x1, s13;
	[tilespmem:s0+$0x10] =	vst v6  }
0x50: {  	s13 =	sadd.s32 $0x15E0, s12;
	[tilespmem:s0+$0x20] =	vst v2  }
0x51: {  	s28 =	sadd.s32 $0x320, s12;
	[tilespmem:s0+$0xFFFFFFC0] =	vst v1;
	s0 =	sadd.s32 $0x80, s0;
	v2 =	vadd.s32 s13, v0  }
0x52: {  	s14 =	sadd.s32 $0x640, s12;
	v1 =	vadd.s32 s28, v0;
	[tilespmem:s0+$0x30] =	vst v2  }
0x53: {  	s16 =	sadd.s32 $0x960, s12;
	v2 =	vadd.s32 s14, v0;
	[tilespmem:s0+$0xFFFFFFD0] =	vst v1  }
0x54: {  	s30 =	sadd.s32 $0xC80, s12;
	v1 =	vadd.s32 s16, v0;
	[tilespmem:s0+$0xFFFFFFE0] =	vst v2  }
0x55: {  	s14 =	sadd.s32 $0xFA0, s12;
	v2 =	vadd.s32 s30, v0;
	[tilespmem:s0+$0xFFFFFFF0] =	vst v1  }
0x56: {  	s16 =	sadd.s32 $0x12C0, s12;
	v1 =	vadd.s32 s14, v0;
	[tilespmem:s0+$0x0] =	vst v2  }
0x57: {  	v2 =	vadd.s32 s16, v0;
	[tilespmem:s0+$0x10] =	vst v1  }
0x58: {  	v1 =	vadd.s32 s12, v0;
	[tilespmem:s0+$0x20] =	vst v2  }
0x59: {  	s29 =	simm.s32 $0x0;
	[tilespmem:s0+$0xFFFFFFC0] =	vst v1  }
0x5a: {  	[tilespmem:s15], [sflag:$0x1] =	stream.indirect.gather [hbm4b:s5+s11], $0x40, s29, s11, $0xb8;
	[tilespmem:$0x18B00] =	vst v63  }
0x5b: {  	s30 =	simm.s32 $0x6B00  }
0x5c: {  	[tilespmem:s30], [sflag:$0x2] =	stream.indirect.gather [hbm4b:s5+s11], $0x40, s11, s11, $0xb8;
	[tilespmem:$0x18B00] =	vst v63  }
0x5d: {  	s12 =	simm.s32 $0x100  }
0x5e: {  	[tilespmem:s18], [sflag:$0x3] =	stream.indirect.gather [hbm4b:s5+s11], $0x40, s12, s11, $0xb8;
	[tilespmem:$0x18B00] =	vst v63  }
0x5f: {  	s13 =	simm.s32 $0x180;
	s14 =	simm.s32 $0xAB00  }
0x60: {  	[tilespmem:s14], [sflag:$0x4] =	stream.indirect.gather [hbm4b:s5+s11], $0x40, s13, s11, $0xb8;
	[tilespmem:$0x18B00] =	vst v63  }
0x61: {  	s16 =	simm.s32 $0x200  }
0x62: {  	[tilespmem:s22], [sflag:$0x5] =	stream.indirect.gather [hbm4b:s5+s11], $0x40, s16, s11, $0xb8;
	[tilespmem:$0x18B00] =	vst v63  }
0x63: {  	s28 =	simm.s32 $0x280;
	s30 =	simm.s32 $0xEB00  }
0x64: {  	[tilespmem:s30], [sflag:$0x6] =	stream.indirect.gather [hbm4b:s5+s11], $0x40, s28, s11, $0xb8;
	[tilespmem:$0x18B00] =	vst v63  }
0x65: {  	s13 =	simm.s32 $0x300  }
0x66: {  	[tilespmem:s26], [sflag:$0x7] =	stream.indirect.gather [hbm4b:s5+s11], $0x40, s13, s11, $0xb8;
	[tilespmem:$0x18B00] =	vst v63  }
0x67: {  	s14 =	simm.s32 $0x380;
	s16 =	simm.s32 $0x12B00  }
0x68: {  	[tilespmem:s16], [sflag:$0x8] =	stream.indirect.gather [hbm4b:s5+s11], $0x40, s14, s11, $0xb8;
	[tilespmem:$0x18B00] =	vst v63  }
0x69: {  	s28 =	simm.s32 $0x400  }
0x6a: {  	[tilespmem:s31], [sflag:$0x9] =	stream.indirect.gather [hbm4b:s5+s11], $0x40, s28, s11, $0xb8;
	[tilespmem:$0x18B00] =	vst v63  }
0x6b: {  	s30 =	simm.s32 $0x480  }
0x6c: {  	[tilespmem:s3], [sflag:$0xA] =	stream.indirect.gather [hbm4b:s5+s11], $0x40, s30, s11, $0xb8;
	[tilespmem:$0x18B00] =	vst v63  }
.LBB2_4:
0x6d: {  	_ =	swait.ge [sflag:s4], $0x2000  }
0x6e: {  	s13 =	sshra.s32 s29, $0x2;
	[sflag:s4] =	ssyncset.done $0x0  }
0x6f: {  	p0 =	seq.s32 s29, $0x5000;
	s0 =	sadd.s32 $0x3200, s13;
	[sflag:s4] =	ssyncadd.s32 $0xFFFFE000  }
0x70: {  	[hbm4b:s1+s11] =	stream.indirect.scatter [tilespmem:s15], [sflag:$0xB], $0x40, s0, s11, $0xb8;
	[tilespmem:$0x18B00] =	vst v63  }
0x71: {  	s0 =	simm.s32 @p0 $0x2  }
0x72: {  	_ =	swait.ge @p0 [sflag:s0], $0x2000  }
0x73: {  	[sflag:s0] =	ssyncset.done @p0 $0x0  }
0x74: {  	[sflag:s0] =	ssyncadd.s32 @p0 $0xFFFFE000;
	s0 =	sshra.s32 @p0 s29, $0x2  }
0x75: {  	s12 =	simm.s32 @p0 $0x80;
	s30 =	simm.s32 @p0 $0x6B00;
	s28 =	sadd.s32 @p0 $0x3280, s0  }
0x76: {  	[hbm4b:s1+s12] =	stream.indirect.scatter @p0 [tilespmem:s30], [sflag:$0xC], $0x40, s28, s12, $0xb8;
	[tilespmem:$0x18B00] =	vst v63  }
0x77: {  	s28 =	simm.s32 @!p0 $0xB  }
0x78: {  	_ =	swait.ge @!p0 [sflag:s28], $0x2000  }
0x79: {  	[sflag:s28] =	ssyncset.done @!p0 $0x0  }
0x7a: {  	[sflag:s28] =	ssyncadd.s32 @!p0 $0xFFFFE000;
	s28 =	sshra.s32 @!p0 s29, $0x2  }
0x7b: {  	s16 =	simm.s32 @!p0 $0x4B00;
	s30 =	simm.s32 @!p0 $0x80;
	s14 =	sadd.s32 @!p0 $0x500, s28  }
0x7c: {  	[tilespmem:s16], [sflag:$0x1] =	stream.indirect.gather @!p0 [hbm4b:s5+s30], $0x40, s14, s30, $0xb8;
	[tilespmem:$0x18B00] =	vst v63  }
0x7d: {  	s14 =	simm.s32 @!p0 $0x2  }
0x7e: {  	_ =	swait.ge @!p0 [sflag:s14], $0x2000  }
0x7f: {  	[sflag:s14] =	ssyncset.done @!p0 $0x0  }
0x80: {  	s16 =	simm.s32 @!p0 $0x6B00;
	[sflag:s14] =	ssyncadd.s32 @!p0 $0xFFFFE000;
	s14 =	sadd.s32 @!p0 $0x3280, s28  }
0x81: {  	[hbm4b:s1+s30] =	stream.indirect.scatter @!p0 [tilespmem:s16], [sflag:$0xC], $0x40, s14, s30, $0xb8;
	[tilespmem:$0x18B00] =	vst v63  }
0x82: {  	s14 =	simm.s32 @!p0 $0xC  }
0x83: {  	_ =	swait.ge @!p0 [sflag:s14], $0x2000  }
0x84: {  	[sflag:s14] =	ssyncset.done @!p0 $0x0  }
0x85: {  	[sflag:s14] =	ssyncadd.s32 @!p0 $0xFFFFE000;
	s14 =	sadd.s32 @!p0 $0x580, s28  }
0x86: {  	[tilespmem:s16], [sflag:$0x2] =	stream.indirect.gather @!p0 [hbm4b:s5+s30], $0x40, s14, s30, $0xb8;
	[tilespmem:$0x18B00] =	vst v63  }
0x87: {  	_ =	swait.ge [sflag:s17], $0x2000  }
0x88: {  	[sflag:s17] =	ssyncset.done $0x0  }
0x89: {  	s16 =	sadd.s32 $0x3300, s13;
	s14 =	simm.s32 @p0 $0x4;
	[sflag:s17] =	ssyncadd.s32 $0xFFFFE000  }
0x8a: {  	[hbm4b:s1+s11] =	stream.indirect.scatter [tilespmem:s18], [sflag:$0xD], $0x40, s16, s11, $0xb8;
	[tilespmem:$0x18B00] =	vst v63  }
0x8b: {  	_ =	swait.ge @p0 [sflag:s14], $0x2000  }
0x8c: {  	[sflag:s14] =	ssyncset.done @p0 $0x0  }
0x8d: {  	s16 =	simm.s32 @p0 $0xAB00;
	[sflag:s14] =	ssyncadd.s32 @p0 $0xFFFFE000;
	s14 =	sadd.s32 @p0 $0x3380, s0  }
0x8e: {  	[hbm4b:s1+s12] =	stream.indirect.scatter @p0 [tilespmem:s16], [sflag:$0xE], $0x40, s14, s12, $0xb8;
	[tilespmem:$0x18B00] =	vst v63  }
0x8f: {  	s14 =	simm.s32 @!p0 $0xD  }
0x90: {  	_ =	swait.ge @!p0 [sflag:s14], $0x2000  }
0x91: {  	[sflag:s14] =	ssyncset.done @!p0 $0x0  }
0x92: {  	s16 =	simm.s32 @!p0 $0x8B00;
	[sflag:s14] =	ssyncadd.s32 @!p0 $0xFFFFE000;
	s14 =	sadd.s32 @!p0 $0x600, s28  }
0x93: {  	[tilespmem:s16], [sflag:$0x3] =	stream.indirect.gather @!p0 [hbm4b:s5+s30], $0x40, s14, s30, $0xb8;
	[tilespmem:$0x18B00] =	vst v63  }
0x94: {  	s14 =	simm.s32 @!p0 $0x4  }
0x95: {  	_ =	swait.ge @!p0 [sflag:s14], $0x2000  }
0x96: {  	[sflag:s14] =	ssyncset.done @!p0 $0x0  }
0x97: {  	s16 =	simm.s32 @!p0 $0xAB00;
	[sflag:s14] =	ssyncadd.s32 @!p0 $0xFFFFE000;
	s14 =	sadd.s32 @!p0 $0x3380, s28  }
0x98: {  	[hbm4b:s1+s30] =	stream.indirect.scatter @!p0 [tilespmem:s16], [sflag:$0xE], $0x40, s14, s30, $0xb8;
	[tilespmem:$0x18B00] =	vst v63  }
0x99: {  	s14 =	simm.s32 @!p0 $0xE  }
0x9a: {  	_ =	swait.ge @!p0 [sflag:s14], $0x2000  }
0x9b: {  	[sflag:s14] =	ssyncset.done @!p0 $0x0  }
0x9c: {  	[sflag:s14] =	ssyncadd.s32 @!p0 $0xFFFFE000;
	s14 =	sadd.s32 @!p0 $0x680, s28  }
0x9d: {  	[tilespmem:s16], [sflag:$0x4] =	stream.indirect.gather @!p0 [hbm4b:s5+s30], $0x40, s14, s30, $0xb8;
	[tilespmem:$0x18B00] =	vst v63  }
0x9e: {  	_ =	swait.ge [sflag:s19], $0x2000  }
0x9f: {  	[sflag:s19] =	ssyncset.done $0x0  }
0xa0: {  	s16 =	sadd.s32 $0x3400, s13;
	s14 =	simm.s32 @p0 $0x6;
	[sflag:s19] =	ssyncadd.s32 $0xFFFFE000  }
0xa1: {  	[hbm4b:s1+s11] =	stream.indirect.scatter [tilespmem:s22], [sflag:$0xF], $0x40, s16, s11, $0xb8;
	[tilespmem:$0x18B00] =	vst v63  }
0xa2: {  	_ =	swait.ge @p0 [sflag:s14], $0x2000  }
0xa3: {  	[sflag:s14] =	ssyncset.done @p0 $0x0  }
0xa4: {  	s16 =	simm.s32 @p0 $0xEB00;
	[sflag:s14] =	ssyncadd.s32 @p0 $0xFFFFE000;
	s14 =	sadd.s32 @p0 $0x3480, s0  }
0xa5: {  	[hbm4b:s1+s12] =	stream.indirect.scatter @p0 [tilespmem:s16], [sflag:$0x10], $0x40, s14, s12, $0xb8;
	[tilespmem:$0x18B00] =	vst v63  }
0xa6: {  	s14 =	simm.s32 @!p0 $0xF  }
0xa7: {  	_ =	swait.ge @!p0 [sflag:s14], $0x2000  }
0xa8: {  	[sflag:s14] =	ssyncset.done @!p0 $0x0  }
0xa9: {  	s16 =	simm.s32 @!p0 $0xCB00;
	[sflag:s14] =	ssyncadd.s32 @!p0 $0xFFFFE000;
	s14 =	sadd.s32 @!p0 $0x700, s28  }
0xaa: {  	[tilespmem:s16], [sflag:$0x5] =	stream.indirect.gather @!p0 [hbm4b:s5+s30], $0x40, s14, s30, $0xb8;
	[tilespmem:$0x18B00] =	vst v63  }
0xab: {  	s14 =	simm.s32 @!p0 $0x6  }
0xac: {  	_ =	swait.ge @!p0 [sflag:s14], $0x2000  }
0xad: {  	[sflag:s14] =	ssyncset.done @!p0 $0x0  }
0xae: {  	s16 =	simm.s32 @!p0 $0xEB00;
	[sflag:s14] =	ssyncadd.s32 @!p0 $0xFFFFE000;
	s14 =	sadd.s32 @!p0 $0x3480, s28  }
0xaf: {  	[hbm4b:s1+s30] =	stream.indirect.scatter @!p0 [tilespmem:s16], [sflag:$0x10], $0x40, s14, s30, $0xb8;
	[tilespmem:$0x18B00] =	vst v63  }
0xb0: {  	s14 =	simm.s32 @!p0 $0x10  }
0xb1: {  	_ =	swait.ge @!p0 [sflag:s14], $0x2000  }
0xb2: {  	[sflag:s14] =	ssyncset.done @!p0 $0x0  }
0xb3: {  	[sflag:s14] =	ssyncadd.s32 @!p0 $0xFFFFE000;
	s14 =	sadd.s32 @!p0 $0x780, s28  }
0xb4: {  	[tilespmem:s16], [sflag:$0x6] =	stream.indirect.gather @!p0 [hbm4b:s5+s30], $0x40, s14, s30, $0xb8;
	[tilespmem:$0x18B00] =	vst v63  }
0xb5: {  	_ =	swait.ge [sflag:s21], $0x2000  }
0xb6: {  	[sflag:s21] =	ssyncset.done $0x0  }
0xb7: {  	s16 =	sadd.s32 $0x3500, s13;
	s14 =	simm.s32 @p0 $0x8;
	[sflag:s21] =	ssyncadd.s32 $0xFFFFE000  }
0xb8: {  	[hbm4b:s1+s11] =	stream.indirect.scatter [tilespmem:s26], [sflag:$0x11], $0x40, s16, s11, $0xb8;
	[tilespmem:$0x18B00] =	vst v63  }
0xb9: {  	_ =	swait.ge @p0 [sflag:s14], $0x2000  }
0xba: {  	[sflag:s14] =	ssyncset.done @p0 $0x0  }
0xbb: {  	s0 =	sadd.s32 @p0 $0x3580, s0;
	[sflag:s14] =	ssyncadd.s32 @p0 $0xFFFFE000;
	s14 =	simm.s32 @p0 $0x12B00  }
0xbc: {  	[hbm4b:s1+s12] =	stream.indirect.scatter @p0 [tilespmem:s14], [sflag:$0x12], $0x40, s0, s12, $0xb8;
	[tilespmem:$0x18B00] =	vst v63  }
0xbd: {  	s0 =	simm.s32 @!p0 $0x11  }
0xbe: {  	_ =	swait.ge @!p0 [sflag:s0], $0x2000  }
0xbf: {  	[sflag:s0] =	ssyncset.done @!p0 $0x0  }
0xc0: {  	s12 =	simm.s32 @!p0 $0x10B00;
	[sflag:s0] =	ssyncadd.s32 @!p0 $0xFFFFE000;
	s0 =	sadd.s32 @!p0 $0x800, s28  }
0xc1: {  	[tilespmem:s12], [sflag:$0x7] =	stream.indirect.gather @!p0 [hbm4b:s5+s30], $0x40, s0, s30, $0xb8;
	[tilespmem:$0x18B00] =	vst v63  }
0xc2: {  	s0 =	simm.s32 @!p0 $0x8  }
0xc3: {  	_ =	swait.ge @!p0 [sflag:s0], $0x2000  }
0xc4: {  	[sflag:s0] =	ssyncset.done @!p0 $0x0  }
0xc5: {  	s12 =	simm.s32 @!p0 $0x12B00;
	[sflag:s0] =	ssyncadd.s32 @!p0 $0xFFFFE000;
	s0 =	sadd.s32 @!p0 $0x3580, s28  }
0xc6: {  	[hbm4b:s1+s30] =	stream.indirect.scatter @!p0 [tilespmem:s12], [sflag:$0x12], $0x40, s0, s30, $0xb8;
	[tilespmem:$0x18B00] =	vst v63  }
0xc7: {  	s0 =	simm.s32 @!p0 $0x12  }
0xc8: {  	_ =	swait.ge @!p0 [sflag:s0], $0x2000  }
0xc9: {  	[sflag:s0] =	ssyncset.done @!p0 $0x0  }
0xca: {  	[sflag:s0] =	ssyncadd.s32 @!p0 $0xFFFFE000;
	s0 =	sadd.s32 @!p0 $0x880, s28  }
0xcb: {  	[tilespmem:s12], [sflag:$0x8] =	stream.indirect.gather @!p0 [hbm4b:s5+s30], $0x40, s0, s30, $0xb8;
	[tilespmem:$0x18B00] =	vst v63  }
.Ltmp3:
0xcc: {  	_ = 	snop;
	(pc) =	sbr.rel @p0 .LBB2_6-.Ltmp3, $4  }
0xcd: {  	_ =	swait.ge [sflag:s23], $0x2000  }
0xce: {  	[sflag:s23] =	ssyncset.done $0x0  }
0xcf: {  	s30 =	sadd.s32 $0x3600, s13;
	s0 =	sadd.s32 $0x3680, s13;
	[sflag:s23] =	ssyncadd.s32 $0xFFFFE000  }
0xd0: {  	[hbm4b:s1+s11] =	stream.indirect.scatter [tilespmem:s31], [sflag:$0x13], $0x40, s30, s11, $0xb8;
	[tilespmem:$0x18B00] =	vst v63  }
0xd1: {  	_ =	swait.ge [sflag:s9], $0x2000  }
0xd2: {  	[sflag:s9] =	ssyncset.done $0x0  }
0xd3: {  	s12 =	sadd.s32 $0x900, s13;
	[sflag:s9] =	ssyncadd.s32 $0xFFFFE000  }
0xd4: {  	[tilespmem:s31], [sflag:$0x9] =	stream.indirect.gather [hbm4b:s5+s11], $0x40, s12, s11, $0xb8;
	[tilespmem:$0x18B00] =	vst v63  }
0xd5: {  	_ =	swait.ge [sflag:s25], $0x2000  }
0xd6: {  	[sflag:s25] =	ssyncset.done $0x0  }
0xd7: {  	[sflag:s25] =	ssyncadd.s32 $0xFFFFE000  }
0xd8: {  	[hbm4b:s1+s11] =	stream.indirect.scatter [tilespmem:s3], [sflag:$0x14], $0x40, s0, s11, $0xb8;
	[tilespmem:$0x18B00] =	vst v63  }
.Ltmp4:
0xd9: {  	_ = 	snop;
	(pc) =	sbr.rel .LBB2_4-.Ltmp4, $4  }
0xda: {  	_ =	swait.ge [sflag:s20], $0x2000  }
0xdb: {  	[sflag:s20] =	ssyncset.done $0x0  }
0xdc: {  	s30 =	sadd.s32 $0x980, s13;
	s29 =	sadd.s32 $0x1400, s29;
	[sflag:s20] =	ssyncadd.s32 $0xFFFFE000  }
0xdd: {  	[tilespmem:s3], [sflag:$0xA] =	stream.indirect.gather [hbm4b:s5+s11], $0x40, s30, s11, $0xb8;
	[tilespmem:$0x18B00] =	vst v63  }
.LBB2_6:
0xde: {  	_ =	swait.ge [sflag:s25], $0x2000  }
0xdf: {  	[sflag:s25] =	ssyncset.done $0x0  }
0xe0: {  	s14 =	simm.s32 $0xB;
	[sflag:s25] =	ssyncadd.s32 $0xFFFFE000  }
0xe1: {  	[hbm4b:s1+s11] =	stream.indirect.scatter [tilespmem:s3], [sflag:$0x14], $0x40, s0, s11, $0xb8;
	[tilespmem:$0x18B00] =	vst v63  }
0xe2: {  	_ =	swait.ge [sflag:s14], $0x2000  }
0xe3: {  	[sflag:s14] =	ssyncset.done $0x0  }
0xe4: {  	s16 =	simm.s32 $0x1900;
	s28 =	simm.s32 $0xC;
	[sflag:s14] =	ssyncadd.s32 $0xFFFFE000  }
0xe5: {  	[tilespmem:s15], [sflag:$0x1] =	stream.indirect.gather [hbm4b:s6+s11], $0x40, s16, s11, $0xb8;
	[tilespmem:$0x18B00] =	vst v63  }
0xe6: {  	_ =	swait.ge [sflag:s28], $0x2000  }
0xe7: {  	s30 =	simm.s32 $0x6B00;
	[sflag:s28] =	ssyncset.done $0x0  }
0xe8: {  	s12 =	simm.s32 $0x1980;
	s13 =	simm.s32 $0xD;
	[sflag:s28] =	ssyncadd.s32 $0xFFFFE000  }
0xe9: {  	[tilespmem:s30], [sflag:$0x2] =	stream.indirect.gather [hbm4b:s6+s11], $0x40, s12, s11, $0xb8;
	[tilespmem:$0x18B00] =	vst v63  }
0xea: {  	_ =	swait.ge [sflag:s13], $0x2000  }
0xeb: {  	[sflag:s13] =	ssyncset.done $0x0  }
0xec: {  	s14 =	simm.s32 $0x1A00;
	s16 =	simm.s32 $0xE;
	[sflag:s13] =	ssyncadd.s32 $0xFFFFE000  }
0xed: {  	[tilespmem:s18], [sflag:$0x3] =	stream.indirect.gather [hbm4b:s6+s11], $0x40, s14, s11, $0xb8;
	[tilespmem:$0x18B00] =	vst v63  }
0xee: {  	_ =	swait.ge [sflag:s16], $0x2000  }
0xef: {  	s28 =	simm.s32 $0xAB00;
	[sflag:s16] =	ssyncset.done $0x0  }
0xf0: {  	s30 =	simm.s32 $0x1A80;
	s13 =	simm.s32 $0xF;
	[sflag:s16] =	ssyncadd.s32 $0xFFFFE000  }
0xf1: {  	[tilespmem:s28], [sflag:$0x4] =	stream.indirect.gather [hbm4b:s6+s11], $0x40, s30, s11, $0xb8;
	[tilespmem:$0x18B00] =	vst v63  }
0xf2: {  	_ =	swait.ge [sflag:s13], $0x2000  }
0xf3: {  	[sflag:s13] =	ssyncset.done $0x0  }
0xf4: {  	s14 =	simm.s32 $0x1B00;
	s16 =	simm.s32 $0x10;
	[sflag:s13] =	ssyncadd.s32 $0xFFFFE000  }
0xf5: {  	[tilespmem:s22], [sflag:$0x5] =	stream.indirect.gather [hbm4b:s6+s11], $0x40, s14, s11, $0xb8;
	[tilespmem:$0x18B00] =	vst v63  }
0xf6: {  	_ =	swait.ge [sflag:s16], $0x2000  }
0xf7: {  	[sflag:s16] =	ssyncset.done $0x0  }
0xf8: {  	s28 =	simm.s32 $0xEB00;
	s30 =	simm.s32 $0x1B80;
	[sflag:s16] =	ssyncadd.s32 $0xFFFFE000  }
0xf9: {  	[tilespmem:s28], [sflag:$0x6] =	stream.indirect.gather [hbm4b:s6+s11], $0x40, s30, s11, $0xb8;
	[tilespmem:$0x18B00] =	vst v63  }
0xfa: {  	_ =	swait.ge [sflag:s7], $0x2000  }
0xfb: {  	[sflag:s7] =	ssyncset.done $0x0  }
0xfc: {  	s13 =	simm.s32 $0x1C00;
	[sflag:s7] =	ssyncadd.s32 $0xFFFFE000  }
0xfd: {  	[tilespmem:s26], [sflag:$0x7] =	stream.indirect.gather [hbm4b:s6+s11], $0x40, s13, s11, $0xb8;
	[tilespmem:$0x18B00] =	vst v63  }
0xfe: {  	_ =	swait.ge [sflag:s8], $0x2000  }
0xff: {  	[sflag:s8] =	ssyncset.done $0x0  }
0x100: {  	s14 =	simm.s32 $0x12B00;
	s16 =	simm.s32 $0x1C80;
	[sflag:s8] =	ssyncadd.s32 $0xFFFFE000  }
0x101: {  	[tilespmem:s14], [sflag:$0x8] =	stream.indirect.gather [hbm4b:s6+s11], $0x40, s16, s11, $0xb8;
	[tilespmem:$0x18B00] =	vst v63  }
0x102: {  	_ =	swait.ge [sflag:s9], $0x2000  }
0x103: {  	[sflag:s9] =	ssyncset.done $0x0  }
0x104: {  	s28 =	simm.s32 $0x1D00;
	[sflag:s9] =	ssyncadd.s32 $0xFFFFE000  }
0x105: {  	[tilespmem:s31], [sflag:$0x9] =	stream.indirect.gather [hbm4b:s6+s11], $0x40, s28, s11, $0xb8;
	[tilespmem:$0x18B00] =	vst v63  }
0x106: {  	_ =	swait.ge [sflag:s20], $0x2000  }
0x107: {  	[sflag:s20] =	ssyncset.done $0x0  }
0x108: {  	s29 =	simm.s32 $0x0;
	s30 =	simm.s32 $0x1D80;
	[sflag:s20] =	ssyncadd.s32 $0xFFFFE000  }
0x109: {  	[tilespmem:s3], [sflag:$0xA] =	stream.indirect.gather [hbm4b:s6+s11], $0x40, s30, s11, $0xb8;
	[tilespmem:$0x18B00] =	vst v63  }
.LBB2_7:
0x10a: {  	_ =	swait.ge [sflag:s4], $0x2000  }
0x10b: {  	s13 =	sshra.s32 s29, $0x2;
	[sflag:s4] =	ssyncset.done $0x0  }
0x10c: {  	p0 =	seq.s32 s29, $0x5000;
	s0 =	sadd.s32 $0x3200, s13;
	[sflag:s4] =	ssyncadd.s32 $0xFFFFE000  }
0x10d: {  	[hbm4b:s2+s11] =	stream.indirect.scatter [tilespmem:s15], [sflag:$0xB], $0x40, s0, s11, $0xb8;
	[tilespmem:$0x18B00] =	vst v63  }
0x10e: {  	s0 =	simm.s32 @p0 $0x2  }
0x10f: {  	_ =	swait.ge @p0 [sflag:s0], $0x2000  }
0x110: {  	[sflag:s0] =	ssyncset.done @p0 $0x0  }
0x111: {  	[sflag:s0] =	ssyncadd.s32 @p0 $0xFFFFE000;
	s0 =	sshra.s32 @p0 s29, $0x2  }
0x112: {  	s12 =	simm.s32 @p0 $0x80;
	s16 =	simm.s32 @p0 $0x6B00;
	s14 =	sadd.s32 @p0 $0x3280, s0  }
0x113: {  	[hbm4b:s2+s12] =	stream.indirect.scatter @p0 [tilespmem:s16], [sflag:$0xC], $0x40, s14, s12, $0xb8;
	[tilespmem:$0x18B00] =	vst v63  }
0x114: {  	s14 =	simm.s32 @!p0 $0xB  }
0x115: {  	_ =	swait.ge @!p0 [sflag:s14], $0x2000  }
0x116: {  	s28 =	sshra.s32 @!p0 s29, $0x2;
	s30 =	simm.s32 @!p0 $0x80;
	[sflag:s14] =	ssyncset.done @!p0 $0x0  }
0x117: {  	s16 =	simm.s32 @!p0 $0x4B00;
	[sflag:s14] =	ssyncadd.s32 @!p0 $0xFFFFE000;
	s14 =	sadd.s32 @!p0 $0x1E00, s28  }
0x118: {  	[tilespmem:s16], [sflag:$0x1] =	stream.indirect.gather @!p0 [hbm4b:s6+s30], $0x40, s14, s30, $0xb8;
	[tilespmem:$0x18B00] =	vst v63  }
0x119: {  	s14 =	simm.s32 @!p0 $0x2  }
0x11a: {  	_ =	swait.ge @!p0 [sflag:s14], $0x2000  }
0x11b: {  	[sflag:s14] =	ssyncset.done @!p0 $0x0  }
0x11c: {  	s16 =	simm.s32 @!p0 $0x6B00;
	[sflag:s14] =	ssyncadd.s32 @!p0 $0xFFFFE000;
	s14 =	sadd.s32 @!p0 $0x3280, s28  }
0x11d: {  	[hbm4b:s2+s30] =	stream.indirect.scatter @!p0 [tilespmem:s16], [sflag:$0xC], $0x40, s14, s30, $0xb8;
	[tilespmem:$0x18B00] =	vst v63  }
0x11e: {  	s14 =	simm.s32 @!p0 $0xC  }
0x11f: {  	_ =	swait.ge @!p0 [sflag:s14], $0x2000  }
0x120: {  	[sflag:s14] =	ssyncset.done @!p0 $0x0  }
0x121: {  	[sflag:s14] =	ssyncadd.s32 @!p0 $0xFFFFE000;
	s14 =	sadd.s32 @!p0 $0x1E80, s28  }
0x122: {  	[tilespmem:s16], [sflag:$0x2] =	stream.indirect.gather @!p0 [hbm4b:s6+s30], $0x40, s14, s30, $0xb8;
	[tilespmem:$0x18B00] =	vst v63  }
0x123: {  	_ =	swait.ge [sflag:s17], $0x2000  }
0x124: {  	[sflag:s17] =	ssyncset.done $0x0  }
0x125: {  	s16 =	sadd.s32 $0x3300, s13;
	s14 =	simm.s32 @p0 $0x4;
	[sflag:s17] =	ssyncadd.s32 $0xFFFFE000  }
0x126: {  	[hbm4b:s2+s11] =	stream.indirect.scatter [tilespmem:s18], [sflag:$0xD], $0x40, s16, s11, $0xb8;
	[tilespmem:$0x18B00] =	vst v63  }
0x127: {  	_ =	swait.ge @p0 [sflag:s14], $0x2000  }
0x128: {  	[sflag:s14] =	ssyncset.done @p0 $0x0  }
0x129: {  	s16 =	simm.s32 @p0 $0xAB00;
	[sflag:s14] =	ssyncadd.s32 @p0 $0xFFFFE000;
	s14 =	sadd.s32 @p0 $0x3380, s0  }
0x12a: {  	[hbm4b:s2+s12] =	stream.indirect.scatter @p0 [tilespmem:s16], [sflag:$0xE], $0x40, s14, s12, $0xb8;
	[tilespmem:$0x18B00] =	vst v63  }
0x12b: {  	s14 =	simm.s32 @!p0 $0xD  }
0x12c: {  	_ =	swait.ge @!p0 [sflag:s14], $0x2000  }
0x12d: {  	[sflag:s14] =	ssyncset.done @!p0 $0x0  }
0x12e: {  	s16 =	simm.s32 @!p0 $0x8B00;
	[sflag:s14] =	ssyncadd.s32 @!p0 $0xFFFFE000;
	s14 =	sadd.s32 @!p0 $0x1F00, s28  }
0x12f: {  	[tilespmem:s16], [sflag:$0x3] =	stream.indirect.gather @!p0 [hbm4b:s6+s30], $0x40, s14, s30, $0xb8;
	[tilespmem:$0x18B00] =	vst v63  }
0x130: {  	s14 =	simm.s32 @!p0 $0x4  }
0x131: {  	_ =	swait.ge @!p0 [sflag:s14], $0x2000  }
0x132: {  	[sflag:s14] =	ssyncset.done @!p0 $0x0  }
0x133: {  	s16 =	simm.s32 @!p0 $0xAB00;
	[sflag:s14] =	ssyncadd.s32 @!p0 $0xFFFFE000;
	s14 =	sadd.s32 @!p0 $0x3380, s28  }
0x134: {  	[hbm4b:s2+s30] =	stream.indirect.scatter @!p0 [tilespmem:s16], [sflag:$0xE], $0x40, s14, s30, $0xb8;
	[tilespmem:$0x18B00] =	vst v63  }
0x135: {  	s14 =	simm.s32 @!p0 $0xE  }
0x136: {  	_ =	swait.ge @!p0 [sflag:s14], $0x2000  }
0x137: {  	[sflag:s14] =	ssyncset.done @!p0 $0x0  }
0x138: {  	[sflag:s14] =	ssyncadd.s32 @!p0 $0xFFFFE000;
	s14 =	sadd.s32 @!p0 $0x1F80, s28  }
0x139: {  	[tilespmem:s16], [sflag:$0x4] =	stream.indirect.gather @!p0 [hbm4b:s6+s30], $0x40, s14, s30, $0xb8;
	[tilespmem:$0x18B00] =	vst v63  }
0x13a: {  	_ =	swait.ge [sflag:s19], $0x2000  }
0x13b: {  	[sflag:s19] =	ssyncset.done $0x0  }
0x13c: {  	s16 =	sadd.s32 $0x3400, s13;
	s14 =	simm.s32 @p0 $0x6;
	[sflag:s19] =	ssyncadd.s32 $0xFFFFE000  }
0x13d: {  	[hbm4b:s2+s11] =	stream.indirect.scatter [tilespmem:s22], [sflag:$0xF], $0x40, s16, s11, $0xb8;
	[tilespmem:$0x18B00] =	vst v63  }
0x13e: {  	_ =	swait.ge @p0 [sflag:s14], $0x2000  }
0x13f: {  	[sflag:s14] =	ssyncset.done @p0 $0x0  }
0x140: {  	s16 =	simm.s32 @p0 $0xEB00;
	[sflag:s14] =	ssyncadd.s32 @p0 $0xFFFFE000;
	s14 =	sadd.s32 @p0 $0x3480, s0  }
0x141: {  	[hbm4b:s2+s12] =	stream.indirect.scatter @p0 [tilespmem:s16], [sflag:$0x10], $0x40, s14, s12, $0xb8;
	[tilespmem:$0x18B00] =	vst v63  }
0x142: {  	s14 =	simm.s32 @!p0 $0xF  }
0x143: {  	_ =	swait.ge @!p0 [sflag:s14], $0x2000  }
0x144: {  	[sflag:s14] =	ssyncset.done @!p0 $0x0  }
0x145: {  	s16 =	simm.s32 @!p0 $0xCB00;
	[sflag:s14] =	ssyncadd.s32 @!p0 $0xFFFFE000;
	s14 =	sadd.s32 @!p0 $0x2000, s28  }
0x146: {  	[tilespmem:s16], [sflag:$0x5] =	stream.indirect.gather @!p0 [hbm4b:s6+s30], $0x40, s14, s30, $0xb8;
	[tilespmem:$0x18B00] =	vst v63  }
0x147: {  	s14 =	simm.s32 @!p0 $0x6  }
0x148: {  	_ =	swait.ge @!p0 [sflag:s14], $0x2000  }
0x149: {  	[sflag:s14] =	ssyncset.done @!p0 $0x0  }
0x14a: {  	s16 =	simm.s32 @!p0 $0xEB00;
	[sflag:s14] =	ssyncadd.s32 @!p0 $0xFFFFE000;
	s14 =	sadd.s32 @!p0 $0x3480, s28  }
0x14b: {  	[hbm4b:s2+s30] =	stream.indirect.scatter @!p0 [tilespmem:s16], [sflag:$0x10], $0x40, s14, s30, $0xb8;
	[tilespmem:$0x18B00] =	vst v63  }
0x14c: {  	s14 =	simm.s32 @!p0 $0x10  }
0x14d: {  	_ =	swait.ge @!p0 [sflag:s14], $0x2000  }
0x14e: {  	[sflag:s14] =	ssyncset.done @!p0 $0x0  }
0x14f: {  	[sflag:s14] =	ssyncadd.s32 @!p0 $0xFFFFE000;
	s14 =	sadd.s32 @!p0 $0x2080, s28  }
0x150: {  	[tilespmem:s16], [sflag:$0x6] =	stream.indirect.gather @!p0 [hbm4b:s6+s30], $0x40, s14, s30, $0xb8;
	[tilespmem:$0x18B00] =	vst v63  }
0x151: {  	_ =	swait.ge [sflag:s21], $0x2000  }
0x152: {  	[sflag:s21] =	ssyncset.done $0x0  }
0x153: {  	s16 =	sadd.s32 $0x3500, s13;
	s14 =	simm.s32 @p0 $0x8;
	[sflag:s21] =	ssyncadd.s32 $0xFFFFE000  }
0x154: {  	[hbm4b:s2+s11] =	stream.indirect.scatter [tilespmem:s26], [sflag:$0x11], $0x40, s16, s11, $0xb8;
	[tilespmem:$0x18B00] =	vst v63  }
0x155: {  	_ =	swait.ge @p0 [sflag:s14], $0x2000  }
0x156: {  	[sflag:s14] =	ssyncset.done @p0 $0x0  }
0x157: {  	s0 =	sadd.s32 @p0 $0x3580, s0;
	[sflag:s14] =	ssyncadd.s32 @p0 $0xFFFFE000;
	s14 =	simm.s32 @p0 $0x12B00  }
0x158: {  	[hbm4b:s2+s12] =	stream.indirect.scatter @p0 [tilespmem:s14], [sflag:$0x12], $0x40, s0, s12, $0xb8;
	[tilespmem:$0x18B00] =	vst v63  }
0x159: {  	s0 =	simm.s32 @!p0 $0x11  }
0x15a: {  	_ =	swait.ge @!p0 [sflag:s0], $0x2000  }
0x15b: {  	[sflag:s0] =	ssyncset.done @!p0 $0x0  }
0x15c: {  	s12 =	simm.s32 @!p0 $0x10B00;
	[sflag:s0] =	ssyncadd.s32 @!p0 $0xFFFFE000;
	s0 =	sadd.s32 @!p0 $0x2100, s28  }
0x15d: {  	[tilespmem:s12], [sflag:$0x7] =	stream.indirect.gather @!p0 [hbm4b:s6+s30], $0x40, s0, s30, $0xb8;
	[tilespmem:$0x18B00] =	vst v63  }
0x15e: {  	s0 =	simm.s32 @!p0 $0x8  }
0x15f: {  	_ =	swait.ge @!p0 [sflag:s0], $0x2000  }
0x160: {  	[sflag:s0] =	ssyncset.done @!p0 $0x0  }
0x161: {  	s12 =	simm.s32 @!p0 $0x12B00;
	[sflag:s0] =	ssyncadd.s32 @!p0 $0xFFFFE000;
	s0 =	sadd.s32 @!p0 $0x3580, s28  }
0x162: {  	[hbm4b:s2+s30] =	stream.indirect.scatter @!p0 [tilespmem:s12], [sflag:$0x12], $0x40, s0, s30, $0xb8;
	[tilespmem:$0x18B00] =	vst v63  }
0x163: {  	s0 =	simm.s32 @!p0 $0x12  }
0x164: {  	_ =	swait.ge @!p0 [sflag:s0], $0x2000  }
0x165: {  	[sflag:s0] =	ssyncset.done @!p0 $0x0  }
0x166: {  	[sflag:s0] =	ssyncadd.s32 @!p0 $0xFFFFE000;
	s0 =	sadd.s32 @!p0 $0x2180, s28  }
0x167: {  	[tilespmem:s12], [sflag:$0x8] =	stream.indirect.gather @!p0 [hbm4b:s6+s30], $0x40, s0, s30, $0xb8;
	[tilespmem:$0x18B00] =	vst v63  }
.Ltmp5:
0x168: {  	_ = 	snop;
	(pc) =	sbr.rel @p0 .LBB2_9-.Ltmp5, $4  }
0x169: {  	_ =	swait.ge [sflag:s23], $0x2000  }
0x16a: {  	[sflag:s23] =	ssyncset.done $0x0  }
0x16b: {  	s30 =	sadd.s32 $0x3600, s13;
	s0 =	sadd.s32 $0x3680, s13;
	[sflag:s23] =	ssyncadd.s32 $0xFFFFE000  }
0x16c: {  	[hbm4b:s2+s11] =	stream.indirect.scatter [tilespmem:s31], [sflag:$0x13], $0x40, s30, s11, $0xb8;
	[tilespmem:$0x18B00] =	vst v63  }
0x16d: {  	_ =	swait.ge [sflag:s9], $0x2000  }
0x16e: {  	[sflag:s9] =	ssyncset.done $0x0  }
0x16f: {  	s12 =	sadd.s32 $0x2200, s13;
	[sflag:s9] =	ssyncadd.s32 $0xFFFFE000  }
0x170: {  	[tilespmem:s31], [sflag:$0x9] =	stream.indirect.gather [hbm4b:s6+s11], $0x40, s12, s11, $0xb8;
	[tilespmem:$0x18B00] =	vst v63  }
0x171: {  	_ =	swait.ge [sflag:s25], $0x2000  }
0x172: {  	[sflag:s25] =	ssyncset.done $0x0  }
0x173: {  	[sflag:s25] =	ssyncadd.s32 $0xFFFFE000  }
0x174: {  	[hbm4b:s2+s11] =	stream.indirect.scatter [tilespmem:s3], [sflag:$0x14], $0x40, s0, s11, $0xb8;
	[tilespmem:$0x18B00] =	vst v63  }
.Ltmp6:
0x175: {  	_ = 	snop;
	(pc) =	sbr.rel .LBB2_7-.Ltmp6, $4  }
0x176: {  	_ =	swait.ge [sflag:s20], $0x2000  }
0x177: {  	[sflag:s20] =	ssyncset.done $0x0  }
0x178: {  	s30 =	sadd.s32 $0x2280, s13;
	s29 =	sadd.s32 $0x1400, s29;
	[sflag:s20] =	ssyncadd.s32 $0xFFFFE000  }
0x179: {  	[tilespmem:s3], [sflag:$0xA] =	stream.indirect.gather [hbm4b:s6+s11], $0x40, s30, s11, $0xb8;
	[tilespmem:$0x18B00] =	vst v63  }
.LBB2_10:
0x17a: {  	_ =	sfence.sel $0x180000  }
0x17b: {  	[bflag:$0x0] =	sbarrier.arrive $0xFFFF  }
0x17c: {  	_ =	strace $0x90000047  }
0x17d: {  	s0 =	stileid.u32;
	[bflag:$0x2] =	sbarrier.arrive $0xFFFF  }
0x17e: {  	p0 =	sne.s32 s0, $0x0;
	s0 =	rddreg [dreg:$0x3]  }
0x17f: {  	s0 =	sadd.s32 @!p0 $0x100000, s0  }
0x180: {  	[sflag:s0] =	ssyncadd.tile.s32 @!p0 $0x1;
	_ =	shalt  }
.Lfunc_end2:
_tile_overlayer_lowered:
.L_overlay_start_2:
0x181: {  	(tag) =	ssettag $0x2  }
0x182: {  	s0 =	rddreg [dreg:$0x0];
	s2 =	stileid.u32  }
0x183: {  	s1 =	rddreg [dreg:$0x1];
	p0 =	sne.s32 s2, $0x0  }
0x184: {  	s3 =	rddreg [dreg:$0x2];
	[bflag:$0x3] =	sbarrier.arrive $0xFFFF;
	s2 =	simm.s32 @!p0 $0x1C15  }
0x185: {  	[timem:s3], [sflag:s2] =	dma.local @!p0 [hbm:s0], s1  }
0x186: {  	s0 =	simm.s32 @!p0 $0x15  }
0x187: {  	_ =	swait.ge @!p0 [sflag:s0], s1  }
0x188: {  	s1 =	ssub.s32 @!p0 $0x0, s1;
	[sflag:s0] =	ssyncset.done @!p0 $0x0  }
0x189: {  	[sflag:s0] =	ssyncadd.s32 @!p0 s1  }
0x18a: {  	[bflag:$0x3] =	sbarrier.arrive $0xFFFF  }
0x18b: {  	_ =	shalt  }

// kernel: sparse-core-data-format-call.1.cloned.1.call-start
scs
called_computation.1_lowered:
.L_overlay_start_0:
0x0: {  	s2 =	sld [smem:$0x3FD9]  }
0x1: {  	s3 =	sld [smem:$0x3FFE];
	_ =	sdelay $0x1  }
0x2: {  	s1 =	srdreg.scid  }
0x3: {  	s0 =	sand.u32 $0x1, s1  }
0x4: {  	s15 =	sshll.u32 s0, $0xA;
	s2 =	sadd.s32 s3, s2  }
0x5: {  	s2 =	sadd.s32 s2, s15  }
0x6: {  	[smem:$0x3FC4] =	sst s2  }
0x7: {  	_ = 	snop  }
0x8: {  	s2 =	sld [smem:$0x3FD0];
	_ =	sdelay $0x2  }
0x9: {  	s16 =	simm.s32 $0xB;
	s4 =	simm.s32 $0x10  }
0xa: {  	[smem:s4], [sflag:s16] =	dma.local [hbm:s2], $0x1  }
0xb: {  	_ =	swait.eq [sflag:s16], $0x1  }
0xc: {  	[sflag:s16] =	ssyncset.done $0x0  }
0xd: {  	[sflag:s16] =	ssyncadd.s32 $0xFFFFFFFF  }
0xe: {  	s17 =	sld [smem:$0x10];
	(tm) =	ssettm $0x1  }
0xf: {  	s18 =	sld [smem:$0x3FFB];
	_ =	sdelay $0x3  }
0x10: {  	_ =	strace s18  }
0x11: {  	s3 =	sld [smem:$0x3FFC];
	_ =	sdelay $0x3  }
0x12: {  	_ =	strace s3  }
0x13: {  	s3 =	sld [smem:$0x3FFD];
	_ =	sdelay $0x3  }
0x14: {  	_ =	strace s3  }
0x15: {  	_ =	strace $0x8FFFFFFF  }
0x16: {  	s19 =	sld [smem:$0x3FDB];
	_ =	sdelay $0x1  }
0x17: {  	s20 =	simm.s32 $_scs_section_size  }
0x18: {  	s5 =	simm.s32 $_size__tile_overlayer_lowered;
	s6 =	simm.s32 $_tile_overlayer_lowered  }
0x19: {  	s23 =	simm.s32 $0x1BFF;
	s22 =	sshll.u32 s6, $0x1;
	s3 =	sadd.s32 s20, s19  }
0x1a: {  	s7 =	simm.s32 $0x0;
	s21 =	sshll.u32 s5, $0x1;
	s5 =	sadd.s32 s22, s3  }
0x1b: {  	[timem:s7], [sflag:s23] =	dma.local [hbm:s5], s21  }
0x1c: {  	_ =	swait.ge [sflag:s23], s21  }
0x1d: {  	s4 =	ssub.s32 $0x0, s21;
	[sflag:s23] =	ssyncset.done $0x0  }
0x1e: {  	[sflag:s23] =	ssyncadd.s32 s4;
	_ =	sdelay $0x1  }
0x1f: {  	s24 =	simm.s32 $0x1B8B  }
0x20: {  	_ =	swait.ge [sflag:s24], $0x1  }
0x21: {  	[sflag:s24] =	ssyncset.done $0x0  }
0x22: {  	s26 =	simm.s32 $0x1B8E;
	s25 =	sld [smem:$0x3FFE];
	[sflag:s24] =	ssyncadd.s32 $0xFFFFFFFF  }
0x23: {  	s27 =	simm.s32 $execute0_lowered;
	[smem:$0x3FD2] =	sst s26  }
0x24: {  	s5 =	sshll.u32 s27, $0x1;
	_ =	strace $0x80000049;
	[dreg:$0x1] =	wrdreg $0xFFFFFFFF  }
0x25: {  	s28 =	simm.s32 $_size_execute0_lowered;
	s3 =	sadd.s32 s3, s5;
	[dreg:$0x0] =	wrdreg $0x0  }
0x26: {  	s5 =	sshll.u32 s28, $0x1;
	[dreg:$0x2] =	wrdreg s3  }
0x27: {  	[dreg:$0x3] =	wrdreg s5  }
0x28: {  	[dreg:$0x4] =	wrdreg $0xC0  }
0x29: {  	_ =	task [dreg:s7], $0x5FFFF  }
0x2a: {  	[dreg:$0x1] =	wrdreg $0xFFFFFFFF  }
0x2b: {  	[dreg:$0x0] =	wrdreg $0x60  }
0x2c: {  	[dreg:$0x2] =	wrdreg s25  }
0x2d: {  	[dreg:$0x3] =	wrdreg s17  }
0x2e: {  	[dreg:$0x4] =	wrdreg $0xA  }
0x2f: {  	_ =	task.clear_ibuf [dreg:s7], $0x5FFFF;
	_ =	strace $0x90000049  }
0x30: {  	s29 =	simm.s32 $0xA;
	_ =	strace $0x8000004B  }
0x31: {  	_ =	swait.ge [sflag:s29], $0x1  }
0x32: {  	[sflag:s29] =	ssyncadd.s32 $0xFFFFFFFF  }
0x33: {  	_ =	strace $0x9000004B  }
0x34: {  	_ =	sfence  }
0x35: {  	s30 =	sld [smem:$0x0];
	_ =	sdelay $0x2  }
0x36: {  	s31 =	sshll.u32 s1, $0xD;
	s1 =	sshrl.u32 s1, $0x2  }
0x37: {  	s3 =	sand.u32 $0x4000, s31;
	s1 =	sadd.s32 s1, s30  }
0x38: {  	s0 =	sor.u32 s3, s0;
	s1 =	sshll.u32 s1, $0x11  }
0x39: {  	s0 =	sor.u32 s1, s0  }
0x3a: {  	s0 =	sadd.s32 $0x8F2B, s0  }
0x3b: {  	[sflag:s0] =	ssyncadd.remote.s32 $0x1  }
0x3c: {  	_ =	sfence.sel $0xFFFF  }
0x3d: {  	[dreg:$0x0] =	wrdreg $0xFFFFFFFF;
	(pc) =	sbr.abs _section_cstart, $3  }
0x3e: {  	[dreg:$0x1] =	wrdreg $0xFFFFFFFF  }
0x3f: {  	_ =	task.clear_ibuf [dreg:s7], $0x2FFFF;
	_ =	strace $0x9FFFFFFF  }
0x40: {  	(tm) =	ssettm $0x7FFFFFFF  }
0x41: {  	_ =	shalt  }
tec
execute0_lowered:
.L_overlay_start_1:
0x0: {  	(tag) =	ssettag $0x1  }
0x1: {  	s0 =	srdreg.scid  }
0x2: {  	s1 =	sshll.u32 s0, $0x4  }
0x3: {  	s0 =	stileid.u32;
	s1 =	sand.u32 $0x10, s1  }
0x4: {  	s1 =	sor.u32 s0, s1  }
0x5: {  	s6 =	rddreg [dreg:$0x0];
	s4 =	simm.s32 $0x1;
	s2 =	sshll.u32 s1, $0x7  }
0x6: {  	s7 =	simm.s32 $0x2;
	s12 =	simm.s32 $0x0;
	s1 =	ssub.s32 $0x1000, s2  }
0x7: {  	s8 =	simm.s32 $0x8000;
	s13 =	simm.s32 $0x0;
	s3 =	sand.u32 $0xF80, s1  }
0x8: {  	s9 =	simm.s32 $0x0;
	s5 =	sshrl.u32 s1, $0xC;
	p0 =	sne.s32 s3, $0x0  }
.Ltmp0:
0x9: {  	s1 =	rddreg [dreg:$0x2];
	s4 =	simm.s32 @!p0 $0x0;
	(pc) =	sbr.rel .LBB1_1-.Ltmp0, $4  }
0xa: {  	s11 =	simm.s32 $0x0;
	s3 =	rddreg [dreg:$0x1];
	s5 =	sadd.s32 s4, s5  }
0xb: {  	_ =	strace $0x8000004A;
	s4 =	simm.s32 $0x1;
	s5 =	smul.u32 $0x32, s5  }
0xc: {  	s6 =	sadd.s32 $0x1400, s6;
	s10 =	smov.u32 s2;
	[sflag:s4] =	ssyncpa.u1 $0x0  }
0xd: {  	p0 =	por $0x0, $0x0;
	[sflag:s7] =	ssyncpa.u1 $0x0;
	s7 =	sor.u32 $0x1, s5  }
.LBB1_4:
0xe: {  	s16 =	sshll.u32 s13, $0x3;
	s17 =	sand.u32 $0x78, s13  }
0xf: {  	s30 =	sand.u32 $0x7E00, s13;
	s12 =	sshll.u32 s12, $0xF;
	s16 =	sand.u32 $0xC00, s16  }
0x10: {  	[tilespmem:s15+$0x810 ss:$0x81] =	vst.msk $0xffff, v2;
	s31 =	sand.u32 $0x7, s13;
	s16 =	sor.u32 s17, s16;
	s17 =	sadd.s32 s3, s30  }
0x11: {  	[tilespmem:s15+$0x1020 ss:$0x81] =	vst.msk $0xffff, v0;
	s13 =	sshll.u32 s31, $0x12;
	s12 =	sadd.s32 s12, s17;
	s16 =	sshrl.u32 s16, $0x3  }
0x12: {  	[tilespmem:s15+$0x0 ss:$0x81] =	vst.msk $0xffff, v1;
	s13 =	sor.u32 $0x400, s13;
	s12 =	sadd.s32 s16, s12  }
0x13: {  	[hbm4b:s12+s13] =	stream.strided.scatter [tilespmem:s14], [sflag:$0x2], $0x2000, s8, s13, $0x20;
	[tilespmem:$0x8080] =	vst v63  }
.LBB1_5:
0x14: {  	s14 =	sadd.s32 $0x1, s9  }
0x15: {  	s12 =	sadd.s32 $0x1000, s10;
	s16 =	smov.u32 s10;
	p2 =	sgt.s32 s14, $0x31  }
0x16: {  	s16 =	smov.u32 @p2 s12  }
0x17: {  	s14 =	simm.s32 @p2 $0x0;
	p2 =	sgt.s32 s16, $0xFFF  }
0x18: {  	s16 =	smov.u32 @p2 s2;
	p2 =	sne.s32 s11, s7  }
.Ltmp1:
0x19: {  	p1 =	slt.u32 s11, $0x2;
	(pc) =	sbr.rel @!p2 .LBB1_6-.Ltmp1, $4  }
0x1a: {  	s15 =	simm.s32 @!p1 $0x2  }
0x1b: {  	s13 =	smov.u32 s10;
	p0 =	por !p0, !p0;
	_ =	swait.ge @!p1 [sflag:s15], $0x2000  }
0x1c: {  	s12 =	smov.u32 s9;
	[sflag:s15] =	ssyncset.done @!p1 $0x0;
	s9 =	smov.u32 s14  }
0x1d: {  	s11 =	sadd.s32 $0x1, s11;
	[sflag:s15] =	ssyncadd.s32 @!p1 $0xFFFFE000;
	s10 =	smov.u32 s16  }
.LBB1_1:
0x1e: {  	p1 =	sge.u32 s11, s5  }
0x1f: {  	s14 =	sand.u32 @!p1 $0x1FFFFFF, s9  }
0x20: {  	s15 =	smulhi.u32 @!p1 $0x4924925, s14;
	_ =	sdelay $0x1  }
0x21: {  	s15 =	smul.u32 @!p1 $0x38, s15  }
0x22: {  	s16 =	sxor.u32 @!p1 $0xFFFFFFFF, s11;
	s17 =	smul.u32 @!p1 $0x380, s10  }
0x23: {  	s31 =	sadd.s32 $0xFFFFFFFF, s11;
	s16 =	sshll.u32 @!p1 s16, $0xD;
	s14 =	ssub.s32 @!p1 s14, s15  }
0x24: {  	s15 =	sand.u32 @!p1 $0x2000, s16;
	s16 =	sadd.s32 @!p1 s6, s17;
	s14 =	sshll.u32 @!p1 s14, $0x4  }
0x25: {  	s17 =	simm.s32 @!p1 $0x1C00;
	s14 =	sadd.s32 @!p1 s14, s16;
	s16 =	simm.s32 @!p1 $0x40  }
0x26: {  	[tilespmem:s15], [sflag:$0x1] =	stream.strided.gather @!p1 [hbm4b:s14+s16], $0x2000, s17, s16, $0x38;
	[tilespmem:$0x8080] =	vst v63  }
0x27: {  	p1 =	sge.u32 s31, s5  }
.Ltmp2:
0x28: {  	_ = 	snop;
	(pc) =	sbr.rel @p1 .LBB1_5-.Ltmp2, $1  }
0x29: {  	_ =	sdelay $0x3  }
0x2a: {  	s14 =	simm.s32 $0x1  }
0x2b: {  	_ =	swait.ge [sflag:s4], $0x2000;
	s14 =	simm.s32 @!p0 $0x0  }
0x2c: {  	[sflag:s4] =	ssyncset.done $0x0;
	s15 =	sshll.u32 s14, $0xD  }
0x2d: {  	[sflag:s4] =	ssyncadd.s32 $0xFFFFE000;
	s18 =	sor.u32 $0x20, s15  }
0x2e: {  	s14 =	smul.u32 $0x8100, s14;
	v3 =	vld [tilespmem:s18+$0x10]  }
0x2f: {  	s30 =	sand.u32 $0x1, s11;
	v2 =	vld [tilespmem:s18+$0xFFFFFFF0]  }
0x30: {  	s15 =	smul.u32 $0x8100, s30;
	s14 =	sshrl.u32 s14, $0x2;
	v0 =	vld [tilespmem:s18+$0x0]  }
0x31: {  	v1 =	vld [tilespmem:s18+$0xFFFFFFE0];
	s16 =	sor.u32 $0x4000, s14  }
0x32: {  	s31 =	sshrl.u32 s15, $0x2;
	s15 =	sadd.s32 $0x0, s16  }
0x33: {  	s17 =	simm.s32 $0x4;
	s18 =	sadd.s32 $0x40, s18;
	s14 =	sor.u32 $0x4000, s31;
	[tilespmem:s15+$0x1830 ss:$0x81] =	vst.msk $0xffff, v3  }
.LBB1_3:
0x34: {  	v3 =	vld [tilespmem:s18+$0x10];
	p1 =	sne.s32 s17, $0x1FC;
	[tilespmem:s15+$0x810 ss:$0x81] =	vst.msk $0xffff, v2;
	s19 =	smov.u32 s17;
	s17 =	sadd.s32 $0x4, s17  }
.Ltmp3:
0x35: {  	v2 =	vld [tilespmem:s18+$0xFFFFFFF0];
	[tilespmem:s15+$0x1020 ss:$0x81] =	vst.msk $0xffff, v0;
	(pc) =	sbr.rel @p1 .LBB1_3-.Ltmp3, $4  }
0x36: {  	v0 =	vld [tilespmem:s18+$0x0];
	[tilespmem:s15+$0x0 ss:$0x81] =	vst.msk $0xffff, v1  }
0x37: {  	s15 =	sshra.s32 s19, $0x2;
	v1 =	vld [tilespmem:s18+$0xFFFFFFE0]  }
0x38: {  	s15 =	sadd.s32 s15, s16  }
0x39: {  	s18 =	sadd.s32 $0x40, s18;
	[tilespmem:s15+$0x1830 ss:$0x81] =	vst.msk $0xffff, v3  }
.Ltmp4:
0x3a: {  	_ = 	snop;
	(pc) =	sbr.rel .LBB1_4-.Ltmp4, $1  }
0x3b: {  	_ =	sdelay $0x3  }
.LBB1_6:
0x3c: {  	_ =	sfence.sel $0x180000  }
0x3d: {  	s2 =	simm.s32 $0x1;
	[bflag:$0x0] =	sbarrier.arrive $0xFFFF  }
0x3e: {  	s31 =	simm.s32 $0x2;
	[sflag:s2] =	ssyncpa.u1 $0x1  }
0x3f: {  	[sflag:s31] =	ssyncpa.u1 $0x1  }
0x40: {  	p0 =	sne.s32 s0, $0x0;
	_ =	strace $0x9000004A  }
0x41: {  	s0 =	sadd.s32 @!p0 $0x100000, s1;
	[bflag:$0x2] =	sbarrier.arrive $0xFFFF  }
0x42: {  	[sflag:s0] =	ssyncadd.tile.s32 @!p0 $0x1;
	_ =	shalt  }
.Lfunc_end1:
_tile_overlayer_lowered:
.L_overlay_start_2:
0x43: {  	(tag) =	ssettag $0x2  }
0x44: {  	s0 =	rddreg [dreg:$0x0];
	s2 =	stileid.u32  }
0x45: {  	s1 =	rddreg [dreg:$0x1];
	p0 =	sne.s32 s2, $0x0  }
0x46: {  	s3 =	rddreg [dreg:$0x2];
	[bflag:$0x3] =	sbarrier.arrive $0xFFFF;
	s2 =	simm.s32 @!p0 $0x1C01  }
0x47: {  	[timem:s3], [sflag:s2] =	dma.local @!p0 [hbm:s0], s1  }
0x48: {  	s0 =	simm.s32 @!p0 $0x1  }
0x49: {  	_ =	swait.ge @!p0 [sflag:s0], s1  }
0x4a: {  	s1 =	ssub.s32 @!p0 $0x0, s1;
	[sflag:s0] =	ssyncset.done @!p0 $0x0  }
0x4b: {  	[sflag:s0] =	ssyncadd.s32 @!p0 s1  }
0x4c: {  	[bflag:$0x3] =	sbarrier.arrive $0xFFFF  }
0x4d: {  	_ =	shalt  }

// kernel: sparse-core-data-format-call.cloned.1.call-start
scs
called_computation_lowered:
.L_overlay_start_0:
0x0: {  	s2 =	sld [smem:$0x3FD9]  }
0x1: {  	s3 =	sld [smem:$0x3FFE];
	_ =	sdelay $0x1  }
0x2: {  	s1 =	srdreg.scid  }
0x3: {  	s0 =	sand.u32 $0x1, s1  }
0x4: {  	s16 =	sshll.u32 s0, $0xA;
	s2 =	sadd.s32 s3, s2  }
0x5: {  	s2 =	sadd.s32 s2, s16  }
0x6: {  	[smem:$0x3FC4] =	sst s2  }
0x7: {  	_ = 	snop  }
0x8: {  	s2 =	sld [smem:$0x3FD0];
	_ =	sdelay $0x2  }
0x9: {  	s17 =	simm.s32 $0xB;
	s4 =	simm.s32 $0x10  }
0xa: {  	[smem:s4], [sflag:s17] =	dma.local [hbm:s2], $0x1  }
0xb: {  	_ =	swait.eq [sflag:s17], $0x1  }
0xc: {  	[sflag:s17] =	ssyncset.done $0x0  }
0xd: {  	[sflag:s17] =	ssyncadd.s32 $0xFFFFFFFF  }
0xe: {  	s18 =	sld [smem:$0x11];
	(tm) =	ssettm $0x1  }
0xf: {  	s19 =	sld [smem:$0x3FFB];
	_ =	sdelay $0x3  }
0x10: {  	_ =	strace s19  }
0x11: {  	s2 =	sld [smem:$0x3FFC];
	_ =	sdelay $0x3  }
0x12: {  	_ =	strace s2  }
0x13: {  	s2 =	sld [smem:$0x3FFD];
	_ =	sdelay $0x3  }
0x14: {  	_ =	strace s2  }
0x15: {  	_ =	strace $0x8FFFFFFF  }
0x16: {  	s20 =	sld [smem:$0x3FDB];
	_ =	sdelay $0x1  }
0x17: {  	s21 =	simm.s32 $_scs_section_size  }
0x18: {  	s5 =	simm.s32 $_size__tile_overlayer_lowered;
	s6 =	simm.s32 $_tile_overlayer_lowered  }
0x19: {  	s7 =	simm.s32 $0x1BFF;
	s22 =	sshll.u32 s6, $0x1;
	s4 =	sadd.s32 s21, s20  }
0x1a: {  	s23 =	simm.s32 $0x0;
	s5 =	sshll.u32 s5, $0x1;
	s6 =	sadd.s32 s22, s4  }
0x1b: {  	[timem:s23], [sflag:s7] =	dma.local [hbm:s6], s5  }
0x1c: {  	_ =	swait.ge [sflag:s7], s5  }
0x1d: {  	s5 =	ssub.s32 $0x0, s5;
	[sflag:s7] =	ssyncset.done $0x0  }
0x1e: {  	[sflag:s7] =	ssyncadd.s32 s5;
	_ =	sdelay $0x1  }
0x1f: {  	s24 =	simm.s32 $0x1B8B  }
0x20: {  	_ =	swait.ge [sflag:s24], $0x1  }
0x21: {  	[sflag:s24] =	ssyncset.done $0x0  }
0x22: {  	[sflag:s24] =	ssyncadd.s32 $0xFFFFFFFF  }
0x23: {  	s5 =	sld [smem:$0x0]  }
0x24: {  	s6 =	sand.u32 $0xFFFFFFFE, s1  }
0x25: {  	p0 =	sne.s32 s1, s6  }
0x26: {  	s6 =	sshll.u32 @p0 s6, $0xE  }
0x27: {  	s6 =	sadd.s32 @p0 $0x11B8D, s6;
	s7 =	sshll.u32 @p0 s5, $0x11  }
0x28: {  	s6 =	sor.u32 @p0 s7, s6  }
0x29: {  	[sflag:s6] =	ssyncadd.remote.s32 @p0 $0x1;
	_ =	sdelay $0x1  }
0x2a: {  	s6 =	simm.s32 @p0 $0x1B8D  }
0x2b: {  	_ =	swait.eq @p0 [sflag:s6], $0x1  }
0x2c: {  	[sflag:s6] =	ssyncadd.s32 @p0 $0xFFFFFFFF  }
0x2d: {  	s7 =	sshll.u32 @!p0 s1, $0xE  }
0x2e: {  	s7 =	sor.u32 @!p0 $0x4000, s7;
	s6 =	simm.s32 @!p0 $0x1B8D  }
0x2f: {  	s5 =	sshll.u32 @!p0 s5, $0x11;
	s7 =	sadd.s32 @!p0 $0x11B8D, s7;
	_ =	swait.eq @!p0 [sflag:s6], $0x1  }
0x30: {  	s5 =	sor.u32 @!p0 s5, s7;
	[sflag:s6] =	ssyncadd.s32 @!p0 $0xFFFFFFFF  }
0x31: {  	s26 =	simm.s32 $0x1B8E;
	s25 =	sld [smem:$0x3FFE];
	[sflag:s5] =	ssyncadd.remote.s32 @!p0 $0x1  }
0x32: {  	s27 =	simm.s32 $execute0_lowered;
	[smem:$0x3FD2] =	sst s26  }
0x33: {  	s6 =	sshll.u32 s27, $0x1;
	_ =	strace $0x8000004C;
	[dreg:$0x1] =	wrdreg $0xFFFFFFFF  }
0x34: {  	s28 =	simm.s32 $_size_execute0_lowered;
	s4 =	sadd.s32 s4, s6;
	[dreg:$0x0] =	wrdreg $0x0  }
0x35: {  	s6 =	sshll.u32 s28, $0x1;
	[dreg:$0x2] =	wrdreg s4  }
0x36: {  	[dreg:$0x3] =	wrdreg s6  }
0x37: {  	[dreg:$0x4] =	wrdreg $0xC0  }
0x38: {  	_ =	task [dreg:s23], $0x5FFFF  }
0x39: {  	[dreg:$0x1] =	wrdreg $0xFFFFFFFF  }
0x3a: {  	[dreg:$0x0] =	wrdreg $0x60  }
0x3b: {  	[dreg:$0x2] =	wrdreg s25  }
0x3c: {  	[dreg:$0x3] =	wrdreg s18  }
0x3d: {  	[dreg:$0x4] =	wrdreg $0x9  }
0x3e: {  	_ =	task.clear_ibuf [dreg:s23], $0x5FFFF;
	_ =	strace $0x9000004C  }
0x3f: {  	s29 =	simm.s32 $0x9;
	_ =	strace $0x8000004E  }
0x40: {  	_ =	swait.ge [sflag:s29], $0x1  }
0x41: {  	[sflag:s29] =	ssyncadd.s32 $0xFFFFFFFF  }
0x42: {  	_ =	strace $0x9000004E  }
0x43: {  	_ =	sfence  }
0x44: {  	s30 =	sld [smem:$0x0];
	_ =	sdelay $0x2  }
0x45: {  	s31 =	sshll.u32 s1, $0xD;
	s1 =	sshrl.u32 s1, $0x2  }
0x46: {  	s4 =	sand.u32 $0x4000, s31;
	s1 =	sadd.s32 s1, s30  }
0x47: {  	s0 =	sor.u32 s4, s0;
	s1 =	sshll.u32 s1, $0x11  }
0x48: {  	s0 =	sor.u32 s1, s0  }
0x49: {  	s0 =	sadd.s32 $0x8F2B, s0  }
0x4a: {  	[sflag:s0] =	ssyncadd.remote.s32 $0x1  }
0x4b: {  	_ =	sfence.sel $0xFFFF  }
0x4c: {  	[dreg:$0x0] =	wrdreg $0xFFFFFFFF;
	(pc) =	sbr.abs _section_cstart, $3  }
0x4d: {  	[dreg:$0x1] =	wrdreg $0xFFFFFFFF  }
0x4e: {  	_ =	task.clear_ibuf [dreg:s23], $0x2FFFF;
	_ =	strace $0x9FFFFFFF  }
0x4f: {  	(tm) =	ssettm $0x7FFFFFFF  }
tec
execute0_lowered:
.L_overlay_start_1:
0x0: {  	(tag) =	ssettag $0x1  }
0x1: {  	s0 =	srdreg.scid  }
0x2: {  	s1 =	sshll.u32 s0, $0x4  }
0x3: {  	s0 =	stileid.u32;
	s1 =	sand.u32 $0x10, s1  }
0x4: {  	s1 =	sor.u32 s0, s1  }
0x5: {  	s6 =	rddreg [dreg:$0x0];
	s4 =	simm.s32 $0x1;
	s2 =	sshll.u32 s1, $0x7  }
0x6: {  	s7 =	simm.s32 $0x2;
	s12 =	simm.s32 $0x0;
	s1 =	ssub.s32 $0x1000, s2  }
0x7: {  	s8 =	simm.s32 $0x8000;
	s13 =	simm.s32 $0x0;
	s3 =	sand.u32 $0xF80, s1  }
0x8: {  	s9 =	simm.s32 $0x0;
	s5 =	sshrl.u32 s1, $0xC;
	p0 =	sne.s32 s3, $0x0  }
.Ltmp0:
0x9: {  	s1 =	rddreg [dreg:$0x2];
	s4 =	simm.s32 @!p0 $0x0;
	(pc) =	sbr.rel .LBB1_1-.Ltmp0, $4  }
0xa: {  	s11 =	simm.s32 $0x0;
	s3 =	rddreg [dreg:$0x1];
	s5 =	sadd.s32 s4, s5  }
0xb: {  	_ =	strace $0x8000004D;
	s4 =	simm.s32 $0x1;
	s5 =	smul.u32 $0x32, s5  }
0xc: {  	s6 =	sadd.s32 $0x381400, s6;
	s10 =	smov.u32 s2;
	[sflag:s4] =	ssyncpa.u1 $0x0  }
0xd: {  	p0 =	por $0x0, $0x0;
	[sflag:s7] =	ssyncpa.u1 $0x0;
	s7 =	sor.u32 $0x1, s5  }
.LBB1_4:
0xe: {  	s16 =	sshll.u32 s13, $0x3;
	s17 =	sand.u32 $0x78, s13  }
0xf: {  	s30 =	sand.u32 $0x7E00, s13;
	s12 =	sshll.u32 s12, $0xF;
	s16 =	sand.u32 $0xC00, s16  }
0x10: {  	[tilespmem:s15+$0x810 ss:$0x81] =	vst.msk $0xffff, v2;
	s31 =	sand.u32 $0x7, s13;
	s16 =	sor.u32 s17, s16;
	s17 =	sadd.s32 s3, s30  }
0x11: {  	[tilespmem:s15+$0x1020 ss:$0x81] =	vst.msk $0xffff, v0;
	s13 =	sshll.u32 s31, $0x12;
	s12 =	sadd.s32 s12, s17;
	s16 =	sshrl.u32 s16, $0x3  }
0x12: {  	[tilespmem:s15+$0x0 ss:$0x81] =	vst.msk $0xffff, v1;
	s13 =	sor.u32 $0x400, s13;
	s12 =	sadd.s32 s16, s12  }
0x13: {  	[hbm4b:s12+s13] =	stream.strided.scatter [tilespmem:s14], [sflag:$0x2], $0x2000, s8, s13, $0x20;
	[tilespmem:$0x8080] =	vst v63  }
.LBB1_5:
0x14: {  	s14 =	sadd.s32 $0x1, s9  }
0x15: {  	s12 =	sadd.s32 $0x1000, s10;
	s16 =	smov.u32 s10;
	p2 =	sgt.s32 s14, $0x31  }
0x16: {  	s16 =	smov.u32 @p2 s12  }
0x17: {  	s14 =	simm.s32 @p2 $0x0;
	p2 =	sgt.s32 s16, $0xFFF  }
0x18: {  	s16 =	smov.u32 @p2 s2;
	p2 =	sne.s32 s11, s7  }
.Ltmp1:
0x19: {  	p1 =	slt.u32 s11, $0x2;
	(pc) =	sbr.rel @!p2 .LBB1_6-.Ltmp1, $4  }
0x1a: {  	s15 =	simm.s32 @!p1 $0x2  }
0x1b: {  	s13 =	smov.u32 s10;
	p0 =	por !p0, !p0;
	_ =	swait.ge @!p1 [sflag:s15], $0x2000  }
0x1c: {  	s12 =	smov.u32 s9;
	[sflag:s15] =	ssyncset.done @!p1 $0x0;
	s9 =	smov.u32 s14  }
0x1d: {  	s11 =	sadd.s32 $0x1, s11;
	[sflag:s15] =	ssyncadd.s32 @!p1 $0xFFFFE000;
	s10 =	smov.u32 s16  }
.LBB1_1:
0x1e: {  	p1 =	sge.u32 s11, s5  }
0x1f: {  	s14 =	sand.u32 @!p1 $0x1FFFFFF, s9  }
0x20: {  	s15 =	smulhi.u32 @!p1 $0x4924925, s14;
	_ =	sdelay $0x1  }
0x21: {  	s15 =	smul.u32 @!p1 $0x38, s15  }
0x22: {  	s16 =	sxor.u32 @!p1 $0xFFFFFFFF, s11;
	s17 =	smul.u32 @!p1 $0x380, s10  }
0x23: {  	s31 =	sadd.s32 $0xFFFFFFFF, s11;
	s16 =	sshll.u32 @!p1 s16, $0xD;
	s14 =	ssub.s32 @!p1 s14, s15  }
0x24: {  	s15 =	sand.u32 @!p1 $0x2000, s16;
	s16 =	sadd.s32 @!p1 s6, s17;
	s14 =	sshll.u32 @!p1 s14, $0x4  }
0x25: {  	s17 =	simm.s32 @!p1 $0x1C00;
	s14 =	sadd.s32 @!p1 s14, s16;
	s16 =	simm.s32 @!p1 $0x40  }
0x26: {  	[tilespmem:s15], [sflag:$0x1] =	stream.strided.gather @!p1 [hbm4b:s14+s16], $0x2000, s17, s16, $0x38;
	[tilespmem:$0x8080] =	vst v63  }
0x27: {  	p1 =	sge.u32 s31, s5  }
.Ltmp2:
0x28: {  	_ = 	snop;
	(pc) =	sbr.rel @p1 .LBB1_5-.Ltmp2, $1  }
0x29: {  	_ =	sdelay $0x3  }
0x2a: {  	s14 =	simm.s32 $0x1  }
0x2b: {  	_ =	swait.ge [sflag:s4], $0x2000;
	s14 =	simm.s32 @!p0 $0x0  }
0x2c: {  	[sflag:s4] =	ssyncset.done $0x0;
	s15 =	sshll.u32 s14, $0xD  }
0x2d: {  	[sflag:s4] =	ssyncadd.s32 $0xFFFFE000;
	s18 =	sor.u32 $0x20, s15  }
0x2e: {  	s14 =	smul.u32 $0x8100, s14;
	v3 =	vld [tilespmem:s18+$0x10]  }
0x2f: {  	s30 =	sand.u32 $0x1, s11;
	v2 =	vld [tilespmem:s18+$0xFFFFFFF0]  }
0x30: {  	s15 =	smul.u32 $0x8100, s30;
	s14 =	sshrl.u32 s14, $0x2;
	v0 =	vld [tilespmem:s18+$0x0]  }
0x31: {  	v1 =	vld [tilespmem:s18+$0xFFFFFFE0];
	s16 =	sor.u32 $0x4000, s14  }
0x32: {  	s31 =	sshrl.u32 s15, $0x2;
	s15 =	sadd.s32 $0x0, s16  }
0x33: {  	s17 =	simm.s32 $0x4;
	s18 =	sadd.s32 $0x40, s18;
	s14 =	sor.u32 $0x4000, s31;
	[tilespmem:s15+$0x1830 ss:$0x81] =	vst.msk $0xffff, v3  }
.LBB1_3:
0x34: {  	v3 =	vld [tilespmem:s18+$0x10];
	p1 =	sne.s32 s17, $0x1FC;
	[tilespmem:s15+$0x810 ss:$0x81] =	vst.msk $0xffff, v2;
	s19 =	smov.u32 s17;
	s17 =	sadd.s32 $0x4, s17  }
.Ltmp3:
0x35: {  	v2 =	vld [tilespmem:s18+$0xFFFFFFF0];
	[tilespmem:s15+$0x1020 ss:$0x81] =	vst.msk $0xffff, v0;
	(pc) =	sbr.rel @p1 .LBB1_3-.Ltmp3, $4  }
0x36: {  	v0 =	vld [tilespmem:s18+$0x0];
	[tilespmem:s15+$0x0 ss:$0x81] =	vst.msk $0xffff, v1  }
0x37: {  	s15 =	sshra.s32 s19, $0x2;
	v1 =	vld [tilespmem:s18+$0xFFFFFFE0]  }
0x38: {  	s15 =	sadd.s32 s15, s16  }
0x39: {  	s18 =	sadd.s32 $0x40, s18;
	[tilespmem:s15+$0x1830 ss:$0x81] =	vst.msk $0xffff, v3  }
.Ltmp4:
0x3a: {  	_ = 	snop;
	(pc) =	sbr.rel .LBB1_4-.Ltmp4, $1  }
0x3b: {  	_ =	sdelay $0x3  }
.LBB1_6:
0x3c: {  	_ =	sfence.sel $0x180000  }
0x3d: {  	s2 =	simm.s32 $0x1;
	[bflag:$0x0] =	sbarrier.arrive $0xFFFF  }
0x3e: {  	s31 =	simm.s32 $0x2;
	[sflag:s2] =	ssyncpa.u1 $0x1  }
0x3f: {  	[sflag:s31] =	ssyncpa.u1 $0x1  }
0x40: {  	p0 =	sne.s32 s0, $0x0;
	_ =	strace $0x9000004D  }
0x41: {  	s0 =	sadd.s32 @!p0 $0x100000, s1;
	[bflag:$0x2] =	sbarrier.arrive $0xFFFF  }
0x42: {  	[sflag:s0] =	ssyncadd.tile.s32 @!p0 $0x1;
	_ =	shalt  }
.Lfunc_end1:
_tile_overlayer_lowered:
.L_overlay_start_2:
0x43: {  	(tag) =	ssettag $0x2  }
0x44: {  	s0 =	rddreg [dreg:$0x0];
	s2 =	stileid.u32  }
0x45: {  	s1 =	rddreg [dreg:$0x1];
	p0 =	sne.s32 s2, $0x0  }
0x46: {  	s3 =	rddreg [dreg:$0x2];
	[bflag:$0x3] =	sbarrier.arrive $0xFFFF;
	s2 =	simm.s32 @!p0 $0x1C01  }
0x47: {  	[timem:s3], [sflag:s2] =	dma.local @!p0 [hbm:s0], s1  }
0x48: {  	s0 =	simm.s32 @!p0 $0x1  }
0x49: {  	_ =	swait.ge @!p0 [sflag:s0], s1  }
0x4a: {  	s1 =	ssub.s32 @!p0 $0x0, s1;
	[sflag:s0] =	ssyncset.done @!p0 $0x0  }
0x4b: {  	[sflag:s0] =	ssyncadd.s32 @!p0 s1  }
0x4c: {  	[bflag:$0x3] =	sbarrier.arrive $0xFFFF  }
0x4d: {  	_ =	shalt  }

</sc_bundles>
